<compile_context>
chip_gen: v7x
topology: tpu7x:2x2x1
jax: 0.10.2.dev20260603
libtpu: 0.0.44.dev20260713+nightly
codegen_flags: <defaults>
</compile_context>

<pallas_src>
import functools

import jax
import jax.numpy as jnp
from jax import lax
from jax.experimental import pallas as pl
from jax.experimental.pallas import tpu as pltpu
from jax.experimental.pallas import tpu_sc as plsc

NUM_EMB = 1_000_000
OUT_DIM = 32
BATCH = 16384
QD = 4
SD = 8
WIN = 16

_info = plsc.get_sparse_core_info()
_NC, _NS, _NL = _info.num_cores, _info.num_subcores, _info.num_lanes
_NW = _NC * _NS
_B_PER_W = BATCH // _NW
_SLAB = 128
_N_SLAB = _B_PER_W // _SLAB
_NG = _SLAB // _NL


_mesh = plsc.VectorSubcoreMesh(core_axis_name="c", subcore_axis_name="s")


@functools.partial(
    pl.kernel,
    mesh=_mesh,
    out_type=jax.ShapeDtypeStruct((QD, SD, BATCH), jnp.float32),
    scratch_types=[
        pltpu.VMEM((_B_PER_W + _NL,), jnp.int32),
        pltpu.VMEM((QD, SD, _SLAB * WIN), jnp.float32),
        pltpu.VMEM((QD, SD, _SLAB), jnp.float32),
        pltpu.SemaphoreType.DMA,
    ],
    compiler_params=pltpu.CompilerParams(
        needs_layout_passes=False,
        disable_bounds_checks=True,
        disable_semaphore_checks=True,
    ),
)
def _gather_kernel(idx_hbm, table_hbm, out_hbm, idx_v, win_v, sel_v, sem):
    wid = lax.axis_index("s") * _NC + lax.axis_index("c")
    base = wid * _B_PER_W
    pltpu.sync_copy(idx_hbm.at[pl.ds(base, _B_PER_W)], idx_v.at[pl.ds(0, _B_PER_W)])

    def fire_group(goff):
        @pl.loop(0, _NL)
        def _fire(j):
            p = goff + j
            r = idx_v[pl.ds(p, _NL)][0]
            a128 = pl.multiple_of(r & ~127, 128)
            sub = lax.shift_right_logical(r, 4) & 7
            pw = (p % _SLAB) * WIN

            def leaf(k):
                pltpu.async_copy(
                    table_hbm.at[:, :, pl.ds(a128, 128)].at[
                        :, :, pl.ds(k * WIN, WIN)
                    ],
                    win_v.at[:, :, pl.ds(pw, WIN)],
                    sem,
                )

            @pl.when(sub < 4)
            def _lo():
                @pl.when(sub < 2)
                def _a():
                    @pl.when(sub == 0)
                    def _k0():
                        leaf(0)

                    @pl.when(sub == 1)
                    def _k1():
                        leaf(1)

                @pl.when(sub >= 2)
                def _b():
                    @pl.when(sub == 2)
                    def _k2():
                        leaf(2)

                    @pl.when(sub == 3)
                    def _k3():
                        leaf(3)

            @pl.when(sub >= 4)
            def _hi():
                @pl.when(sub < 6)
                def _c():
                    @pl.when(sub == 4)
                    def _k4():
                        leaf(4)

                    @pl.when(sub == 5)
                    def _k5():
                        leaf(5)

                @pl.when(sub >= 6)
                def _d():
                    @pl.when(sub == 6)
                    def _k6():
                        leaf(6)

                    @pl.when(sub == 7)
                    def _k7():
                        leaf(7)

    def drain_group():
        for _ in range(_NL):
            pltpu.make_async_copy(
                table_hbm.at[:, :, pl.ds(0, WIN)],
                win_v.at[:, :, pl.ds(0, WIN)],
                sem,
            ).wait()

    def select_group(off, g):
        gpos = off + g * _NL
        idx_vec = idx_v[pl.ds(gpos, _NL)]
        j_vec = jnp.arange(_NL, dtype=jnp.int32) + g * _NL
        col_vec = j_vec * WIN + (idx_vec & (WIN - 1))
        for q in range(QD):
            q_vec = jnp.full((_NL,), q, dtype=jnp.int32)
            for s in range(SD):
                s_vec = jnp.full((_NL,), s, dtype=jnp.int32)
                vals = plsc.load_gather(win_v, [q_vec, s_vec, col_vec])
                plsc.store_scatter(sel_v, [q_vec, s_vec, j_vec], vals)

    @pl.loop(0, _N_SLAB)
    def _slab(w):
        off = w * _SLAB
        fire_group(off)

        @pl.loop(0, _NG)
        def _grp(g):
            @pl.when(g < _NG - 1)
            def _next():
                fire_group(off + (g + 1) * _NL)

            drain_group()
            select_group(off, g)

        pltpu.sync_copy(sel_v, out_hbm.at[:, :, pl.ds(base + off, _SLAB)])


def kernel(x, table):
    idx = x.reshape(BATCH).astype(jnp.int32)
    table3 = table.T.reshape(QD, SD, NUM_EMB)
    out3 = _gather_kernel(idx, table3)
    return out3.reshape(OUT_DIM, BATCH).T

# --- scband reference (transcript-rebuilt; emitter-appended) ---
"""Pipeline reference for scband-name-embedder-36644660969706 (READ-ONLY COPY).

The authoritative reference and input builder live on the scoring server;
editing this copy changes nothing except your own understanding.
"""

import jax, jax.numpy as jnp
import numpy as np

NUM_EMBEDDINGS = 1000000
OUT_DIM = 32
BATCH = 16384

def setup_inputs(seed: int = 0) -> dict:
    key = jax.random.key(seed)
    k_idx, k_tab = jax.random.split(key)
    x = jax.random.randint(k_idx, (BATCH, 1), 0, NUM_EMBEDDINGS, dtype=jnp.int64 if jax.config.read('jax_enable_x64') else jnp.int32)
    table = jax.random.normal(k_tab, (NUM_EMBEDDINGS, OUT_DIM), dtype=jnp.float32)
    return {"x": x, "table": table}

def reference(x, table):
    # nn.Embedding lookup: table[x] -> [B, 1, out_dim]; squeeze(1) -> [B, out_dim]
    emb = jnp.take(table, x, axis=0)
    return jnp.squeeze(emb, axis=1)

if __name__ == "__main__":
    import jax
    _d = setup_inputs()
    print(jax.jit(kernel)(*tuple(_d.values())))

</pallas_src>

<mosaic_0001>
#map = affine_map<(d0, d1) -> (0)>
#map1 = affine_map<(d0, d1) -> (0, 0, 0)>
module attributes {stable_mosaic.version = 14 : i64} {
  func.func @_gather_kernel(%arg0: i32, %arg1: i32, %arg2: memref<16384xi32, #tpu.memory_space<hbm>>, %arg3: memref<4x8x1000000xf32, #tpu.memory_space<hbm>>, %arg4: memref<4x8x16384xf32, #tpu.memory_space<hbm>>, %arg5: memref<528xi32, #tpu.memory_space<vmem>>, %arg6: memref<4x8x2048xf32, #tpu.memory_space<vmem>>, %arg7: memref<4x8x128xf32, #tpu.memory_space<vmem>>, %arg8: memref<!tpu.dma_semaphore, #tpu.memory_space<semaphore_mem>>) attributes {dimension_semantics = [#tpu.dimension_semantics<core_parallel>, #tpu.dimension_semantics<subcore_parallel>], iteration_bounds = array<i64: 2, 16>, scalar_prefetch = 0 : i64, scratch_operands = 4 : i64, tpu.core_type = #tpu.core_type<sc_vector_subcore>, window_params = [{transform_indices = #map}, {transform_indices = #map1}, {transform_indices = #map1}]} {
    %mul3A = arith.constant 2 : i32
    %mul3A_0 = arith.muli %arg1, %mul3A : i32
    %add3A = arith.addi %mul3A_0, %arg0 : i32
    %mul3A_1 = arith.constant 512 : i32
    %mul3A_2 = arith.muli %add3A, %mul3A_1 : i32
    "tpu.region"() ({
      %run_scoped3A = tpu.sem_alloc : memref<!tpu.dma_semaphore, #tpu.memory_space<semaphore_mem>>
      %dma_start3A = arith.constant 0 : i32
      %dma_start3A_7 = tpu.memref_slice %arg5[%dma_start3A] : memref<528xi32, #tpu.memory_space<vmem>> -> memref<512xi32, #tpu.memory_space<vmem>>
      %dma_start3A_8 = tpu.memref_slice %arg2[%mul3A_2] : memref<16384xi32, #tpu.memory_space<hbm>> -> memref<512xi32, #tpu.memory_space<hbm>>
      %dma_start3A_9 = arith.constant 0 : i32
      %dma_start3A_10 = tpu.memref_slice %arg5[%dma_start3A_9] : memref<528xi32, #tpu.memory_space<vmem>> -> memref<512xi32, #tpu.memory_space<vmem>>
      %dma_start3A_11 = tpu.memref_slice %arg2[%mul3A_2] : memref<16384xi32, #tpu.memory_space<hbm>> -> memref<512xi32, #tpu.memory_space<hbm>>
      tpu.enqueue_dma source(%dma_start3A_11 : memref<512xi32, #tpu.memory_space<hbm>>) target(%dma_start3A_10 : memref<512xi32, #tpu.memory_space<vmem>>) target_semaphore(%run_scoped3A : memref<!tpu.dma_semaphore, #tpu.memory_space<semaphore_mem>>)
      %dma_wait3A = arith.constant 0 : i32
      %dma_wait3A_12 = tpu.memref_slice %arg5[%dma_wait3A] : memref<528xi32, #tpu.memory_space<vmem>> -> memref<512xi32, #tpu.memory_space<vmem>>
      %dma_wait3A_13 = tpu.memref_slice %arg2[%mul3A_2] : memref<16384xi32, #tpu.memory_space<hbm>> -> memref<512xi32, #tpu.memory_space<hbm>>
      %dma_wait3A_14 = arith.constant 0 : i32
      %dma_wait3A_15 = tpu.memref_slice %arg5[%dma_wait3A_14] : memref<528xi32, #tpu.memory_space<vmem>> -> memref<512xi32, #tpu.memory_space<vmem>>
      %dma_wait3A_16 = tpu.memref_slice %arg2[%mul3A_2] : memref<16384xi32, #tpu.memory_space<hbm>> -> memref<512xi32, #tpu.memory_space<hbm>>
      tpu.wait_dma2 semaphore(%run_scoped3A : memref<!tpu.dma_semaphore, #tpu.memory_space<semaphore_mem>>) src(%dma_wait3A_16 : memref<512xi32, #tpu.memory_space<hbm>>) dst(%dma_wait3A_15 : memref<512xi32, #tpu.memory_space<vmem>>)
      tpu.yield
    }) : () -> ()
    %scan3A = arith.constant 0 : i32
    %scan3A_3 = arith.constant 4 : i32
    %scan3A_4 = arith.addi %scan3A, %scan3A_3 : i32
    %scan3A_5 = arith.constant 1 : i32
    scf.for %scan3A_7 = %scan3A to %scan3A_4 step %scan3A_5  : i32 {
      %mul3A_8 = arith.constant 1 : i32
      %mul3A_9 = arith.muli %scan3A_7, %mul3A_8 : i32
      %add3A_10 = arith.constant 0 : i32
      %add3A_11 = arith.addi %add3A_10, %mul3A_9 : i32
      %mul3A_12 = arith.constant 128 : i32
      %mul3A_13 = arith.muli %add3A_11, %mul3A_12 : i32
      %scan3A_14 = arith.constant 0 : i32
      %scan3A_15 = arith.constant 16 : i32
      %scan3A_16 = arith.addi %scan3A_14, %scan3A_15 : i32
      %scan3A_17 = arith.constant 1 : i32
      scf.for %scan3A_25 = %scan3A_14 to %scan3A_16 step %scan3A_17  : i32 {
        %mul3A_26 = arith.constant 1 : i32
        %mul3A_27 = arith.muli %scan3A_25, %mul3A_26 : i32
        %add3A_28 = arith.constant 0 : i32
        %add3A_29 = arith.addi %add3A_28, %mul3A_27 : i32
        %add3A_30 = arith.addi %mul3A_13, %add3A_29 : i32
        %get3A = arith.index_cast %add3A_30 : i32 to index
        %get3A_31 = tpu.vector_load %arg5[%get3A] {strides = array<i32>} : memref<528xi32, #tpu.memory_space<vmem>>, vector<16xi32>,
        %slice3A = vector.extract_strided_slice %get3A_31 {offsets = [0], sizes = [1], strides = [1]} : vector<16xi32> to vector<1xi32>
        %squeeze3A = vector.extract %slice3A[0] : i32 from vector<1xi32>
        %and3A = arith.constant -128 : i32
        %and3A_32 = arith.andi %squeeze3A, %and3A : i32
        %multiple_of3A = tpu.assume_multiple %and3A_32, 128 : i32
        %shift_right_logical3A = arith.constant 4 : i32
        %shift_right_logical3A_33 = arith.shrui %squeeze3A, %shift_right_logical3A : i32
        %and3A_34 = arith.constant 7 : i32
        %and3A_35 = arith.andi %shift_right_logical3A_33, %and3A_34 : i32
        %jit3A = arith.constant 128 : i32
        %eq3A = arith.constant 0 : i32
        %eq3A_36 = arith.cmpi eq, %jit3A, %eq3A : i32
        %jit3A_37 = arith.constant 1 : i32
        %select_n3A = arith.select %eq3A_36, %jit3A_37, %jit3A : i32
        %rem3A = arith.remsi %add3A_30, %select_n3A : i32
        %ne3A = arith.constant 0 : i32
        %ne3A_38 = arith.cmpi ne, %rem3A, %ne3A : i32
        %lt3A = arith.constant 0 : i32
        %lt3A_39 = arith.cmpi slt, %rem3A, %lt3A : i32
        %lt3A_40 = arith.constant 0 : i32
        %lt3A_41 = arith.cmpi slt, %select_n3A, %lt3A_40 : i32
        %ne3A_42 = arith.xori %lt3A_39, %lt3A_41 : i1
        %and3A_43 = arith.andi %ne3A_42, %ne3A_38 : i1
        %add3A_44 = arith.addi %rem3A, %select_n3A : i32
        %select_n3A_45 = arith.select %and3A_43, %add3A_44, %rem3A : i32
        %mul3A_46 = arith.constant 16 : i32
        %mul3A_47 = arith.muli %select_n3A_45, %mul3A_46 : i32
        %lt3A_48 = arith.constant 4 : i32
        %lt3A_49 = arith.cmpi slt, %and3A_35, %lt3A_48 : i32
        %convert_element_type3A = arith.extui %lt3A_49 : i1 to i32
        %cond3A = arith.constant 0 : i32
        %cond3A_50 = arith.cmpi ne, %convert_element_type3A, %cond3A : i32
        scf.if %cond3A_50 {
          %lt3A_55 = arith.constant 2 : i32
          %lt3A_56 = arith.cmpi slt, %and3A_35, %lt3A_55 : i32
          %convert_element_type3A_57 = arith.extui %lt3A_56 : i1 to i32
          %cond3A_58 = arith.constant 0 : i32
          %cond3A_59 = arith.cmpi ne, %convert_element_type3A_57, %cond3A_58 : i32
          scf.if %cond3A_59 {
            %eq3A_65 = arith.constant 0 : i32
            %eq3A_66 = arith.cmpi eq, %and3A_35, %eq3A_65 : i32
            %convert_element_type3A_67 = arith.extui %eq3A_66 : i1 to i32
            %cond3A_68 = arith.constant 0 : i32
            %cond3A_69 = arith.cmpi ne, %convert_element_type3A_67, %cond3A_68 : i32
            scf.if %cond3A_69 {
              %dma_start3A = arith.constant 0 : i32
              %dma_start3A_75 = arith.constant 0 : i32
              %dma_start3A_76 = tpu.memref_slice %arg6[%dma_start3A, %dma_start3A_75, %mul3A_47] : memref<4x8x2048xf32, #tpu.memory_space<vmem>> -> memref<4x8x16xf32, #tpu.memory_space<vmem>>
              %dma_start3A_77 = arith.constant 0 : i32
              %dma_start3A_78 = arith.constant 0 : i32
              %dma_start3A_79 = tpu.memref_slice %arg3[%dma_start3A_77, %dma_start3A_78, %multiple_of3A] : memref<4x8x1000000xf32, #tpu.memory_space<hbm>> -> memref<4x8x128xf32, #tpu.memory_space<hbm>>
              %dma_start3A_80 = arith.constant 0 : i32
              %dma_start3A_81 = arith.constant 0 : i32
              %dma_start3A_82 = arith.constant 0 : i32
              %dma_start3A_83 = tpu.memref_slice %dma_start3A_79[%dma_start3A_80, %dma_start3A_81, %dma_start3A_82] : memref<4x8x128xf32, #tpu.memory_space<hbm>> -> memref<4x8x16xf32, #tpu.memory_space<hbm>>
              %dma_start3A_84 = arith.constant 0 : i32
              %dma_start3A_85 = arith.constant 0 : i32
              %dma_start3A_86 = tpu.memref_slice %arg6[%dma_start3A_84, %dma_start3A_85, %mul3A_47] : memref<4x8x2048xf32, #tpu.memory_space<vmem>> -> memref<4x8x16xf32, #tpu.memory_space<vmem>>
              %dma_start3A_87 = arith.constant 0 : i32
              %dma_start3A_88 = arith.constant 0 : i32
              %dma_start3A_89 = tpu.memref_slice %arg3[%dma_start3A_87, %dma_start3A_88, %multiple_of3A] : memref<4x8x1000000xf32, #tpu.memory_space<hbm>> -> memref<4x8x128xf32, #tpu.memory_space<hbm>>
              %dma_start3A_90 = arith.constant 0 : i32
              %dma_start3A_91 = arith.constant 0 : i32
              %dma_start3A_92 = arith.constant 0 : i32
              %dma_start3A_93 = tpu.memref_slice %dma_start3A_89[%dma_start3A_90, %dma_start3A_91, %dma_start3A_92] : memref<4x8x128xf32, #tpu.memory_space<hbm>> -> memref<4x8x16xf32, #tpu.memory_space<hbm>>
              tpu.enqueue_dma source(%dma_start3A_93 : memref<4x8x16xf32, #tpu.memory_space<hbm>>) target(%dma_start3A_86 : memref<4x8x16xf32, #tpu.memory_space<vmem>>) target_semaphore(%arg8 : memref<!tpu.dma_semaphore, #tpu.memory_space<semaphore_mem>>)
            } else {
            }
            %eq3A_70 = arith.constant 1 : i32
            %eq3A_71 = arith.cmpi eq, %and3A_35, %eq3A_70 : i32
            %convert_element_type3A_72 = arith.extui %eq3A_71 : i1 to i32
            %cond3A_73 = arith.constant 0 : i32
            %cond3A_74 = arith.cmpi ne, %convert_element_type3A_72, %cond3A_73 : i32
            scf.if %cond3A_74 {
              %dma_start3A = arith.constant 0 : i32
              %dma_start3A_75 = arith.constant 0 : i32
              %dma_start3A_76 = tpu.memref_slice %arg6[%dma_start3A, %dma_start3A_75, %mul3A_47] : memref<4x8x2048xf32, #tpu.memory_space<vmem>> -> memref<4x8x16xf32, #tpu.memory_space<vmem>>
              %dma_start3A_77 = arith.constant 0 : i32
              %dma_start3A_78 = arith.constant 0 : i32
              %dma_start3A_79 = tpu.memref_slice %arg3[%dma_start3A_77, %dma_start3A_78, %multiple_of3A] : memref<4x8x1000000xf32, #tpu.memory_space<hbm>> -> memref<4x8x128xf32, #tpu.memory_space<hbm>>
              %dma_start3A_80 = arith.constant 0 : i32
              %dma_start3A_81 = arith.constant 0 : i32
              %dma_start3A_82 = arith.constant 16 : i32
              %dma_start3A_83 = tpu.memref_slice %dma_start3A_79[%dma_start3A_80, %dma_start3A_81, %dma_start3A_82] : memref<4x8x128xf32, #tpu.memory_space<hbm>> -> memref<4x8x16xf32, #tpu.memory_space<hbm>>
              %dma_start3A_84 = arith.constant 0 : i32
              %dma_start3A_85 = arith.constant 0 : i32
              %dma_start3A_86 = tpu.memref_slice %arg6[%dma_start3A_84, %dma_start3A_85, %mul3A_47] : memref<4x8x2048xf32, #tpu.memory_space<vmem>> -> memref<4x8x16xf32, #tpu.memory_space<vmem>>
              %dma_start3A_87 = arith.constant 0 : i32
              %dma_start3A_88 = arith.constant 0 : i32
              %dma_start3A_89 = tpu.memref_slice %arg3[%dma_start3A_87, %dma_start3A_88, %multiple_of3A] : memref<4x8x1000000xf32, #tpu.memory_space<hbm>> -> memref<4x8x128xf32, #tpu.memory_space<hbm>>
              %dma_start3A_90 = arith.constant 0 : i32
              %dma_start3A_91 = arith.constant 0 : i32
              %dma_start3A_92 = arith.constant 16 : i32
              %dma_start3A_93 = tpu.memref_slice %dma_start3A_89[%dma_start3A_90, %dma_start3A_91, %dma_start3A_92] : memref<4x8x128xf32, #tpu.memory_space<hbm>> -> memref<4x8x16xf32, #tpu.memory_space<hbm>>
              tpu.enqueue_dma source(%dma_start3A_93 : memref<4x8x16xf32, #tpu.memory_space<hbm>>) target(%dma_start3A_86 : memref<4x8x16xf32, #tpu.memory_space<vmem>>) target_semaphore(%arg8 : memref<!tpu.dma_semaphore, #tpu.memory_space<semaphore_mem>>)
            } else {
            }
          } else {
          }
          %ge3A_60 = arith.constant 2 : i32
          %ge3A_61 = arith.cmpi sge, %and3A_35, %ge3A_60 : i32
          %convert_element_type3A_62 = arith.extui %ge3A_61 : i1 to i32
          %cond3A_63 = arith.constant 0 : i32
          %cond3A_64 = arith.cmpi ne, %convert_element_type3A_62, %cond3A_63 : i32
          scf.if %cond3A_64 {
            %eq3A_65 = arith.constant 2 : i32
            %eq3A_66 = arith.cmpi eq, %and3A_35, %eq3A_65 : i32
            %convert_element_type3A_67 = arith.extui %eq3A_66 : i1 to i32
            %cond3A_68 = arith.constant 0 : i32
            %cond3A_69 = arith.cmpi ne, %convert_element_type3A_67, %cond3A_68 : i32
            scf.if %cond3A_69 {
              %dma_start3A = arith.constant 0 : i32
              %dma_start3A_75 = arith.constant 0 : i32
              %dma_start3A_76 = tpu.memref_slice %arg6[%dma_start3A, %dma_start3A_75, %mul3A_47] : memref<4x8x2048xf32, #tpu.memory_space<vmem>> -> memref<4x8x16xf32, #tpu.memory_space<vmem>>
              %dma_start3A_77 = arith.constant 0 : i32
              %dma_start3A_78 = arith.constant 0 : i32
              %dma_start3A_79 = tpu.memref_slice %arg3[%dma_start3A_77, %dma_start3A_78, %multiple_of3A] : memref<4x8x1000000xf32, #tpu.memory_space<hbm>> -> memref<4x8x128xf32, #tpu.memory_space<hbm>>
              %dma_start3A_80 = arith.constant 0 : i32
              %dma_start3A_81 = arith.constant 0 : i32
              %dma_start3A_82 = arith.constant 32 : i32
              %dma_start3A_83 = tpu.memref_slice %dma_start3A_79[%dma_start3A_80, %dma_start3A_81, %dma_start3A_82] : memref<4x8x128xf32, #tpu.memory_space<hbm>> -> memref<4x8x16xf32, #tpu.memory_space<hbm>>
              %dma_start3A_84 = arith.constant 0 : i32
              %dma_start3A_85 = arith.constant 0 : i32
              %dma_start3A_86 = tpu.memref_slice %arg6[%dma_start3A_84, %dma_start3A_85, %mul3A_47] : memref<4x8x2048xf32, #tpu.memory_space<vmem>> -> memref<4x8x16xf32, #tpu.memory_space<vmem>>
              %dma_start3A_87 = arith.constant 0 : i32
              %dma_start3A_88 = arith.constant 0 : i32
              %dma_start3A_89 = tpu.memref_slice %arg3[%dma_start3A_87, %dma_start3A_88, %multiple_of3A] : memref<4x8x1000000xf32, #tpu.memory_space<hbm>> -> memref<4x8x128xf32, #tpu.memory_space<hbm>>
              %dma_start3A_90 = arith.constant 0 : i32
              %dma_start3A_91 = arith.constant 0 : i32
              %dma_start3A_92 = arith.constant 32 : i32
              %dma_start3A_93 = tpu.memref_slice %dma_start3A_89[%dma_start3A_90, %dma_start3A_91, %dma_start3A_92] : memref<4x8x128xf32, #tpu.memory_space<hbm>> -> memref<4x8x16xf32, #tpu.memory_space<hbm>>
              tpu.enqueue_dma source(%dma_start3A_93 : memref<4x8x16xf32, #tpu.memory_space<hbm>>) target(%dma_start3A_86 : memref<4x8x16xf32, #tpu.memory_space<vmem>>) target_semaphore(%arg8 : memref<!tpu.dma_semaphore, #tpu.memory_space<semaphore_mem>>)
            } else {
            }
            %eq3A_70 = arith.constant 3 : i32
            %eq3A_71 = arith.cmpi eq, %and3A_35, %eq3A_70 : i32
            %convert_element_type3A_72 = arith.extui %eq3A_71 : i1 to i32
            %cond3A_73 = arith.constant 0 : i32
            %cond3A_74 = arith.cmpi ne, %convert_element_type3A_72, %cond3A_73 : i32
            scf.if %cond3A_74 {
              %dma_start3A = arith.constant 0 : i32
              %dma_start3A_75 = arith.constant 0 : i32
              %dma_start3A_76 = tpu.memref_slice %arg6[%dma_start3A, %dma_start3A_75, %mul3A_47] : memref<4x8x2048xf32, #tpu.memory_space<vmem>> -> memref<4x8x16xf32, #tpu.memory_space<vmem>>
              %dma_start3A_77 = arith.constant 0 : i32
              %dma_start3A_78 = arith.constant 0 : i32
              %dma_start3A_79 = tpu.memref_slice %arg3[%dma_start3A_77, %dma_start3A_78, %multiple_of3A] : memref<4x8x1000000xf32, #tpu.memory_space<hbm>> -> memref<4x8x128xf32, #tpu.memory_space<hbm>>
              %dma_start3A_80 = arith.constant 0 : i32
              %dma_start3A_81 = arith.constant 0 : i32
              %dma_start3A_82 = arith.constant 48 : i32
              %dma_start3A_83 = tpu.memref_slice %dma_start3A_79[%dma_start3A_80, %dma_start3A_81, %dma_start3A_82] : memref<4x8x128xf32, #tpu.memory_space<hbm>> -> memref<4x8x16xf32, #tpu.memory_space<hbm>>
              %dma_start3A_84 = arith.constant 0 : i32
              %dma_start3A_85 = arith.constant 0 : i32
              %dma_start3A_86 = tpu.memref_slice %arg6[%dma_start3A_84, %dma_start3A_85, %mul3A_47] : memref<4x8x2048xf32, #tpu.memory_space<vmem>> -> memref<4x8x16xf32, #tpu.memory_space<vmem>>
              %dma_start3A_87 = arith.constant 0 : i32
              %dma_start3A_88 = arith.constant 0 : i32
              %dma_start3A_89 = tpu.memref_slice %arg3[%dma_start3A_87, %dma_start3A_88, %multiple_of3A] : memref<4x8x1000000xf32, #tpu.memory_space<hbm>> -> memref<4x8x128xf32, #tpu.memory_space<hbm>>
              %dma_start3A_90 = arith.constant 0 : i32
              %dma_start3A_91 = arith.constant 0 : i32
              %dma_start3A_92 = arith.constant 48 : i32
              %dma_start3A_93 = tpu.memref_slice %dma_start3A_89[%dma_start3A_90, %dma_start3A_91, %dma_start3A_92] : memref<4x8x128xf32, #tpu.memory_space<hbm>> -> memref<4x8x16xf32, #tpu.memory_space<hbm>>
              tpu.enqueue_dma source(%dma_start3A_93 : memref<4x8x16xf32, #tpu.memory_space<hbm>>) target(%dma_start3A_86 : memref<4x8x16xf32, #tpu.memory_space<vmem>>) target_semaphore(%arg8 : memref<!tpu.dma_semaphore, #tpu.memory_space<semaphore_mem>>)
            } else {
            }
          } else {
          }
        } else {
        }
        %ge3A = arith.constant 4 : i32
        %ge3A_51 = arith.cmpi sge, %and3A_35, %ge3A : i32
        %convert_element_type3A_52 = arith.extui %ge3A_51 : i1 to i32
        %cond3A_53 = arith.constant 0 : i32
        %cond3A_54 = arith.cmpi ne, %convert_element_type3A_52, %cond3A_53 : i32
        scf.if %cond3A_54 {
          %lt3A_55 = arith.constant 6 : i32
          %lt3A_56 = arith.cmpi slt, %and3A_35, %lt3A_55 : i32
          %convert_element_type3A_57 = arith.extui %lt3A_56 : i1 to i32
          %cond3A_58 = arith.constant 0 : i32
          %cond3A_59 = arith.cmpi ne, %convert_element_type3A_57, %cond3A_58 : i32
          scf.if %cond3A_59 {
            %eq3A_65 = arith.constant 4 : i32
            %eq3A_66 = arith.cmpi eq, %and3A_35, %eq3A_65 : i32
            %convert_element_type3A_67 = arith.extui %eq3A_66 : i1 to i32
            %cond3A_68 = arith.constant 0 : i32
            %cond3A_69 = arith.cmpi ne, %convert_element_type3A_67, %cond3A_68 : i32
            scf.if %cond3A_69 {
              %dma_start3A = arith.constant 0 : i32
              %dma_start3A_75 = arith.constant 0 : i32
              %dma_start3A_76 = tpu.memref_slice %arg6[%dma_start3A, %dma_start3A_75, %mul3A_47] : memref<4x8x2048xf32, #tpu.memory_space<vmem>> -> memref<4x8x16xf32, #tpu.memory_space<vmem>>
              %dma_start3A_77 = arith.constant 0 : i32
              %dma_start3A_78 = arith.constant 0 : i32
              %dma_start3A_79 = tpu.memref_slice %arg3[%dma_start3A_77, %dma_start3A_78, %multiple_of3A] : memref<4x8x1000000xf32, #tpu.memory_space<hbm>> -> memref<4x8x128xf32, #tpu.memory_space<hbm>>
              %dma_start3A_80 = arith.constant 0 : i32
              %dma_start3A_81 = arith.constant 0 : i32
              %dma_start3A_82 = arith.constant 64 : i32
              %dma_start3A_83 = tpu.memref_slice %dma_start3A_79[%dma_start3A_80, %dma_start3A_81, %dma_start3A_82] : memref<4x8x128xf32, #tpu.memory_space<hbm>> -> memref<4x8x16xf32, #tpu.memory_space<hbm>>
              %dma_start3A_84 = arith.constant 0 : i32
              %dma_start3A_85 = arith.constant 0 : i32
              %dma_start3A_86 = tpu.memref_slice %arg6[%dma_start3A_84, %dma_start3A_85, %mul3A_47] : memref<4x8x2048xf32, #tpu.memory_space<vmem>> -> memref<4x8x16xf32, #tpu.memory_space<vmem>>
              %dma_start3A_87 = arith.constant 0 : i32
              %dma_start3A_88 = arith.constant 0 : i32
              %dma_start3A_89 = tpu.memref_slice %arg3[%dma_start3A_87, %dma_start3A_88, %multiple_of3A] : memref<4x8x1000000xf32, #tpu.memory_space<hbm>> -> memref<4x8x128xf32, #tpu.memory_space<hbm>>
              %dma_start3A_90 = arith.constant 0 : i32
              %dma_start3A_91 = arith.constant 0 : i32
              %dma_start3A_92 = arith.constant 64 : i32
              %dma_start3A_93 = tpu.memref_slice %dma_start3A_89[%dma_start3A_90, %dma_start3A_91, %dma_start3A_92] : memref<4x8x128xf32, #tpu.memory_space<hbm>> -> memref<4x8x16xf32, #tpu.memory_space<hbm>>
              tpu.enqueue_dma source(%dma_start3A_93 : memref<4x8x16xf32, #tpu.memory_space<hbm>>) target(%dma_start3A_86 : memref<4x8x16xf32, #tpu.memory_space<vmem>>) target_semaphore(%arg8 : memref<!tpu.dma_semaphore, #tpu.memory_space<semaphore_mem>>)
            } else {
            }
            %eq3A_70 = arith.constant 5 : i32
            %eq3A_71 = arith.cmpi eq, %and3A_35, %eq3A_70 : i32
            %convert_element_type3A_72 = arith.extui %eq3A_71 : i1 to i32
            %cond3A_73 = arith.constant 0 : i32
            %cond3A_74 = arith.cmpi ne, %convert_element_type3A_72, %cond3A_73 : i32
            scf.if %cond3A_74 {
              %dma_start3A = arith.constant 0 : i32
              %dma_start3A_75 = arith.constant 0 : i32
              %dma_start3A_76 = tpu.memref_slice %arg6[%dma_start3A, %dma_start3A_75, %mul3A_47] : memref<4x8x2048xf32, #tpu.memory_space<vmem>> -> memref<4x8x16xf32, #tpu.memory_space<vmem>>
              %dma_start3A_77 = arith.constant 0 : i32
              %dma_start3A_78 = arith.constant 0 : i32
              %dma_start3A_79 = tpu.memref_slice %arg3[%dma_start3A_77, %dma_start3A_78, %multiple_of3A] : memref<4x8x1000000xf32, #tpu.memory_space<hbm>> -> memref<4x8x128xf32, #tpu.memory_space<hbm>>
              %dma_start3A_80 = arith.constant 0 : i32
              %dma_start3A_81 = arith.constant 0 : i32
              %dma_start3A_82 = arith.constant 80 : i32
              %dma_start3A_83 = tpu.memref_slice %dma_start3A_79[%dma_start3A_80, %dma_start3A_81, %dma_start3A_82] : memref<4x8x128xf32, #tpu.memory_space<hbm>> -> memref<4x8x16xf32, #tpu.memory_space<hbm>>
              %dma_start3A_84 = arith.constant 0 : i32
              %dma_start3A_85 = arith.constant 0 : i32
              %dma_start3A_86 = tpu.memref_slice %arg6[%dma_start3A_84, %dma_start3A_85, %mul3A_47] : memref<4x8x2048xf32, #tpu.memory_space<vmem>> -> memref<4x8x16xf32, #tpu.memory_space<vmem>>
              %dma_start3A_87 = arith.constant 0 : i32
              %dma_start3A_88 = arith.constant 0 : i32
              %dma_start3A_89 = tpu.memref_slice %arg3[%dma_start3A_87, %dma_start3A_88, %multiple_of3A] : memref<4x8x1000000xf32, #tpu.memory_space<hbm>> -> memref<4x8x128xf32, #tpu.memory_space<hbm>>
              %dma_start3A_90 = arith.constant 0 : i32
              %dma_start3A_91 = arith.constant 0 : i32
              %dma_start3A_92 = arith.constant 80 : i32
              %dma_start3A_93 = tpu.memref_slice %dma_start3A_89[%dma_start3A_90, %dma_start3A_91, %dma_start3A_92] : memref<4x8x128xf32, #tpu.memory_space<hbm>> -> memref<4x8x16xf32, #tpu.memory_space<hbm>>
              tpu.enqueue_dma source(%dma_start3A_93 : memref<4x8x16xf32, #tpu.memory_space<hbm>>) target(%dma_start3A_86 : memref<4x8x16xf32, #tpu.memory_space<vmem>>) target_semaphore(%arg8 : memref<!tpu.dma_semaphore, #tpu.memory_space<semaphore_mem>>)
            } else {
            }
          } else {
          }
          %ge3A_60 = arith.constant 6 : i32
          %ge3A_61 = arith.cmpi sge, %and3A_35, %ge3A_60 : i32
          %convert_element_type3A_62 = arith.extui %ge3A_61 : i1 to i32
          %cond3A_63 = arith.constant 0 : i32
          %cond3A_64 = arith.cmpi ne, %convert_element_type3A_62, %cond3A_63 : i32
          scf.if %cond3A_64 {
            %eq3A_65 = arith.constant 6 : i32
            %eq3A_66 = arith.cmpi eq, %and3A_35, %eq3A_65 : i32
            %convert_element_type3A_67 = arith.extui %eq3A_66 : i1 to i32
            %cond3A_68 = arith.constant 0 : i32
            %cond3A_69 = arith.cmpi ne, %convert_element_type3A_67, %cond3A_68 : i32
            scf.if %cond3A_69 {
              %dma_start3A = arith.constant 0 : i32
              %dma_start3A_75 = arith.constant 0 : i32
              %dma_start3A_76 = tpu.memref_slice %arg6[%dma_start3A, %dma_start3A_75, %mul3A_47] : memref<4x8x2048xf32, #tpu.memory_space<vmem>> -> memref<4x8x16xf32, #tpu.memory_space<vmem>>
              %dma_start3A_77 = arith.constant 0 : i32
              %dma_start3A_78 = arith.constant 0 : i32
              %dma_start3A_79 = tpu.memref_slice %arg3[%dma_start3A_77, %dma_start3A_78, %multiple_of3A] : memref<4x8x1000000xf32, #tpu.memory_space<hbm>> -> memref<4x8x128xf32, #tpu.memory_space<hbm>>
              %dma_start3A_80 = arith.constant 0 : i32
              %dma_start3A_81 = arith.constant 0 : i32
              %dma_start3A_82 = arith.constant 96 : i32
              %dma_start3A_83 = tpu.memref_slice %dma_start3A_79[%dma_start3A_80, %dma_start3A_81, %dma_start3A_82] : memref<4x8x128xf32, #tpu.memory_space<hbm>> -> memref<4x8x16xf32, #tpu.memory_space<hbm>>
              %dma_start3A_84 = arith.constant 0 : i32
              %dma_start3A_85 = arith.constant 0 : i32
              %dma_start3A_86 = tpu.memref_slice %arg6[%dma_start3A_84, %dma_start3A_85, %mul3A_47] : memref<4x8x2048xf32, #tpu.memory_space<vmem>> -> memref<4x8x16xf32, #tpu.memory_space<vmem>>
              %dma_start3A_87 = arith.constant 0 : i32
              %dma_start3A_88 = arith.constant 0 : i32
              %dma_start3A_89 = tpu.memref_slice %arg3[%dma_start3A_87, %dma_start3A_88, %multiple_of3A] : memref<4x8x1000000xf32, #tpu.memory_space<hbm>> -> memref<4x8x128xf32, #tpu.memory_space<hbm>>
              %dma_start3A_90 = arith.constant 0 : i32
              %dma_start3A_91 = arith.constant 0 : i32
              %dma_start3A_92 = arith.constant 96 : i32
              %dma_start3A_93 = tpu.memref_slice %dma_start3A_89[%dma_start3A_90, %dma_start3A_91, %dma_start3A_92] : memref<4x8x128xf32, #tpu.memory_space<hbm>> -> memref<4x8x16xf32, #tpu.memory_space<hbm>>
              tpu.enqueue_dma source(%dma_start3A_93 : memref<4x8x16xf32, #tpu.memory_space<hbm>>) target(%dma_start3A_86 : memref<4x8x16xf32, #tpu.memory_space<vmem>>) target_semaphore(%arg8 : memref<!tpu.dma_semaphore, #tpu.memory_space<semaphore_mem>>)
            } else {
            }
            %eq3A_70 = arith.constant 7 : i32
            %eq3A_71 = arith.cmpi eq, %and3A_35, %eq3A_70 : i32
            %convert_element_type3A_72 = arith.extui %eq3A_71 : i1 to i32
            %cond3A_73 = arith.constant 0 : i32
            %cond3A_74 = arith.cmpi ne, %convert_element_type3A_72, %cond3A_73 : i32
            scf.if %cond3A_74 {
              %dma_start3A = arith.constant 0 : i32
              %dma_start3A_75 = arith.constant 0 : i32
              %dma_start3A_76 = tpu.memref_slice %arg6[%dma_start3A, %dma_start3A_75, %mul3A_47] : memref<4x8x2048xf32, #tpu.memory_space<vmem>> -> memref<4x8x16xf32, #tpu.memory_space<vmem>>
              %dma_start3A_77 = arith.constant 0 : i32
              %dma_start3A_78 = arith.constant 0 : i32
              %dma_start3A_79 = tpu.memref_slice %arg3[%dma_start3A_77, %dma_start3A_78, %multiple_of3A] : memref<4x8x1000000xf32, #tpu.memory_space<hbm>> -> memref<4x8x128xf32, #tpu.memory_space<hbm>>
              %dma_start3A_80 = arith.constant 0 : i32
              %dma_start3A_81 = arith.constant 0 : i32
              %dma_start3A_82 = arith.constant 112 : i32
              %dma_start3A_83 = tpu.memref_slice %dma_start3A_79[%dma_start3A_80, %dma_start3A_81, %dma_start3A_82] : memref<4x8x128xf32, #tpu.memory_space<hbm>> -> memref<4x8x16xf32, #tpu.memory_space<hbm>>
              %dma_start3A_84 = arith.constant 0 : i32
              %dma_start3A_85 = arith.constant 0 : i32
              %dma_start3A_86 = tpu.memref_slice %arg6[%dma_start3A_84, %dma_start3A_85, %mul3A_47] : memref<4x8x2048xf32, #tpu.memory_space<vmem>> -> memref<4x8x16xf32, #tpu.memory_space<vmem>>
              %dma_start3A_87 = arith.constant 0 : i32
              %dma_start3A_88 = arith.constant 0 : i32
              %dma_start3A_89 = tpu.memref_slice %arg3[%dma_start3A_87, %dma_start3A_88, %multiple_of3A] : memref<4x8x1000000xf32, #tpu.memory_space<hbm>> -> memref<4x8x128xf32, #tpu.memory_space<hbm>>
              %dma_start3A_90 = arith.constant 0 : i32
              %dma_start3A_91 = arith.constant 0 : i32
              %dma_start3A_92 = arith.constant 112 : i32
              %dma_start3A_93 = tpu.memref_slice %dma_start3A_89[%dma_start3A_90, %dma_start3A_91, %dma_start3A_92] : memref<4x8x128xf32, #tpu.memory_space<hbm>> -> memref<4x8x16xf32, #tpu.memory_space<hbm>>
              tpu.enqueue_dma source(%dma_start3A_93 : memref<4x8x16xf32, #tpu.memory_space<hbm>>) target(%dma_start3A_86 : memref<4x8x16xf32, #tpu.memory_space<vmem>>) target_semaphore(%arg8 : memref<!tpu.dma_semaphore, #tpu.memory_space<semaphore_mem>>)
            } else {
            }
          } else {
          }
        } else {
        }
      }
      %scan3A_18 = arith.constant 16 : i32
      %scan3A_19 = arith.constant 0 : i32
      %scan3A_20 = arith.constant 8 : i32
      %scan3A_21 = arith.addi %scan3A_19, %scan3A_20 : i32
      %scan3A_22 = arith.constant 1 : i32
      scf.for %scan3A_25 = %scan3A_19 to %scan3A_21 step %scan3A_22  : i32 {
        %mul3A_26 = arith.constant 1 : i32
        %mul3A_27 = arith.muli %scan3A_25, %mul3A_26 : i32
        %add3A_28 = arith.constant 0 : i32
        %add3A_29 = arith.addi %add3A_28, %mul3A_27 : i32
        %lt3A = arith.constant 7 : i32
        %lt3A_30 = arith.cmpi slt, %add3A_29, %lt3A : i32
        %convert_element_type3A = arith.extui %lt3A_30 : i1 to i32
        %cond3A = arith.constant 0 : i32
        %cond3A_31 = arith.cmpi ne, %convert_element_type3A, %cond3A : i32
        scf.if %cond3A_31 {
          %add3A_403 = arith.constant 1 : i32
          %add3A_404 = arith.addi %add3A_29, %add3A_403 : i32
          %mul3A_405 = arith.constant 16 : i32
          %mul3A_406 = arith.muli %add3A_404, %mul3A_405 : i32
          %add3A_407 = arith.addi %mul3A_13, %mul3A_406 : i32
          %scan3A_408 = arith.constant 0 : i32
          %scan3A_409 = arith.constant 16 : i32
          %scan3A_410 = arith.addi %scan3A_408, %scan3A_409 : i32
          %scan3A_411 = arith.constant 1 : i32
          scf.for %scan3A_413 = %scan3A_408 to %scan3A_410 step %scan3A_411  : i32 {
            %mul3A_414 = arith.constant 1 : i32
            %mul3A_415 = arith.muli %scan3A_413, %mul3A_414 : i32
            %add3A_416 = arith.constant 0 : i32
            %add3A_417 = arith.addi %add3A_416, %mul3A_415 : i32
            %add3A_418 = arith.addi %add3A_407, %add3A_417 : i32
            %get3A_419 = arith.index_cast %add3A_418 : i32 to index
            %get3A_420 = tpu.vector_load %arg5[%get3A_419] {strides = array<i32>} : memref<528xi32, #tpu.memory_space<vmem>>, vector<16xi32>,
            %slice3A = vector.extract_strided_slice %get3A_420 {offsets = [0], sizes = [1], strides = [1]} : vector<16xi32> to vector<1xi32>
            %squeeze3A = vector.extract %slice3A[0] : i32 from vector<1xi32>
            %and3A_421 = arith.constant -128 : i32
            %and3A_422 = arith.andi %squeeze3A, %and3A_421 : i32
            %multiple_of3A = tpu.assume_multiple %and3A_422, 128 : i32
            %shift_right_logical3A = arith.constant 4 : i32
            %shift_right_logical3A_423 = arith.shrui %squeeze3A, %shift_right_logical3A : i32
            %and3A_424 = arith.constant 7 : i32
            %and3A_425 = arith.andi %shift_right_logical3A_423, %and3A_424 : i32
            %jit3A = arith.constant 128 : i32
            %eq3A = arith.constant 0 : i32
            %eq3A_426 = arith.cmpi eq, %jit3A, %eq3A : i32
            %jit3A_427 = arith.constant 1 : i32
            %select_n3A = arith.select %eq3A_426, %jit3A_427, %jit3A : i32
            %rem3A = arith.remsi %add3A_418, %select_n3A : i32
            %ne3A = arith.constant 0 : i32
            %ne3A_428 = arith.cmpi ne, %rem3A, %ne3A : i32
            %lt3A_429 = arith.constant 0 : i32
            %lt3A_430 = arith.cmpi slt, %rem3A, %lt3A_429 : i32
            %lt3A_431 = arith.constant 0 : i32
            %lt3A_432 = arith.cmpi slt, %select_n3A, %lt3A_431 : i32
            %ne3A_433 = arith.xori %lt3A_430, %lt3A_432 : i1
            %and3A_434 = arith.andi %ne3A_433, %ne3A_428 : i1
            %add3A_435 = arith.addi %rem3A, %select_n3A : i32
            %select_n3A_436 = arith.select %and3A_434, %add3A_435, %rem3A : i32
            %mul3A_437 = arith.constant 16 : i32
            %mul3A_438 = arith.muli %select_n3A_436, %mul3A_437 : i32
            %lt3A_439 = arith.constant 4 : i32
            %lt3A_440 = arith.cmpi slt, %and3A_425, %lt3A_439 : i32
            %convert_element_type3A_441 = arith.extui %lt3A_440 : i1 to i32
            %cond3A_442 = arith.constant 0 : i32
            %cond3A_443 = arith.cmpi ne, %convert_element_type3A_441, %cond3A_442 : i32
            scf.if %cond3A_443 {
              %lt3A_448 = arith.constant 2 : i32
              %lt3A_449 = arith.cmpi slt, %and3A_425, %lt3A_448 : i32
              %convert_element_type3A_450 = arith.extui %lt3A_449 : i1 to i32
              %cond3A_451 = arith.constant 0 : i32
              %cond3A_452 = arith.cmpi ne, %convert_element_type3A_450, %cond3A_451 : i32
              scf.if %cond3A_452 {
                %eq3A_458 = arith.constant 0 : i32
                %eq3A_459 = arith.cmpi eq, %and3A_425, %eq3A_458 : i32
                %convert_element_type3A_460 = arith.extui %eq3A_459 : i1 to i32
                %cond3A_461 = arith.constant 0 : i32
                %cond3A_462 = arith.cmpi ne, %convert_element_type3A_460, %cond3A_461 : i32
                scf.if %cond3A_462 {
                  %dma_start3A = arith.constant 0 : i32
                  %dma_start3A_468 = arith.constant 0 : i32
                  %dma_start3A_469 = tpu.memref_slice %arg6[%dma_start3A, %dma_start3A_468, %mul3A_438] : memref<4x8x2048xf32, #tpu.memory_space<vmem>> -> memref<4x8x16xf32, #tpu.memory_space<vmem>>
                  %dma_start3A_470 = arith.constant 0 : i32
                  %dma_start3A_471 = arith.constant 0 : i32
                  %dma_start3A_472 = tpu.memref_slice %arg3[%dma_start3A_470, %dma_start3A_471, %multiple_of3A] : memref<4x8x1000000xf32, #tpu.memory_space<hbm>> -> memref<4x8x128xf32, #tpu.memory_space<hbm>>
                  %dma_start3A_473 = arith.constant 0 : i32
                  %dma_start3A_474 = arith.constant 0 : i32
                  %dma_start3A_475 = arith.constant 0 : i32
                  %dma_start3A_476 = tpu.memref_slice %dma_start3A_472[%dma_start3A_473, %dma_start3A_474, %dma_start3A_475] : memref<4x8x128xf32, #tpu.memory_space<hbm>> -> memref<4x8x16xf32, #tpu.memory_space<hbm>>
                  %dma_start3A_477 = arith.constant 0 : i32
                  %dma_start3A_478 = arith.constant 0 : i32
                  %dma_start3A_479 = tpu.memref_slice %arg6[%dma_start3A_477, %dma_start3A_478, %mul3A_438] : memref<4x8x2048xf32, #tpu.memory_space<vmem>> -> memref<4x8x16xf32, #tpu.memory_space<vmem>>
                  %dma_start3A_480 = arith.constant 0 : i32
                  %dma_start3A_481 = arith.constant 0 : i32
                  %dma_start3A_482 = tpu.memref_slice %arg3[%dma_start3A_480, %dma_start3A_481, %multiple_of3A] : memref<4x8x1000000xf32, #tpu.memory_space<hbm>> -> memref<4x8x128xf32, #tpu.memory_space<hbm>>
                  %dma_start3A_483 = arith.constant 0 : i32
                  %dma_start3A_484 = arith.constant 0 : i32
                  %dma_start3A_485 = arith.constant 0 : i32
                  %dma_start3A_486 = tpu.memref_slice %dma_start3A_482[%dma_start3A_483, %dma_start3A_484, %dma_start3A_485] : memref<4x8x128xf32, #tpu.memory_space<hbm>> -> memref<4x8x16xf32, #tpu.memory_space<hbm>>
                  tpu.enqueue_dma source(%dma_start3A_486 : memref<4x8x16xf32, #tpu.memory_space<hbm>>) target(%dma_start3A_479 : memref<4x8x16xf32, #tpu.memory_space<vmem>>) target_semaphore(%arg8 : memref<!tpu.dma_semaphore, #tpu.memory_space<semaphore_mem>>)
                } else {
                }
                %eq3A_463 = arith.constant 1 : i32
                %eq3A_464 = arith.cmpi eq, %and3A_425, %eq3A_463 : i32
                %convert_element_type3A_465 = arith.extui %eq3A_464 : i1 to i32
                %cond3A_466 = arith.constant 0 : i32
                %cond3A_467 = arith.cmpi ne, %convert_element_type3A_465, %cond3A_466 : i32
                scf.if %cond3A_467 {
                  %dma_start3A = arith.constant 0 : i32
                  %dma_start3A_468 = arith.constant 0 : i32
                  %dma_start3A_469 = tpu.memref_slice %arg6[%dma_start3A, %dma_start3A_468, %mul3A_438] : memref<4x8x2048xf32, #tpu.memory_space<vmem>> -> memref<4x8x16xf32, #tpu.memory_space<vmem>>
                  %dma_start3A_470 = arith.constant 0 : i32
                  %dma_start3A_471 = arith.constant 0 : i32
                  %dma_start3A_472 = tpu.memref_slice %arg3[%dma_start3A_470, %dma_start3A_471, %multiple_of3A] : memref<4x8x1000000xf32, #tpu.memory_space<hbm>> -> memref<4x8x128xf32, #tpu.memory_space<hbm>>
                  %dma_start3A_473 = arith.constant 0 : i32
                  %dma_start3A_474 = arith.constant 0 : i32
                  %dma_start3A_475 = arith.constant 16 : i32
                  %dma_start3A_476 = tpu.memref_slice %dma_start3A_472[%dma_start3A_473, %dma_start3A_474, %dma_start3A_475] : memref<4x8x128xf32, #tpu.memory_space<hbm>> -> memref<4x8x16xf32, #tpu.memory_space<hbm>>
                  %dma_start3A_477 = arith.constant 0 : i32
                  %dma_start3A_478 = arith.constant 0 : i32
                  %dma_start3A_479 = tpu.memref_slice %arg6[%dma_start3A_477, %dma_start3A_478, %mul3A_438] : memref<4x8x2048xf32, #tpu.memory_space<vmem>> -> memref<4x8x16xf32, #tpu.memory_space<vmem>>
                  %dma_start3A_480 = arith.constant 0 : i32
                  %dma_start3A_481 = arith.constant 0 : i32
                  %dma_start3A_482 = tpu.memref_slice %arg3[%dma_start3A_480, %dma_start3A_481, %multiple_of3A] : memref<4x8x1000000xf32, #tpu.memory_space<hbm>> -> memref<4x8x128xf32, #tpu.memory_space<hbm>>
                  %dma_start3A_483 = arith.constant 0 : i32
                  %dma_start3A_484 = arith.constant 0 : i32
                  %dma_start3A_485 = arith.constant 16 : i32
                  %dma_start3A_486 = tpu.memref_slice %dma_start3A_482[%dma_start3A_483, %dma_start3A_484, %dma_start3A_485] : memref<4x8x128xf32, #tpu.memory_space<hbm>> -> memref<4x8x16xf32, #tpu.memory_space<hbm>>
                  tpu.enqueue_dma source(%dma_start3A_486 : memref<4x8x16xf32, #tpu.memory_space<hbm>>) target(%dma_start3A_479 : memref<4x8x16xf32, #tpu.memory_space<vmem>>) target_semaphore(%arg8 : memref<!tpu.dma_semaphore, #tpu.memory_space<semaphore_mem>>)
                } else {
                }
              } else {
              }
              %ge3A_453 = arith.constant 2 : i32
              %ge3A_454 = arith.cmpi sge, %and3A_425, %ge3A_453 : i32
              %convert_element_type3A_455 = arith.extui %ge3A_454 : i1 to i32
              %cond3A_456 = arith.constant 0 : i32
              %cond3A_457 = arith.cmpi ne, %convert_element_type3A_455, %cond3A_456 : i32
              scf.if %cond3A_457 {
                %eq3A_458 = arith.constant 2 : i32
                %eq3A_459 = arith.cmpi eq, %and3A_425, %eq3A_458 : i32
                %convert_element_type3A_460 = arith.extui %eq3A_459 : i1 to i32
                %cond3A_461 = arith.constant 0 : i32
                %cond3A_462 = arith.cmpi ne, %convert_element_type3A_460, %cond3A_461 : i32
                scf.if %cond3A_462 {
                  %dma_start3A = arith.constant 0 : i32
                  %dma_start3A_468 = arith.constant 0 : i32
                  %dma_start3A_469 = tpu.memref_slice %arg6[%dma_start3A, %dma_start3A_468, %mul3A_438] : memref<4x8x2048xf32, #tpu.memory_space<vmem>> -> memref<4x8x16xf32, #tpu.memory_space<vmem>>
                  %dma_start3A_470 = arith.constant 0 : i32
                  %dma_start3A_471 = arith.constant 0 : i32
                  %dma_start3A_472 = tpu.memref_slice %arg3[%dma_start3A_470, %dma_start3A_471, %multiple_of3A] : memref<4x8x1000000xf32, #tpu.memory_space<hbm>> -> memref<4x8x128xf32, #tpu.memory_space<hbm>>
                  %dma_start3A_473 = arith.constant 0 : i32
                  %dma_start3A_474 = arith.constant 0 : i32
                  %dma_start3A_475 = arith.constant 32 : i32
                  %dma_start3A_476 = tpu.memref_slice %dma_start3A_472[%dma_start3A_473, %dma_start3A_474, %dma_start3A_475] : memref<4x8x128xf32, #tpu.memory_space<hbm>> -> memref<4x8x16xf32, #tpu.memory_space<hbm>>
                  %dma_start3A_477 = arith.constant 0 : i32
                  %dma_start3A_478 = arith.constant 0 : i32
                  %dma_start3A_479 = tpu.memref_slice %arg6[%dma_start3A_477, %dma_start3A_478, %mul3A_438] : memref<4x8x2048xf32, #tpu.memory_space<vmem>> -> memref<4x8x16xf32, #tpu.memory_space<vmem>>
                  %dma_start3A_480 = arith.constant 0 : i32
                  %dma_start3A_481 = arith.constant 0 : i32
                  %dma_start3A_482 = tpu.memref_slice %arg3[%dma_start3A_480, %dma_start3A_481, %multiple_of3A] : memref<4x8x1000000xf32, #tpu.memory_space<hbm>> -> memref<4x8x128xf32, #tpu.memory_space<hbm>>
                  %dma_start3A_483 = arith.constant 0 : i32
                  %dma_start3A_484 = arith.constant 0 : i32
                  %dma_start3A_485 = arith.constant 32 : i32
                  %dma_start3A_486 = tpu.memref_slice %dma_start3A_482[%dma_start3A_483, %dma_start3A_484, %dma_start3A_485] : memref<4x8x128xf32, #tpu.memory_space<hbm>> -> memref<4x8x16xf32, #tpu.memory_space<hbm>>
                  tpu.enqueue_dma source(%dma_start3A_486 : memref<4x8x16xf32, #tpu.memory_space<hbm>>) target(%dma_start3A_479 : memref<4x8x16xf32, #tpu.memory_space<vmem>>) target_semaphore(%arg8 : memref<!tpu.dma_semaphore, #tpu.memory_space<semaphore_mem>>)
                } else {
                }
                %eq3A_463 = arith.constant 3 : i32
                %eq3A_464 = arith.cmpi eq, %and3A_425, %eq3A_463 : i32
                %convert_element_type3A_465 = arith.extui %eq3A_464 : i1 to i32
                %cond3A_466 = arith.constant 0 : i32
                %cond3A_467 = arith.cmpi ne, %convert_element_type3A_465, %cond3A_466 : i32
                scf.if %cond3A_467 {
                  %dma_start3A = arith.constant 0 : i32
                  %dma_start3A_468 = arith.constant 0 : i32
                  %dma_start3A_469 = tpu.memref_slice %arg6[%dma_start3A, %dma_start3A_468, %mul3A_438] : memref<4x8x2048xf32, #tpu.memory_space<vmem>> -> memref<4x8x16xf32, #tpu.memory_space<vmem>>
                  %dma_start3A_470 = arith.constant 0 : i32
                  %dma_start3A_471 = arith.constant 0 : i32
                  %dma_start3A_472 = tpu.memref_slice %arg3[%dma_start3A_470, %dma_start3A_471, %multiple_of3A] : memref<4x8x1000000xf32, #tpu.memory_space<hbm>> -> memref<4x8x128xf32, #tpu.memory_space<hbm>>
                  %dma_start3A_473 = arith.constant 0 : i32
                  %dma_start3A_474 = arith.constant 0 : i32
                  %dma_start3A_475 = arith.constant 48 : i32
                  %dma_start3A_476 = tpu.memref_slice %dma_start3A_472[%dma_start3A_473, %dma_start3A_474, %dma_start3A_475] : memref<4x8x128xf32, #tpu.memory_space<hbm>> -> memref<4x8x16xf32, #tpu.memory_space<hbm>>
                  %dma_start3A_477 = arith.constant 0 : i32
                  %dma_start3A_478 = arith.constant 0 : i32
                  %dma_start3A_479 = tpu.memref_slice %arg6[%dma_start3A_477, %dma_start3A_478, %mul3A_438] : memref<4x8x2048xf32, #tpu.memory_space<vmem>> -> memref<4x8x16xf32, #tpu.memory_space<vmem>>
                  %dma_start3A_480 = arith.constant 0 : i32
                  %dma_start3A_481 = arith.constant 0 : i32
                  %dma_start3A_482 = tpu.memref_slice %arg3[%dma_start3A_480, %dma_start3A_481, %multiple_of3A] : memref<4x8x1000000xf32, #tpu.memory_space<hbm>> -> memref<4x8x128xf32, #tpu.memory_space<hbm>>
                  %dma_start3A_483 = arith.constant 0 : i32
                  %dma_start3A_484 = arith.constant 0 : i32
                  %dma_start3A_485 = arith.constant 48 : i32
                  %dma_start3A_486 = tpu.memref_slice %dma_start3A_482[%dma_start3A_483, %dma_start3A_484, %dma_start3A_485] : memref<4x8x128xf32, #tpu.memory_space<hbm>> -> memref<4x8x16xf32, #tpu.memory_space<hbm>>
                  tpu.enqueue_dma source(%dma_start3A_486 : memref<4x8x16xf32, #tpu.memory_space<hbm>>) target(%dma_start3A_479 : memref<4x8x16xf32, #tpu.memory_space<vmem>>) target_semaphore(%arg8 : memref<!tpu.dma_semaphore, #tpu.memory_space<semaphore_mem>>)
                } else {
                }
              } else {
              }
            } else {
            }
            %ge3A = arith.constant 4 : i32
            %ge3A_444 = arith.cmpi sge, %and3A_425, %ge3A : i32
            %convert_element_type3A_445 = arith.extui %ge3A_444 : i1 to i32
            %cond3A_446 = arith.constant 0 : i32
            %cond3A_447 = arith.cmpi ne, %convert_element_type3A_445, %cond3A_446 : i32
            scf.if %cond3A_447 {
              %lt3A_448 = arith.constant 6 : i32
              %lt3A_449 = arith.cmpi slt, %and3A_425, %lt3A_448 : i32
              %convert_element_type3A_450 = arith.extui %lt3A_449 : i1 to i32
              %cond3A_451 = arith.constant 0 : i32
              %cond3A_452 = arith.cmpi ne, %convert_element_type3A_450, %cond3A_451 : i32
              scf.if %cond3A_452 {
                %eq3A_458 = arith.constant 4 : i32
                %eq3A_459 = arith.cmpi eq, %and3A_425, %eq3A_458 : i32
                %convert_element_type3A_460 = arith.extui %eq3A_459 : i1 to i32
                %cond3A_461 = arith.constant 0 : i32
                %cond3A_462 = arith.cmpi ne, %convert_element_type3A_460, %cond3A_461 : i32
                scf.if %cond3A_462 {
                  %dma_start3A = arith.constant 0 : i32
                  %dma_start3A_468 = arith.constant 0 : i32
                  %dma_start3A_469 = tpu.memref_slice %arg6[%dma_start3A, %dma_start3A_468, %mul3A_438] : memref<4x8x2048xf32, #tpu.memory_space<vmem>> -> memref<4x8x16xf32, #tpu.memory_space<vmem>>
                  %dma_start3A_470 = arith.constant 0 : i32
                  %dma_start3A_471 = arith.constant 0 : i32
                  %dma_start3A_472 = tpu.memref_slice %arg3[%dma_start3A_470, %dma_start3A_471, %multiple_of3A] : memref<4x8x1000000xf32, #tpu.memory_space<hbm>> -> memref<4x8x128xf32, #tpu.memory_space<hbm>>
                  %dma_start3A_473 = arith.constant 0 : i32
                  %dma_start3A_474 = arith.constant 0 : i32
                  %dma_start3A_475 = arith.constant 64 : i32
                  %dma_start3A_476 = tpu.memref_slice %dma_start3A_472[%dma_start3A_473, %dma_start3A_474, %dma_start3A_475] : memref<4x8x128xf32, #tpu.memory_space<hbm>> -> memref<4x8x16xf32, #tpu.memory_space<hbm>>
                  %dma_start3A_477 = arith.constant 0 : i32
                  %dma_start3A_478 = arith.constant 0 : i32
                  %dma_start3A_479 = tpu.memref_slice %arg6[%dma_start3A_477, %dma_start3A_478, %mul3A_438] : memref<4x8x2048xf32, #tpu.memory_space<vmem>> -> memref<4x8x16xf32, #tpu.memory_space<vmem>>
                  %dma_start3A_480 = arith.constant 0 : i32
                  %dma_start3A_481 = arith.constant 0 : i32
                  %dma_start3A_482 = tpu.memref_slice %arg3[%dma_start3A_480, %dma_start3A_481, %multiple_of3A] : memref<4x8x1000000xf32, #tpu.memory_space<hbm>> -> memref<4x8x128xf32, #tpu.memory_space<hbm>>
                  %dma_start3A_483 = arith.constant 0 : i32
                  %dma_start3A_484 = arith.constant 0 : i32
                  %dma_start3A_485 = arith.constant 64 : i32
                  %dma_start3A_486 = tpu.memref_slice %dma_start3A_482[%dma_start3A_483, %dma_start3A_484, %dma_start3A_485] : memref<4x8x128xf32, #tpu.memory_space<hbm>> -> memref<4x8x16xf32, #tpu.memory_space<hbm>>
                  tpu.enqueue_dma source(%dma_start3A_486 : memref<4x8x16xf32, #tpu.memory_space<hbm>>) target(%dma_start3A_479 : memref<4x8x16xf32, #tpu.memory_space<vmem>>) target_semaphore(%arg8 : memref<!tpu.dma_semaphore, #tpu.memory_space<semaphore_mem>>)
                } else {
                }
                %eq3A_463 = arith.constant 5 : i32
                %eq3A_464 = arith.cmpi eq, %and3A_425, %eq3A_463 : i32
                %convert_element_type3A_465 = arith.extui %eq3A_464 : i1 to i32
                %cond3A_466 = arith.constant 0 : i32
                %cond3A_467 = arith.cmpi ne, %convert_element_type3A_465, %cond3A_466 : i32
                scf.if %cond3A_467 {
                  %dma_start3A = arith.constant 0 : i32
                  %dma_start3A_468 = arith.constant 0 : i32
                  %dma_start3A_469 = tpu.memref_slice %arg6[%dma_start3A, %dma_start3A_468, %mul3A_438] : memref<4x8x2048xf32, #tpu.memory_space<vmem>> -> memref<4x8x16xf32, #tpu.memory_space<vmem>>
                  %dma_start3A_470 = arith.constant 0 : i32
                  %dma_start3A_471 = arith.constant 0 : i32
                  %dma_start3A_472 = tpu.memref_slice %arg3[%dma_start3A_470, %dma_start3A_471, %multiple_of3A] : memref<4x8x1000000xf32, #tpu.memory_space<hbm>> -> memref<4x8x128xf32, #tpu.memory_space<hbm>>
                  %dma_start3A_473 = arith.constant 0 : i32
                  %dma_start3A_474 = arith.constant 0 : i32
                  %dma_start3A_475 = arith.constant 80 : i32
                  %dma_start3A_476 = tpu.memref_slice %dma_start3A_472[%dma_start3A_473, %dma_start3A_474, %dma_start3A_475] : memref<4x8x128xf32, #tpu.memory_space<hbm>> -> memref<4x8x16xf32, #tpu.memory_space<hbm>>
                  %dma_start3A_477 = arith.constant 0 : i32
                  %dma_start3A_478 = arith.constant 0 : i32
                  %dma_start3A_479 = tpu.memref_slice %arg6[%dma_start3A_477, %dma_start3A_478, %mul3A_438] : memref<4x8x2048xf32, #tpu.memory_space<vmem>> -> memref<4x8x16xf32, #tpu.memory_space<vmem>>
                  %dma_start3A_480 = arith.constant 0 : i32
                  %dma_start3A_481 = arith.constant 0 : i32
                  %dma_start3A_482 = tpu.memref_slice %arg3[%dma_start3A_480, %dma_start3A_481, %multiple_of3A] : memref<4x8x1000000xf32, #tpu.memory_space<hbm>> -> memref<4x8x128xf32, #tpu.memory_space<hbm>>
                  %dma_start3A_483 = arith.constant 0 : i32
                  %dma_start3A_484 = arith.constant 0 : i32
                  %dma_start3A_485 = arith.constant 80 : i32
                  %dma_start3A_486 = tpu.memref_slice %dma_start3A_482[%dma_start3A_483, %dma_start3A_484, %dma_start3A_485] : memref<4x8x128xf32, #tpu.memory_space<hbm>> -> memref<4x8x16xf32, #tpu.memory_space<hbm>>
                  tpu.enqueue_dma source(%dma_start3A_486 : memref<4x8x16xf32, #tpu.memory_space<hbm>>) target(%dma_start3A_479 : memref<4x8x16xf32, #tpu.memory_space<vmem>>) target_semaphore(%arg8 : memref<!tpu.dma_semaphore, #tpu.memory_space<semaphore_mem>>)
                } else {
                }
              } else {
              }
              %ge3A_453 = arith.constant 6 : i32
              %ge3A_454 = arith.cmpi sge, %and3A_425, %ge3A_453 : i32
              %convert_element_type3A_455 = arith.extui %ge3A_454 : i1 to i32
              %cond3A_456 = arith.constant 0 : i32
              %cond3A_457 = arith.cmpi ne, %convert_element_type3A_455, %cond3A_456 : i32
              scf.if %cond3A_457 {
                %eq3A_458 = arith.constant 6 : i32
                %eq3A_459 = arith.cmpi eq, %and3A_425, %eq3A_458 : i32
                %convert_element_type3A_460 = arith.extui %eq3A_459 : i1 to i32
                %cond3A_461 = arith.constant 0 : i32
                %cond3A_462 = arith.cmpi ne, %convert_element_type3A_460, %cond3A_461 : i32
                scf.if %cond3A_462 {
                  %dma_start3A = arith.constant 0 : i32
                  %dma_start3A_468 = arith.constant 0 : i32
                  %dma_start3A_469 = tpu.memref_slice %arg6[%dma_start3A, %dma_start3A_468, %mul3A_438] : memref<4x8x2048xf32, #tpu.memory_space<vmem>> -> memref<4x8x16xf32, #tpu.memory_space<vmem>>
                  %dma_start3A_470 = arith.constant 0 : i32
                  %dma_start3A_471 = arith.constant 0 : i32
                  %dma_start3A_472 = tpu.memref_slice %arg3[%dma_start3A_470, %dma_start3A_471, %multiple_of3A] : memref<4x8x1000000xf32, #tpu.memory_space<hbm>> -> memref<4x8x128xf32, #tpu.memory_space<hbm>>
                  %dma_start3A_473 = arith.constant 0 : i32
                  %dma_start3A_474 = arith.constant 0 : i32
                  %dma_start3A_475 = arith.constant 96 : i32
                  %dma_start3A_476 = tpu.memref_slice %dma_start3A_472[%dma_start3A_473, %dma_start3A_474, %dma_start3A_475] : memref<4x8x128xf32, #tpu.memory_space<hbm>> -> memref<4x8x16xf32, #tpu.memory_space<hbm>>
                  %dma_start3A_477 = arith.constant 0 : i32
                  %dma_start3A_478 = arith.constant 0 : i32
                  %dma_start3A_479 = tpu.memref_slice %arg6[%dma_start3A_477, %dma_start3A_478, %mul3A_438] : memref<4x8x2048xf32, #tpu.memory_space<vmem>> -> memref<4x8x16xf32, #tpu.memory_space<vmem>>
                  %dma_start3A_480 = arith.constant 0 : i32
                  %dma_start3A_481 = arith.constant 0 : i32
                  %dma_start3A_482 = tpu.memref_slice %arg3[%dma_start3A_480, %dma_start3A_481, %multiple_of3A] : memref<4x8x1000000xf32, #tpu.memory_space<hbm>> -> memref<4x8x128xf32, #tpu.memory_space<hbm>>
                  %dma_start3A_483 = arith.constant 0 : i32
                  %dma_start3A_484 = arith.constant 0 : i32
                  %dma_start3A_485 = arith.constant 96 : i32
                  %dma_start3A_486 = tpu.memref_slice %dma_start3A_482[%dma_start3A_483, %dma_start3A_484, %dma_start3A_485] : memref<4x8x128xf32, #tpu.memory_space<hbm>> -> memref<4x8x16xf32, #tpu.memory_space<hbm>>
                  tpu.enqueue_dma source(%dma_start3A_486 : memref<4x8x16xf32, #tpu.memory_space<hbm>>) target(%dma_start3A_479 : memref<4x8x16xf32, #tpu.memory_space<vmem>>) target_semaphore(%arg8 : memref<!tpu.dma_semaphore, #tpu.memory_space<semaphore_mem>>)
                } else {
                }
                %eq3A_463 = arith.constant 7 : i32
                %eq3A_464 = arith.cmpi eq, %and3A_425, %eq3A_463 : i32
                %convert_element_type3A_465 = arith.extui %eq3A_464 : i1 to i32
                %cond3A_466 = arith.constant 0 : i32
                %cond3A_467 = arith.cmpi ne, %convert_element_type3A_465, %cond3A_466 : i32
                scf.if %cond3A_467 {
                  %dma_start3A = arith.constant 0 : i32
                  %dma_start3A_468 = arith.constant 0 : i32
                  %dma_start3A_469 = tpu.memref_slice %arg6[%dma_start3A, %dma_start3A_468, %mul3A_438] : memref<4x8x2048xf32, #tpu.memory_space<vmem>> -> memref<4x8x16xf32, #tpu.memory_space<vmem>>
                  %dma_start3A_470 = arith.constant 0 : i32
                  %dma_start3A_471 = arith.constant 0 : i32
                  %dma_start3A_472 = tpu.memref_slice %arg3[%dma_start3A_470, %dma_start3A_471, %multiple_of3A] : memref<4x8x1000000xf32, #tpu.memory_space<hbm>> -> memref<4x8x128xf32, #tpu.memory_space<hbm>>
                  %dma_start3A_473 = arith.constant 0 : i32
                  %dma_start3A_474 = arith.constant 0 : i32
                  %dma_start3A_475 = arith.constant 112 : i32
                  %dma_start3A_476 = tpu.memref_slice %dma_start3A_472[%dma_start3A_473, %dma_start3A_474, %dma_start3A_475] : memref<4x8x128xf32, #tpu.memory_space<hbm>> -> memref<4x8x16xf32, #tpu.memory_space<hbm>>
                  %dma_start3A_477 = arith.constant 0 : i32
                  %dma_start3A_478 = arith.constant 0 : i32
                  %dma_start3A_479 = tpu.memref_slice %arg6[%dma_start3A_477, %dma_start3A_478, %mul3A_438] : memref<4x8x2048xf32, #tpu.memory_space<vmem>> -> memref<4x8x16xf32, #tpu.memory_space<vmem>>
                  %dma_start3A_480 = arith.constant 0 : i32
                  %dma_start3A_481 = arith.constant 0 : i32
                  %dma_start3A_482 = tpu.memref_slice %arg3[%dma_start3A_480, %dma_start3A_481, %multiple_of3A] : memref<4x8x1000000xf32, #tpu.memory_space<hbm>> -> memref<4x8x128xf32, #tpu.memory_space<hbm>>
                  %dma_start3A_483 = arith.constant 0 : i32
                  %dma_start3A_484 = arith.constant 0 : i32
                  %dma_start3A_485 = arith.constant 112 : i32
                  %dma_start3A_486 = tpu.memref_slice %dma_start3A_482[%dma_start3A_483, %dma_start3A_484, %dma_start3A_485] : memref<4x8x128xf32, #tpu.memory_space<hbm>> -> memref<4x8x16xf32, #tpu.memory_space<hbm>>
                  tpu.enqueue_dma source(%dma_start3A_486 : memref<4x8x16xf32, #tpu.memory_space<hbm>>) target(%dma_start3A_479 : memref<4x8x16xf32, #tpu.memory_space<vmem>>) target_semaphore(%arg8 : memref<!tpu.dma_semaphore, #tpu.memory_space<semaphore_mem>>)
                } else {
                }
              } else {
              }
            } else {
            }
          }
          %scan3A_412 = arith.constant 16 : i32
        } else {
        }
        %dma_wait3A = arith.constant 0 : i32
        %dma_wait3A_32 = arith.constant 0 : i32
        %dma_wait3A_33 = arith.constant 0 : i32
        %dma_wait3A_34 = tpu.memref_slice %arg6[%dma_wait3A, %dma_wait3A_32, %dma_wait3A_33] : memref<4x8x2048xf32, #tpu.memory_space<vmem>> -> memref<4x8x16xf32, #tpu.memory_space<vmem>>
        %dma_wait3A_35 = arith.constant 0 : i32
        %dma_wait3A_36 = arith.constant 0 : i32
        %dma_wait3A_37 = arith.constant 0 : i32
        %dma_wait3A_38 = tpu.memref_slice %arg3[%dma_wait3A_35, %dma_wait3A_36, %dma_wait3A_37] : memref<4x8x1000000xf32, #tpu.memory_space<hbm>> -> memref<4x8x16xf32, #tpu.memory_space<hbm>>
        %dma_wait3A_39 = arith.constant 0 : i32
        %dma_wait3A_40 = arith.constant 0 : i32
        %dma_wait3A_41 = arith.constant 0 : i32
        %dma_wait3A_42 = tpu.memref_slice %arg6[%dma_wait3A_39, %dma_wait3A_40, %dma_wait3A_41] : memref<4x8x2048xf32, #tpu.memory_space<vmem>> -> memref<4x8x16xf32, #tpu.memory_space<vmem>>
        %dma_wait3A_43 = arith.constant 0 : i32
        %dma_wait3A_44 = arith.constant 0 : i32
        %dma_wait3A_45 = arith.constant 0 : i32
        %dma_wait3A_46 = tpu.memref_slice %arg3[%dma_wait3A_43, %dma_wait3A_44, %dma_wait3A_45] : memref<4x8x1000000xf32, #tpu.memory_space<hbm>> -> memref<4x8x16xf32, #tpu.memory_space<hbm>>
        tpu.wait_dma2 semaphore(%arg8 : memref<!tpu.dma_semaphore, #tpu.memory_space<semaphore_mem>>) src(%dma_wait3A_46 : memref<4x8x16xf32, #tpu.memory_space<hbm>>) dst(%dma_wait3A_42 : memref<4x8x16xf32, #tpu.memory_space<vmem>>)
        %dma_wait3A_47 = arith.constant 0 : i32
        %dma_wait3A_48 = arith.constant 0 : i32
        %dma_wait3A_49 = arith.constant 0 : i32
        %dma_wait3A_50 = tpu.memref_slice %arg6[%dma_wait3A_47, %dma_wait3A_48, %dma_wait3A_49] : memref<4x8x2048xf32, #tpu.memory_space<vmem>> -> memref<4x8x16xf32, #tpu.memory_space<vmem>>
        %dma_wait3A_51 = arith.constant 0 : i32
        %dma_wait3A_52 = arith.constant 0 : i32
        %dma_wait3A_53 = arith.constant 0 : i32
        %dma_wait3A_54 = tpu.memref_slice %arg3[%dma_wait3A_51, %dma_wait3A_52, %dma_wait3A_53] : memref<4x8x1000000xf32, #tpu.memory_space<hbm>> -> memref<4x8x16xf32, #tpu.memory_space<hbm>>
        %dma_wait3A_55 = arith.constant 0 : i32
        %dma_wait3A_56 = arith.constant 0 : i32
        %dma_wait3A_57 = arith.constant 0 : i32
        %dma_wait3A_58 = tpu.memref_slice %arg6[%dma_wait3A_55, %dma_wait3A_56, %dma_wait3A_57] : memref<4x8x2048xf32, #tpu.memory_space<vmem>> -> memref<4x8x16xf32, #tpu.memory_space<vmem>>
        %dma_wait3A_59 = arith.constant 0 : i32
        %dma_wait3A_60 = arith.constant 0 : i32
        %dma_wait3A_61 = arith.constant 0 : i32
        %dma_wait3A_62 = tpu.memref_slice %arg3[%dma_wait3A_59, %dma_wait3A_60, %dma_wait3A_61] : memref<4x8x1000000xf32, #tpu.memory_space<hbm>> -> memref<4x8x16xf32, #tpu.memory_space<hbm>>
        tpu.wait_dma2 semaphore(%arg8 : memref<!tpu.dma_semaphore, #tpu.memory_space<semaphore_mem>>) src(%dma_wait3A_62 : memref<4x8x16xf32, #tpu.memory_space<hbm>>) dst(%dma_wait3A_58 : memref<4x8x16xf32, #tpu.memory_space<vmem>>)
        %dma_wait3A_63 = arith.constant 0 : i32
        %dma_wait3A_64 = arith.constant 0 : i32
        %dma_wait3A_65 = arith.constant 0 : i32
        %dma_wait3A_66 = tpu.memref_slice %arg6[%dma_wait3A_63, %dma_wait3A_64, %dma_wait3A_65] : memref<4x8x2048xf32, #tpu.memory_space<vmem>> -> memref<4x8x16xf32, #tpu.memory_space<vmem>>
        %dma_wait3A_67 = arith.constant 0 : i32
        %dma_wait3A_68 = arith.constant 0 : i32
        %dma_wait3A_69 = arith.constant 0 : i32
        %dma_wait3A_70 = tpu.memref_slice %arg3[%dma_wait3A_67, %dma_wait3A_68, %dma_wait3A_69] : memref<4x8x1000000xf32, #tpu.memory_space<hbm>> -> memref<4x8x16xf32, #tpu.memory_space<hbm>>
        %dma_wait3A_71 = arith.constant 0 : i32
        %dma_wait3A_72 = arith.constant 0 : i32
        %dma_wait3A_73 = arith.constant 0 : i32
        %dma_wait3A_74 = tpu.memref_slice %arg6[%dma_wait3A_71, %dma_wait3A_72, %dma_wait3A_73] : memref<4x8x2048xf32, #tpu.memory_space<vmem>> -> memref<4x8x16xf32, #tpu.memory_space<vmem>>
        %dma_wait3A_75 = arith.constant 0 : i32
        %dma_wait3A_76 = arith.constant 0 : i32
        %dma_wait3A_77 = arith.constant 0 : i32
        %dma_wait3A_78 = tpu.memref_slice %arg3[%dma_wait3A_75, %dma_wait3A_76, %dma_wait3A_77] : memref<4x8x1000000xf32, #tpu.memory_space<hbm>> -> memref<4x8x16xf32, #tpu.memory_space<hbm>>
        tpu.wait_dma2 semaphore(%arg8 : memref<!tpu.dma_semaphore, #tpu.memory_space<semaphore_mem>>) src(%dma_wait3A_78 : memref<4x8x16xf32, #tpu.memory_space<hbm>>) dst(%dma_wait3A_74 : memref<4x8x16xf32, #tpu.memory_space<vmem>>)
        %dma_wait3A_79 = arith.constant 0 : i32
        %dma_wait3A_80 = arith.constant 0 : i32
        %dma_wait3A_81 = arith.constant 0 : i32
        %dma_wait3A_82 = tpu.memref_slice %arg6[%dma_wait3A_79, %dma_wait3A_80, %dma_wait3A_81] : memref<4x8x2048xf32, #tpu.memory_space<vmem>> -> memref<4x8x16xf32, #tpu.memory_space<vmem>>
        %dma_wait3A_83 = arith.constant 0 : i32
        %dma_wait3A_84 = arith.constant 0 : i32
        %dma_wait3A_85 = arith.constant 0 : i32
        %dma_wait3A_86 = tpu.memref_slice %arg3[%dma_wait3A_83, %dma_wait3A_84, %dma_wait3A_85] : memref<4x8x1000000xf32, #tpu.memory_space<hbm>> -> memref<4x8x16xf32, #tpu.memory_space<hbm>>
        %dma_wait3A_87 = arith.constant 0 : i32
        %dma_wait3A_88 = arith.constant 0 : i32
        %dma_wait3A_89 = arith.constant 0 : i32
        %dma_wait3A_90 = tpu.memref_slice %arg6[%dma_wait3A_87, %dma_wait3A_88, %dma_wait3A_89] : memref<4x8x2048xf32, #tpu.memory_space<vmem>> -> memref<4x8x16xf32, #tpu.memory_space<vmem>>
        %dma_wait3A_91 = arith.constant 0 : i32
        %dma_wait3A_92 = arith.constant 0 : i32
        %dma_wait3A_93 = arith.constant 0 : i32
        %dma_wait3A_94 = tpu.memref_slice %arg3[%dma_wait3A_91, %dma_wait3A_92, %dma_wait3A_93] : memref<4x8x1000000xf32, #tpu.memory_space<hbm>> -> memref<4x8x16xf32, #tpu.memory_space<hbm>>
        tpu.wait_dma2 semaphore(%arg8 : memref<!tpu.dma_semaphore, #tpu.memory_space<semaphore_mem>>) src(%dma_wait3A_94 : memref<4x8x16xf32, #tpu.memory_space<hbm>>) dst(%dma_wait3A_90 : memref<4x8x16xf32, #tpu.memory_space<vmem>>)
        %dma_wait3A_95 = arith.constant 0 : i32
        %dma_wait3A_96 = arith.constant 0 : i32
        %dma_wait3A_97 = arith.constant 0 : i32
        %dma_wait3A_98 = tpu.memref_slice %arg6[%dma_wait3A_95, %dma_wait3A_96, %dma_wait3A_97] : memref<4x8x2048xf32, #tpu.memory_space<vmem>> -> memref<4x8x16xf32, #tpu.memory_space<vmem>>
        %dma_wait3A_99 = arith.constant 0 : i32
        %dma_wait3A_100 = arith.constant 0 : i32
        %dma_wait3A_101 = arith.constant 0 : i32
        %dma_wait3A_102 = tpu.memref_slice %arg3[%dma_wait3A_99, %dma_wait3A_100, %dma_wait3A_101] : memref<4x8x1000000xf32, #tpu.memory_space<hbm>> -> memref<4x8x16xf32, #tpu.memory_space<hbm>>
        %dma_wait3A_103 = arith.constant 0 : i32
        %dma_wait3A_104 = arith.constant 0 : i32
        %dma_wait3A_105 = arith.constant 0 : i32
        %dma_wait3A_106 = tpu.memref_slice %arg6[%dma_wait3A_103, %dma_wait3A_104, %dma_wait3A_105] : memref<4x8x2048xf32, #tpu.memory_space<vmem>> -> memref<4x8x16xf32, #tpu.memory_space<vmem>>
        %dma_wait3A_107 = arith.constant 0 : i32
        %dma_wait3A_108 = arith.constant 0 : i32
        %dma_wait3A_109 = arith.constant 0 : i32
        %dma_wait3A_110 = tpu.memref_slice %arg3[%dma_wait3A_107, %dma_wait3A_108, %dma_wait3A_109] : memref<4x8x1000000xf32, #tpu.memory_space<hbm>> -> memref<4x8x16xf32, #tpu.memory_space<hbm>>
        tpu.wait_dma2 semaphore(%arg8 : memref<!tpu.dma_semaphore, #tpu.memory_space<semaphore_mem>>) src(%dma_wait3A_110 : memref<4x8x16xf32, #tpu.memory_space<hbm>>) dst(%dma_wait3A_106 : memref<4x8x16xf32, #tpu.memory_space<vmem>>)
        %dma_wait3A_111 = arith.constant 0 : i32
        %dma_wait3A_112 = arith.constant 0 : i32
        %dma_wait3A_113 = arith.constant 0 : i32
        %dma_wait3A_114 = tpu.memref_slice %arg6[%dma_wait3A_111, %dma_wait3A_112, %dma_wait3A_113] : memref<4x8x2048xf32, #tpu.memory_space<vmem>> -> memref<4x8x16xf32, #tpu.memory_space<vmem>>
        %dma_wait3A_115 = arith.constant 0 : i32
        %dma_wait3A_116 = arith.constant 0 : i32
        %dma_wait3A_117 = arith.constant 0 : i32
        %dma_wait3A_118 = tpu.memref_slice %arg3[%dma_wait3A_115, %dma_wait3A_116, %dma_wait3A_117] : memref<4x8x1000000xf32, #tpu.memory_space<hbm>> -> memref<4x8x16xf32, #tpu.memory_space<hbm>>
        %dma_wait3A_119 = arith.constant 0 : i32
        %dma_wait3A_120 = arith.constant 0 : i32
        %dma_wait3A_121 = arith.constant 0 : i32
        %dma_wait3A_122 = tpu.memref_slice %arg6[%dma_wait3A_119, %dma_wait3A_120, %dma_wait3A_121] : memref<4x8x2048xf32, #tpu.memory_space<vmem>> -> memref<4x8x16xf32, #tpu.memory_space<vmem>>
        %dma_wait3A_123 = arith.constant 0 : i32
        %dma_wait3A_124 = arith.constant 0 : i32
        %dma_wait3A_125 = arith.constant 0 : i32
        %dma_wait3A_126 = tpu.memref_slice %arg3[%dma_wait3A_123, %dma_wait3A_124, %dma_wait3A_125] : memref<4x8x1000000xf32, #tpu.memory_space<hbm>> -> memref<4x8x16xf32, #tpu.memory_space<hbm>>
        tpu.wait_dma2 semaphore(%arg8 : memref<!tpu.dma_semaphore, #tpu.memory_space<semaphore_mem>>) src(%dma_wait3A_126 : memref<4x8x16xf32, #tpu.memory_space<hbm>>) dst(%dma_wait3A_122 : memref<4x8x16xf32, #tpu.memory_space<vmem>>)
        %dma_wait3A_127 = arith.constant 0 : i32
        %dma_wait3A_128 = arith.constant 0 : i32
        %dma_wait3A_129 = arith.constant 0 : i32
        %dma_wait3A_130 = tpu.memref_slice %arg6[%dma_wait3A_127, %dma_wait3A_128, %dma_wait3A_129] : memref<4x8x2048xf32, #tpu.memory_space<vmem>> -> memref<4x8x16xf32, #tpu.memory_space<vmem>>
        %dma_wait3A_131 = arith.constant 0 : i32
        %dma_wait3A_132 = arith.constant 0 : i32
        %dma_wait3A_133 = arith.constant 0 : i32
        %dma_wait3A_134 = tpu.memref_slice %arg3[%dma_wait3A_131, %dma_wait3A_132, %dma_wait3A_133] : memref<4x8x1000000xf32, #tpu.memory_space<hbm>> -> memref<4x8x16xf32, #tpu.memory_space<hbm>>
        %dma_wait3A_135 = arith.constant 0 : i32
        %dma_wait3A_136 = arith.constant 0 : i32
        %dma_wait3A_137 = arith.constant 0 : i32
        %dma_wait3A_138 = tpu.memref_slice %arg6[%dma_wait3A_135, %dma_wait3A_136, %dma_wait3A_137] : memref<4x8x2048xf32, #tpu.memory_space<vmem>> -> memref<4x8x16xf32, #tpu.memory_space<vmem>>
        %dma_wait3A_139 = arith.constant 0 : i32
        %dma_wait3A_140 = arith.constant 0 : i32
        %dma_wait3A_141 = arith.constant 0 : i32
        %dma_wait3A_142 = tpu.memref_slice %arg3[%dma_wait3A_139, %dma_wait3A_140, %dma_wait3A_141] : memref<4x8x1000000xf32, #tpu.memory_space<hbm>> -> memref<4x8x16xf32, #tpu.memory_space<hbm>>
        tpu.wait_dma2 semaphore(%arg8 : memref<!tpu.dma_semaphore, #tpu.memory_space<semaphore_mem>>) src(%dma_wait3A_142 : memref<4x8x16xf32, #tpu.memory_space<hbm>>) dst(%dma_wait3A_138 : memref<4x8x16xf32, #tpu.memory_space<vmem>>)
        %dma_wait3A_143 = arith.constant 0 : i32
        %dma_wait3A_144 = arith.constant 0 : i32
        %dma_wait3A_145 = arith.constant 0 : i32
        %dma_wait3A_146 = tpu.memref_slice %arg6[%dma_wait3A_143, %dma_wait3A_144, %dma_wait3A_145] : memref<4x8x2048xf32, #tpu.memory_space<vmem>> -> memref<4x8x16xf32, #tpu.memory_space<vmem>>
        %dma_wait3A_147 = arith.constant 0 : i32
        %dma_wait3A_148 = arith.constant 0 : i32
        %dma_wait3A_149 = arith.constant 0 : i32
        %dma_wait3A_150 = tpu.memref_slice %arg3[%dma_wait3A_147, %dma_wait3A_148, %dma_wait3A_149] : memref<4x8x1000000xf32, #tpu.memory_space<hbm>> -> memref<4x8x16xf32, #tpu.memory_space<hbm>>
        %dma_wait3A_151 = arith.constant 0 : i32
        %dma_wait3A_152 = arith.constant 0 : i32
        %dma_wait3A_153 = arith.constant 0 : i32
        %dma_wait3A_154 = tpu.memref_slice %arg6[%dma_wait3A_151, %dma_wait3A_152, %dma_wait3A_153] : memref<4x8x2048xf32, #tpu.memory_space<vmem>> -> memref<4x8x16xf32, #tpu.memory_space<vmem>>
        %dma_wait3A_155 = arith.constant 0 : i32
        %dma_wait3A_156 = arith.constant 0 : i32
        %dma_wait3A_157 = arith.constant 0 : i32
        %dma_wait3A_158 = tpu.memref_slice %arg3[%dma_wait3A_155, %dma_wait3A_156, %dma_wait3A_157] : memref<4x8x1000000xf32, #tpu.memory_space<hbm>> -> memref<4x8x16xf32, #tpu.memory_space<hbm>>
        tpu.wait_dma2 semaphore(%arg8 : memref<!tpu.dma_semaphore, #tpu.memory_space<semaphore_mem>>) src(%dma_wait3A_158 : memref<4x8x16xf32, #tpu.memory_space<hbm>>) dst(%dma_wait3A_154 : memref<4x8x16xf32, #tpu.memory_space<vmem>>)
        %dma_wait3A_159 = arith.constant 0 : i32
        %dma_wait3A_160 = arith.constant 0 : i32
        %dma_wait3A_161 = arith.constant 0 : i32
        %dma_wait3A_162 = tpu.memref_slice %arg6[%dma_wait3A_159, %dma_wait3A_160, %dma_wait3A_161] : memref<4x8x2048xf32, #tpu.memory_space<vmem>> -> memref<4x8x16xf32, #tpu.memory_space<vmem>>
        %dma_wait3A_163 = arith.constant 0 : i32
        %dma_wait3A_164 = arith.constant 0 : i32
        %dma_wait3A_165 = arith.constant 0 : i32
        %dma_wait3A_166 = tpu.memref_slice %arg3[%dma_wait3A_163, %dma_wait3A_164, %dma_wait3A_165] : memref<4x8x1000000xf32, #tpu.memory_space<hbm>> -> memref<4x8x16xf32, #tpu.memory_space<hbm>>
        %dma_wait3A_167 = arith.constant 0 : i32
        %dma_wait3A_168 = arith.constant 0 : i32
        %dma_wait3A_169 = arith.constant 0 : i32
        %dma_wait3A_170 = tpu.memref_slice %arg6[%dma_wait3A_167, %dma_wait3A_168, %dma_wait3A_169] : memref<4x8x2048xf32, #tpu.memory_space<vmem>> -> memref<4x8x16xf32, #tpu.memory_space<vmem>>
        %dma_wait3A_171 = arith.constant 0 : i32
        %dma_wait3A_172 = arith.constant 0 : i32
        %dma_wait3A_173 = arith.constant 0 : i32
        %dma_wait3A_174 = tpu.memref_slice %arg3[%dma_wait3A_171, %dma_wait3A_172, %dma_wait3A_173] : memref<4x8x1000000xf32, #tpu.memory_space<hbm>> -> memref<4x8x16xf32, #tpu.memory_space<hbm>>
        tpu.wait_dma2 semaphore(%arg8 : memref<!tpu.dma_semaphore, #tpu.memory_space<semaphore_mem>>) src(%dma_wait3A_174 : memref<4x8x16xf32, #tpu.memory_space<hbm>>) dst(%dma_wait3A_170 : memref<4x8x16xf32, #tpu.memory_space<vmem>>)
        %dma_wait3A_175 = arith.constant 0 : i32
        %dma_wait3A_176 = arith.constant 0 : i32
        %dma_wait3A_177 = arith.constant 0 : i32
        %dma_wait3A_178 = tpu.memref_slice %arg6[%dma_wait3A_175, %dma_wait3A_176, %dma_wait3A_177] : memref<4x8x2048xf32, #tpu.memory_space<vmem>> -> memref<4x8x16xf32, #tpu.memory_space<vmem>>
        %dma_wait3A_179 = arith.constant 0 : i32
        %dma_wait3A_180 = arith.constant 0 : i32
        %dma_wait3A_181 = arith.constant 0 : i32
        %dma_wait3A_182 = tpu.memref_slice %arg3[%dma_wait3A_179, %dma_wait3A_180, %dma_wait3A_181] : memref<4x8x1000000xf32, #tpu.memory_space<hbm>> -> memref<4x8x16xf32, #tpu.memory_space<hbm>>
        %dma_wait3A_183 = arith.constant 0 : i32
        %dma_wait3A_184 = arith.constant 0 : i32
        %dma_wait3A_185 = arith.constant 0 : i32
        %dma_wait3A_186 = tpu.memref_slice %arg6[%dma_wait3A_183, %dma_wait3A_184, %dma_wait3A_185] : memref<4x8x2048xf32, #tpu.memory_space<vmem>> -> memref<4x8x16xf32, #tpu.memory_space<vmem>>
        %dma_wait3A_187 = arith.constant 0 : i32
        %dma_wait3A_188 = arith.constant 0 : i32
        %dma_wait3A_189 = arith.constant 0 : i32
        %dma_wait3A_190 = tpu.memref_slice %arg3[%dma_wait3A_187, %dma_wait3A_188, %dma_wait3A_189] : memref<4x8x1000000xf32, #tpu.memory_space<hbm>> -> memref<4x8x16xf32, #tpu.memory_space<hbm>>
        tpu.wait_dma2 semaphore(%arg8 : memref<!tpu.dma_semaphore, #tpu.memory_space<semaphore_mem>>) src(%dma_wait3A_190 : memref<4x8x16xf32, #tpu.memory_space<hbm>>) dst(%dma_wait3A_186 : memref<4x8x16xf32, #tpu.memory_space<vmem>>)
        %dma_wait3A_191 = arith.constant 0 : i32
        %dma_wait3A_192 = arith.constant 0 : i32
        %dma_wait3A_193 = arith.constant 0 : i32
        %dma_wait3A_194 = tpu.memref_slice %arg6[%dma_wait3A_191, %dma_wait3A_192, %dma_wait3A_193] : memref<4x8x2048xf32, #tpu.memory_space<vmem>> -> memref<4x8x16xf32, #tpu.memory_space<vmem>>
        %dma_wait3A_195 = arith.constant 0 : i32
        %dma_wait3A_196 = arith.constant 0 : i32
        %dma_wait3A_197 = arith.constant 0 : i32
        %dma_wait3A_198 = tpu.memref_slice %arg3[%dma_wait3A_195, %dma_wait3A_196, %dma_wait3A_197] : memref<4x8x1000000xf32, #tpu.memory_space<hbm>> -> memref<4x8x16xf32, #tpu.memory_space<hbm>>
        %dma_wait3A_199 = arith.constant 0 : i32
        %dma_wait3A_200 = arith.constant 0 : i32
        %dma_wait3A_201 = arith.constant 0 : i32
        %dma_wait3A_202 = tpu.memref_slice %arg6[%dma_wait3A_199, %dma_wait3A_200, %dma_wait3A_201] : memref<4x8x2048xf32, #tpu.memory_space<vmem>> -> memref<4x8x16xf32, #tpu.memory_space<vmem>>
        %dma_wait3A_203 = arith.constant 0 : i32
        %dma_wait3A_204 = arith.constant 0 : i32
        %dma_wait3A_205 = arith.constant 0 : i32
        %dma_wait3A_206 = tpu.memref_slice %arg3[%dma_wait3A_203, %dma_wait3A_204, %dma_wait3A_205] : memref<4x8x1000000xf32, #tpu.memory_space<hbm>> -> memref<4x8x16xf32, #tpu.memory_space<hbm>>
        tpu.wait_dma2 semaphore(%arg8 : memref<!tpu.dma_semaphore, #tpu.memory_space<semaphore_mem>>) src(%dma_wait3A_206 : memref<4x8x16xf32, #tpu.memory_space<hbm>>) dst(%dma_wait3A_202 : memref<4x8x16xf32, #tpu.memory_space<vmem>>)
        %dma_wait3A_207 = arith.constant 0 : i32
        %dma_wait3A_208 = arith.constant 0 : i32
        %dma_wait3A_209 = arith.constant 0 : i32
        %dma_wait3A_210 = tpu.memref_slice %arg6[%dma_wait3A_207, %dma_wait3A_208, %dma_wait3A_209] : memref<4x8x2048xf32, #tpu.memory_space<vmem>> -> memref<4x8x16xf32, #tpu.memory_space<vmem>>
        %dma_wait3A_211 = arith.constant 0 : i32
        %dma_wait3A_212 = arith.constant 0 : i32
        %dma_wait3A_213 = arith.constant 0 : i32
        %dma_wait3A_214 = tpu.memref_slice %arg3[%dma_wait3A_211, %dma_wait3A_212, %dma_wait3A_213] : memref<4x8x1000000xf32, #tpu.memory_space<hbm>> -> memref<4x8x16xf32, #tpu.memory_space<hbm>>
        %dma_wait3A_215 = arith.constant 0 : i32
        %dma_wait3A_216 = arith.constant 0 : i32
        %dma_wait3A_217 = arith.constant 0 : i32
        %dma_wait3A_218 = tpu.memref_slice %arg6[%dma_wait3A_215, %dma_wait3A_216, %dma_wait3A_217] : memref<4x8x2048xf32, #tpu.memory_space<vmem>> -> memref<4x8x16xf32, #tpu.memory_space<vmem>>
        %dma_wait3A_219 = arith.constant 0 : i32
        %dma_wait3A_220 = arith.constant 0 : i32
        %dma_wait3A_221 = arith.constant 0 : i32
        %dma_wait3A_222 = tpu.memref_slice %arg3[%dma_wait3A_219, %dma_wait3A_220, %dma_wait3A_221] : memref<4x8x1000000xf32, #tpu.memory_space<hbm>> -> memref<4x8x16xf32, #tpu.memory_space<hbm>>
        tpu.wait_dma2 semaphore(%arg8 : memref<!tpu.dma_semaphore, #tpu.memory_space<semaphore_mem>>) src(%dma_wait3A_222 : memref<4x8x16xf32, #tpu.memory_space<hbm>>) dst(%dma_wait3A_218 : memref<4x8x16xf32, #tpu.memory_space<vmem>>)
        %dma_wait3A_223 = arith.constant 0 : i32
        %dma_wait3A_224 = arith.constant 0 : i32
        %dma_wait3A_225 = arith.constant 0 : i32
        %dma_wait3A_226 = tpu.memref_slice %arg6[%dma_wait3A_223, %dma_wait3A_224, %dma_wait3A_225] : memref<4x8x2048xf32, #tpu.memory_space<vmem>> -> memref<4x8x16xf32, #tpu.memory_space<vmem>>
        %dma_wait3A_227 = arith.constant 0 : i32
        %dma_wait3A_228 = arith.constant 0 : i32
        %dma_wait3A_229 = arith.constant 0 : i32
        %dma_wait3A_230 = tpu.memref_slice %arg3[%dma_wait3A_227, %dma_wait3A_228, %dma_wait3A_229] : memref<4x8x1000000xf32, #tpu.memory_space<hbm>> -> memref<4x8x16xf32, #tpu.memory_space<hbm>>
        %dma_wait3A_231 = arith.constant 0 : i32
        %dma_wait3A_232 = arith.constant 0 : i32
        %dma_wait3A_233 = arith.constant 0 : i32
        %dma_wait3A_234 = tpu.memref_slice %arg6[%dma_wait3A_231, %dma_wait3A_232, %dma_wait3A_233] : memref<4x8x2048xf32, #tpu.memory_space<vmem>> -> memref<4x8x16xf32, #tpu.memory_space<vmem>>
        %dma_wait3A_235 = arith.constant 0 : i32
        %dma_wait3A_236 = arith.constant 0 : i32
        %dma_wait3A_237 = arith.constant 0 : i32
        %dma_wait3A_238 = tpu.memref_slice %arg3[%dma_wait3A_235, %dma_wait3A_236, %dma_wait3A_237] : memref<4x8x1000000xf32, #tpu.memory_space<hbm>> -> memref<4x8x16xf32, #tpu.memory_space<hbm>>
        tpu.wait_dma2 semaphore(%arg8 : memref<!tpu.dma_semaphore, #tpu.memory_space<semaphore_mem>>) src(%dma_wait3A_238 : memref<4x8x16xf32, #tpu.memory_space<hbm>>) dst(%dma_wait3A_234 : memref<4x8x16xf32, #tpu.memory_space<vmem>>)
        %dma_wait3A_239 = arith.constant 0 : i32
        %dma_wait3A_240 = arith.constant 0 : i32
        %dma_wait3A_241 = arith.constant 0 : i32
        %dma_wait3A_242 = tpu.memref_slice %arg6[%dma_wait3A_239, %dma_wait3A_240, %dma_wait3A_241] : memref<4x8x2048xf32, #tpu.memory_space<vmem>> -> memref<4x8x16xf32, #tpu.memory_space<vmem>>
        %dma_wait3A_243 = arith.constant 0 : i32
        %dma_wait3A_244 = arith.constant 0 : i32
        %dma_wait3A_245 = arith.constant 0 : i32
        %dma_wait3A_246 = tpu.memref_slice %arg3[%dma_wait3A_243, %dma_wait3A_244, %dma_wait3A_245] : memref<4x8x1000000xf32, #tpu.memory_space<hbm>> -> memref<4x8x16xf32, #tpu.memory_space<hbm>>
        %dma_wait3A_247 = arith.constant 0 : i32
        %dma_wait3A_248 = arith.constant 0 : i32
        %dma_wait3A_249 = arith.constant 0 : i32
        %dma_wait3A_250 = tpu.memref_slice %arg6[%dma_wait3A_247, %dma_wait3A_248, %dma_wait3A_249] : memref<4x8x2048xf32, #tpu.memory_space<vmem>> -> memref<4x8x16xf32, #tpu.memory_space<vmem>>
        %dma_wait3A_251 = arith.constant 0 : i32
        %dma_wait3A_252 = arith.constant 0 : i32
        %dma_wait3A_253 = arith.constant 0 : i32
        %dma_wait3A_254 = tpu.memref_slice %arg3[%dma_wait3A_251, %dma_wait3A_252, %dma_wait3A_253] : memref<4x8x1000000xf32, #tpu.memory_space<hbm>> -> memref<4x8x16xf32, #tpu.memory_space<hbm>>
        tpu.wait_dma2 semaphore(%arg8 : memref<!tpu.dma_semaphore, #tpu.memory_space<semaphore_mem>>) src(%dma_wait3A_254 : memref<4x8x16xf32, #tpu.memory_space<hbm>>) dst(%dma_wait3A_250 : memref<4x8x16xf32, #tpu.memory_space<vmem>>)
        %dma_wait3A_255 = arith.constant 0 : i32
        %dma_wait3A_256 = arith.constant 0 : i32
        %dma_wait3A_257 = arith.constant 0 : i32
        %dma_wait3A_258 = tpu.memref_slice %arg6[%dma_wait3A_255, %dma_wait3A_256, %dma_wait3A_257] : memref<4x8x2048xf32, #tpu.memory_space<vmem>> -> memref<4x8x16xf32, #tpu.memory_space<vmem>>
        %dma_wait3A_259 = arith.constant 0 : i32
        %dma_wait3A_260 = arith.constant 0 : i32
        %dma_wait3A_261 = arith.constant 0 : i32
        %dma_wait3A_262 = tpu.memref_slice %arg3[%dma_wait3A_259, %dma_wait3A_260, %dma_wait3A_261] : memref<4x8x1000000xf32, #tpu.memory_space<hbm>> -> memref<4x8x16xf32, #tpu.memory_space<hbm>>
        %dma_wait3A_263 = arith.constant 0 : i32
        %dma_wait3A_264 = arith.constant 0 : i32
        %dma_wait3A_265 = arith.constant 0 : i32
        %dma_wait3A_266 = tpu.memref_slice %arg6[%dma_wait3A_263, %dma_wait3A_264, %dma_wait3A_265] : memref<4x8x2048xf32, #tpu.memory_space<vmem>> -> memref<4x8x16xf32, #tpu.memory_space<vmem>>
        %dma_wait3A_267 = arith.constant 0 : i32
        %dma_wait3A_268 = arith.constant 0 : i32
        %dma_wait3A_269 = arith.constant 0 : i32
        %dma_wait3A_270 = tpu.memref_slice %arg3[%dma_wait3A_267, %dma_wait3A_268, %dma_wait3A_269] : memref<4x8x1000000xf32, #tpu.memory_space<hbm>> -> memref<4x8x16xf32, #tpu.memory_space<hbm>>
        tpu.wait_dma2 semaphore(%arg8 : memref<!tpu.dma_semaphore, #tpu.memory_space<semaphore_mem>>) src(%dma_wait3A_270 : memref<4x8x16xf32, #tpu.memory_space<hbm>>) dst(%dma_wait3A_266 : memref<4x8x16xf32, #tpu.memory_space<vmem>>)
        %dma_wait3A_271 = arith.constant 0 : i32
        %dma_wait3A_272 = arith.constant 0 : i32
        %dma_wait3A_273 = arith.constant 0 : i32
        %dma_wait3A_274 = tpu.memref_slice %arg6[%dma_wait3A_271, %dma_wait3A_272, %dma_wait3A_273] : memref<4x8x2048xf32, #tpu.memory_space<vmem>> -> memref<4x8x16xf32, #tpu.memory_space<vmem>>
        %dma_wait3A_275 = arith.constant 0 : i32
        %dma_wait3A_276 = arith.constant 0 : i32
        %dma_wait3A_277 = arith.constant 0 : i32
        %dma_wait3A_278 = tpu.memref_slice %arg3[%dma_wait3A_275, %dma_wait3A_276, %dma_wait3A_277] : memref<4x8x1000000xf32, #tpu.memory_space<hbm>> -> memref<4x8x16xf32, #tpu.memory_space<hbm>>
        %dma_wait3A_279 = arith.constant 0 : i32
        %dma_wait3A_280 = arith.constant 0 : i32
        %dma_wait3A_281 = arith.constant 0 : i32
        %dma_wait3A_282 = tpu.memref_slice %arg6[%dma_wait3A_279, %dma_wait3A_280, %dma_wait3A_281] : memref<4x8x2048xf32, #tpu.memory_space<vmem>> -> memref<4x8x16xf32, #tpu.memory_space<vmem>>
        %dma_wait3A_283 = arith.constant 0 : i32
        %dma_wait3A_284 = arith.constant 0 : i32
        %dma_wait3A_285 = arith.constant 0 : i32
        %dma_wait3A_286 = tpu.memref_slice %arg3[%dma_wait3A_283, %dma_wait3A_284, %dma_wait3A_285] : memref<4x8x1000000xf32, #tpu.memory_space<hbm>> -> memref<4x8x16xf32, #tpu.memory_space<hbm>>
        tpu.wait_dma2 semaphore(%arg8 : memref<!tpu.dma_semaphore, #tpu.memory_space<semaphore_mem>>) src(%dma_wait3A_286 : memref<4x8x16xf32, #tpu.memory_space<hbm>>) dst(%dma_wait3A_282 : memref<4x8x16xf32, #tpu.memory_space<vmem>>)
        %mul3A_287 = arith.constant 16 : i32
        %mul3A_288 = arith.muli %add3A_29, %mul3A_287 : i32
        %add3A_289 = arith.addi %mul3A_13, %mul3A_288 : i32
        %get3A = arith.index_cast %add3A_289 : i32 to index
        %get3A_290 = tpu.vector_load %arg5[%get3A] {strides = array<i32>} : memref<528xi32, #tpu.memory_space<vmem>>, vector<16xi32>,
        %iota3A = tpu.iota {dimensions = array<i32: 0>} : vector<16xi32>
        %mul3A_291 = arith.constant 16 : i32
        %mul3A_292 = arith.muli %add3A_29, %mul3A_291 : i32
        %add3A_293 = vector.broadcast %mul3A_292 : i32 to vector<16xi32>
        %add3A_294 = arith.addi %iota3A, %add3A_293 : vector<16xi32>
        %mul3A_295 = arith.constant 16 : i32
        %mul3A_296 = vector.broadcast %mul3A_295 : i32 to vector<16xi32>
        %mul3A_297 = arith.muli %add3A_294, %mul3A_296 : vector<16xi32>
        %and3A = arith.constant 15 : i32
        %and3A_298 = vector.broadcast %and3A : i32 to vector<16xi32>
        %and3A_299 = arith.andi %get3A_290, %and3A_298 : vector<16xi32>
        %add3A_300 = arith.addi %mul3A_297, %and3A_299 : vector<16xi32>
        %broadcast_in_dim3A = arith.constant 0 : i32
        %broadcast_in_dim3A_301 = vector.broadcast %broadcast_in_dim3A : i32 to vector<16xi32>
        %broadcast_in_dim3A_302 = arith.constant 0 : i32
        %broadcast_in_dim3A_303 = vector.broadcast %broadcast_in_dim3A_302 : i32 to vector<16xi32>
        %gather3A = tpu.vector_load_idx %arg6[%broadcast_in_dim3A_301, %broadcast_in_dim3A_303, %add3A_300] : memref<4x8x2048xf32, #tpu.memory_space<vmem>>[vector<16xi32>, vector<16xi32>, vector<16xi32>], vector<16xf32>,
        tpu.vector_store_idx %arg7[%broadcast_in_dim3A_301, %broadcast_in_dim3A_303, %add3A_294], %gather3A : memref<4x8x128xf32, #tpu.memory_space<vmem>>[vector<16xi32>, vector<16xi32>, vector<16xi32>], vector<16xf32>,
        %broadcast_in_dim3A_304 = arith.constant 1 : i32
        %broadcast_in_dim3A_305 = vector.broadcast %broadcast_in_dim3A_304 : i32 to vector<16xi32>
        %gather3A_306 = tpu.vector_load_idx %arg6[%broadcast_in_dim3A_301, %broadcast_in_dim3A_305, %add3A_300] : memref<4x8x2048xf32, #tpu.memory_space<vmem>>[vector<16xi32>, vector<16xi32>, vector<16xi32>], vector<16xf32>,
        tpu.vector_store_idx %arg7[%broadcast_in_dim3A_301, %broadcast_in_dim3A_305, %add3A_294], %gather3A_306 : memref<4x8x128xf32, #tpu.memory_space<vmem>>[vector<16xi32>, vector<16xi32>, vector<16xi32>], vector<16xf32>,
        %broadcast_in_dim3A_307 = arith.constant 2 : i32
        %broadcast_in_dim3A_308 = vector.broadcast %broadcast_in_dim3A_307 : i32 to vector<16xi32>
        %gather3A_309 = tpu.vector_load_idx %arg6[%broadcast_in_dim3A_301, %broadcast_in_dim3A_308, %add3A_300] : memref<4x8x2048xf32, #tpu.memory_space<vmem>>[vector<16xi32>, vector<16xi32>, vector<16xi32>], vector<16xf32>,
        tpu.vector_store_idx %arg7[%broadcast_in_dim3A_301, %broadcast_in_dim3A_308, %add3A_294], %gather3A_309 : memref<4x8x128xf32, #tpu.memory_space<vmem>>[vector<16xi32>, vector<16xi32>, vector<16xi32>], vector<16xf32>,
        %broadcast_in_dim3A_310 = arith.constant 3 : i32
        %broadcast_in_dim3A_311 = vector.broadcast %broadcast_in_dim3A_310 : i32 to vector<16xi32>
        %gather3A_312 = tpu.vector_load_idx %arg6[%broadcast_in_dim3A_301, %broadcast_in_dim3A_311, %add3A_300] : memref<4x8x2048xf32, #tpu.memory_space<vmem>>[vector<16xi32>, vector<16xi32>, vector<16xi32>], vector<16xf32>,
        tpu.vector_store_idx %arg7[%broadcast_in_dim3A_301, %broadcast_in_dim3A_311, %add3A_294], %gather3A_312 : memref<4x8x128xf32, #tpu.memory_space<vmem>>[vector<16xi32>, vector<16xi32>, vector<16xi32>], vector<16xf32>,
        %broadcast_in_dim3A_313 = arith.constant 4 : i32
        %broadcast_in_dim3A_314 = vector.broadcast %broadcast_in_dim3A_313 : i32 to vector<16xi32>
        %gather3A_315 = tpu.vector_load_idx %arg6[%broadcast_in_dim3A_301, %broadcast_in_dim3A_314, %add3A_300] : memref<4x8x2048xf32, #tpu.memory_space<vmem>>[vector<16xi32>, vector<16xi32>, vector<16xi32>], vector<16xf32>,
        tpu.vector_store_idx %arg7[%broadcast_in_dim3A_301, %broadcast_in_dim3A_314, %add3A_294], %gather3A_315 : memref<4x8x128xf32, #tpu.memory_space<vmem>>[vector<16xi32>, vector<16xi32>, vector<16xi32>], vector<16xf32>,
        %broadcast_in_dim3A_316 = arith.constant 5 : i32
        %broadcast_in_dim3A_317 = vector.broadcast %broadcast_in_dim3A_316 : i32 to vector<16xi32>
        %gather3A_318 = tpu.vector_load_idx %arg6[%broadcast_in_dim3A_301, %broadcast_in_dim3A_317, %add3A_300] : memref<4x8x2048xf32, #tpu.memory_space<vmem>>[vector<16xi32>, vector<16xi32>, vector<16xi32>], vector<16xf32>,
        tpu.vector_store_idx %arg7[%broadcast_in_dim3A_301, %broadcast_in_dim3A_317, %add3A_294], %gather3A_318 : memref<4x8x128xf32, #tpu.memory_space<vmem>>[vector<16xi32>, vector<16xi32>, vector<16xi32>], vector<16xf32>,
        %broadcast_in_dim3A_319 = arith.constant 6 : i32
        %broadcast_in_dim3A_320 = vector.broadcast %broadcast_in_dim3A_319 : i32 to vector<16xi32>
        %gather3A_321 = tpu.vector_load_idx %arg6[%broadcast_in_dim3A_301, %broadcast_in_dim3A_320, %add3A_300] : memref<4x8x2048xf32, #tpu.memory_space<vmem>>[vector<16xi32>, vector<16xi32>, vector<16xi32>], vector<16xf32>,
        tpu.vector_store_idx %arg7[%broadcast_in_dim3A_301, %broadcast_in_dim3A_320, %add3A_294], %gather3A_321 : memref<4x8x128xf32, #tpu.memory_space<vmem>>[vector<16xi32>, vector<16xi32>, vector<16xi32>], vector<16xf32>,
        %broadcast_in_dim3A_322 = arith.constant 7 : i32
        %broadcast_in_dim3A_323 = vector.broadcast %broadcast_in_dim3A_322 : i32 to vector<16xi32>
        %gather3A_324 = tpu.vector_load_idx %arg6[%broadcast_in_dim3A_301, %broadcast_in_dim3A_323, %add3A_300] : memref<4x8x2048xf32, #tpu.memory_space<vmem>>[vector<16xi32>, vector<16xi32>, vector<16xi32>], vector<16xf32>,
        tpu.vector_store_idx %arg7[%broadcast_in_dim3A_301, %broadcast_in_dim3A_323, %add3A_294], %gather3A_324 : memref<4x8x128xf32, #tpu.memory_space<vmem>>[vector<16xi32>, vector<16xi32>, vector<16xi32>], vector<16xf32>,
        %broadcast_in_dim3A_325 = arith.constant 1 : i32
        %broadcast_in_dim3A_326 = vector.broadcast %broadcast_in_dim3A_325 : i32 to vector<16xi32>
        %broadcast_in_dim3A_327 = arith.constant 0 : i32
        %broadcast_in_dim3A_328 = vector.broadcast %broadcast_in_dim3A_327 : i32 to vector<16xi32>
        %gather3A_329 = tpu.vector_load_idx %arg6[%broadcast_in_dim3A_326, %broadcast_in_dim3A_328, %add3A_300] : memref<4x8x2048xf32, #tpu.memory_space<vmem>>[vector<16xi32>, vector<16xi32>, vector<16xi32>], vector<16xf32>,
        tpu.vector_store_idx %arg7[%broadcast_in_dim3A_326, %broadcast_in_dim3A_328, %add3A_294], %gather3A_329 : memref<4x8x128xf32, #tpu.memory_space<vmem>>[vector<16xi32>, vector<16xi32>, vector<16xi32>], vector<16xf32>,
        %broadcast_in_dim3A_330 = arith.constant 1 : i32
        %broadcast_in_dim3A_331 = vector.broadcast %broadcast_in_dim3A_330 : i32 to vector<16xi32>
        %gather3A_332 = tpu.vector_load_idx %arg6[%broadcast_in_dim3A_326, %broadcast_in_dim3A_331, %add3A_300] : memref<4x8x2048xf32, #tpu.memory_space<vmem>>[vector<16xi32>, vector<16xi32>, vector<16xi32>], vector<16xf32>,
        tpu.vector_store_idx %arg7[%broadcast_in_dim3A_326, %broadcast_in_dim3A_331, %add3A_294], %gather3A_332 : memref<4x8x128xf32, #tpu.memory_space<vmem>>[vector<16xi32>, vector<16xi32>, vector<16xi32>], vector<16xf32>,
        %broadcast_in_dim3A_333 = arith.constant 2 : i32
        %broadcast_in_dim3A_334 = vector.broadcast %broadcast_in_dim3A_333 : i32 to vector<16xi32>
        %gather3A_335 = tpu.vector_load_idx %arg6[%broadcast_in_dim3A_326, %broadcast_in_dim3A_334, %add3A_300] : memref<4x8x2048xf32, #tpu.memory_space<vmem>>[vector<16xi32>, vector<16xi32>, vector<16xi32>], vector<16xf32>,
        tpu.vector_store_idx %arg7[%broadcast_in_dim3A_326, %broadcast_in_dim3A_334, %add3A_294], %gather3A_335 : memref<4x8x128xf32, #tpu.memory_space<vmem>>[vector<16xi32>, vector<16xi32>, vector<16xi32>], vector<16xf32>,
        %broadcast_in_dim3A_336 = arith.constant 3 : i32
        %broadcast_in_dim3A_337 = vector.broadcast %broadcast_in_dim3A_336 : i32 to vector<16xi32>
        %gather3A_338 = tpu.vector_load_idx %arg6[%broadcast_in_dim3A_326, %broadcast_in_dim3A_337, %add3A_300] : memref<4x8x2048xf32, #tpu.memory_space<vmem>>[vector<16xi32>, vector<16xi32>, vector<16xi32>], vector<16xf32>,
        tpu.vector_store_idx %arg7[%broadcast_in_dim3A_326, %broadcast_in_dim3A_337, %add3A_294], %gather3A_338 : memref<4x8x128xf32, #tpu.memory_space<vmem>>[vector<16xi32>, vector<16xi32>, vector<16xi32>], vector<16xf32>,
        %broadcast_in_dim3A_339 = arith.constant 4 : i32
        %broadcast_in_dim3A_340 = vector.broadcast %broadcast_in_dim3A_339 : i32 to vector<16xi32>
        %gather3A_341 = tpu.vector_load_idx %arg6[%broadcast_in_dim3A_326, %broadcast_in_dim3A_340, %add3A_300] : memref<4x8x2048xf32, #tpu.memory_space<vmem>>[vector<16xi32>, vector<16xi32>, vector<16xi32>], vector<16xf32>,
        tpu.vector_store_idx %arg7[%broadcast_in_dim3A_326, %broadcast_in_dim3A_340, %add3A_294], %gather3A_341 : memref<4x8x128xf32, #tpu.memory_space<vmem>>[vector<16xi32>, vector<16xi32>, vector<16xi32>], vector<16xf32>,
        %broadcast_in_dim3A_342 = arith.constant 5 : i32
        %broadcast_in_dim3A_343 = vector.broadcast %broadcast_in_dim3A_342 : i32 to vector<16xi32>
        %gather3A_344 = tpu.vector_load_idx %arg6[%broadcast_in_dim3A_326, %broadcast_in_dim3A_343, %add3A_300] : memref<4x8x2048xf32, #tpu.memory_space<vmem>>[vector<16xi32>, vector<16xi32>, vector<16xi32>], vector<16xf32>,
        tpu.vector_store_idx %arg7[%broadcast_in_dim3A_326, %broadcast_in_dim3A_343, %add3A_294], %gather3A_344 : memref<4x8x128xf32, #tpu.memory_space<vmem>>[vector<16xi32>, vector<16xi32>, vector<16xi32>], vector<16xf32>,
        %broadcast_in_dim3A_345 = arith.constant 6 : i32
        %broadcast_in_dim3A_346 = vector.broadcast %broadcast_in_dim3A_345 : i32 to vector<16xi32>
        %gather3A_347 = tpu.vector_load_idx %arg6[%broadcast_in_dim3A_326, %broadcast_in_dim3A_346, %add3A_300] : memref<4x8x2048xf32, #tpu.memory_space<vmem>>[vector<16xi32>, vector<16xi32>, vector<16xi32>], vector<16xf32>,
        tpu.vector_store_idx %arg7[%broadcast_in_dim3A_326, %broadcast_in_dim3A_346, %add3A_294], %gather3A_347 : memref<4x8x128xf32, #tpu.memory_space<vmem>>[vector<16xi32>, vector<16xi32>, vector<16xi32>], vector<16xf32>,
        %broadcast_in_dim3A_348 = arith.constant 7 : i32
        %broadcast_in_dim3A_349 = vector.broadcast %broadcast_in_dim3A_348 : i32 to vector<16xi32>
        %gather3A_350 = tpu.vector_load_idx %arg6[%broadcast_in_dim3A_326, %broadcast_in_dim3A_349, %add3A_300] : memref<4x8x2048xf32, #tpu.memory_space<vmem>>[vector<16xi32>, vector<16xi32>, vector<16xi32>], vector<16xf32>,
        tpu.vector_store_idx %arg7[%broadcast_in_dim3A_326, %broadcast_in_dim3A_349, %add3A_294], %gather3A_350 : memref<4x8x128xf32, #tpu.memory_space<vmem>>[vector<16xi32>, vector<16xi32>, vector<16xi32>], vector<16xf32>,
        %broadcast_in_dim3A_351 = arith.constant 2 : i32
        %broadcast_in_dim3A_352 = vector.broadcast %broadcast_in_dim3A_351 : i32 to vector<16xi32>
        %broadcast_in_dim3A_353 = arith.constant 0 : i32
        %broadcast_in_dim3A_354 = vector.broadcast %broadcast_in_dim3A_353 : i32 to vector<16xi32>
        %gather3A_355 = tpu.vector_load_idx %arg6[%broadcast_in_dim3A_352, %broadcast_in_dim3A_354, %add3A_300] : memref<4x8x2048xf32, #tpu.memory_space<vmem>>[vector<16xi32>, vector<16xi32>, vector<16xi32>], vector<16xf32>,
        tpu.vector_store_idx %arg7[%broadcast_in_dim3A_352, %broadcast_in_dim3A_354, %add3A_294], %gather3A_355 : memref<4x8x128xf32, #tpu.memory_space<vmem>>[vector<16xi32>, vector<16xi32>, vector<16xi32>], vector<16xf32>,
        %broadcast_in_dim3A_356 = arith.constant 1 : i32
        %broadcast_in_dim3A_357 = vector.broadcast %broadcast_in_dim3A_356 : i32 to vector<16xi32>
        %gather3A_358 = tpu.vector_load_idx %arg6[%broadcast_in_dim3A_352, %broadcast_in_dim3A_357, %add3A_300] : memref<4x8x2048xf32, #tpu.memory_space<vmem>>[vector<16xi32>, vector<16xi32>, vector<16xi32>], vector<16xf32>,
        tpu.vector_store_idx %arg7[%broadcast_in_dim3A_352, %broadcast_in_dim3A_357, %add3A_294], %gather3A_358 : memref<4x8x128xf32, #tpu.memory_space<vmem>>[vector<16xi32>, vector<16xi32>, vector<16xi32>], vector<16xf32>,
        %broadcast_in_dim3A_359 = arith.constant 2 : i32
        %broadcast_in_dim3A_360 = vector.broadcast %broadcast_in_dim3A_359 : i32 to vector<16xi32>
        %gather3A_361 = tpu.vector_load_idx %arg6[%broadcast_in_dim3A_352, %broadcast_in_dim3A_360, %add3A_300] : memref<4x8x2048xf32, #tpu.memory_space<vmem>>[vector<16xi32>, vector<16xi32>, vector<16xi32>], vector<16xf32>,
        tpu.vector_store_idx %arg7[%broadcast_in_dim3A_352, %broadcast_in_dim3A_360, %add3A_294], %gather3A_361 : memref<4x8x128xf32, #tpu.memory_space<vmem>>[vector<16xi32>, vector<16xi32>, vector<16xi32>], vector<16xf32>,
        %broadcast_in_dim3A_362 = arith.constant 3 : i32
        %broadcast_in_dim3A_363 = vector.broadcast %broadcast_in_dim3A_362 : i32 to vector<16xi32>
        %gather3A_364 = tpu.vector_load_idx %arg6[%broadcast_in_dim3A_352, %broadcast_in_dim3A_363, %add3A_300] : memref<4x8x2048xf32, #tpu.memory_space<vmem>>[vector<16xi32>, vector<16xi32>, vector<16xi32>], vector<16xf32>,
        tpu.vector_store_idx %arg7[%broadcast_in_dim3A_352, %broadcast_in_dim3A_363, %add3A_294], %gather3A_364 : memref<4x8x128xf32, #tpu.memory_space<vmem>>[vector<16xi32>, vector<16xi32>, vector<16xi32>], vector<16xf32>,
        %broadcast_in_dim3A_365 = arith.constant 4 : i32
        %broadcast_in_dim3A_366 = vector.broadcast %broadcast_in_dim3A_365 : i32 to vector<16xi32>
        %gather3A_367 = tpu.vector_load_idx %arg6[%broadcast_in_dim3A_352, %broadcast_in_dim3A_366, %add3A_300] : memref<4x8x2048xf32, #tpu.memory_space<vmem>>[vector<16xi32>, vector<16xi32>, vector<16xi32>], vector<16xf32>,
        tpu.vector_store_idx %arg7[%broadcast_in_dim3A_352, %broadcast_in_dim3A_366, %add3A_294], %gather3A_367 : memref<4x8x128xf32, #tpu.memory_space<vmem>>[vector<16xi32>, vector<16xi32>, vector<16xi32>], vector<16xf32>,
        %broadcast_in_dim3A_368 = arith.constant 5 : i32
        %broadcast_in_dim3A_369 = vector.broadcast %broadcast_in_dim3A_368 : i32 to vector<16xi32>
        %gather3A_370 = tpu.vector_load_idx %arg6[%broadcast_in_dim3A_352, %broadcast_in_dim3A_369, %add3A_300] : memref<4x8x2048xf32, #tpu.memory_space<vmem>>[vector<16xi32>, vector<16xi32>, vector<16xi32>], vector<16xf32>,
        tpu.vector_store_idx %arg7[%broadcast_in_dim3A_352, %broadcast_in_dim3A_369, %add3A_294], %gather3A_370 : memref<4x8x128xf32, #tpu.memory_space<vmem>>[vector<16xi32>, vector<16xi32>, vector<16xi32>], vector<16xf32>,
        %broadcast_in_dim3A_371 = arith.constant 6 : i32
        %broadcast_in_dim3A_372 = vector.broadcast %broadcast_in_dim3A_371 : i32 to vector<16xi32>
        %gather3A_373 = tpu.vector_load_idx %arg6[%broadcast_in_dim3A_352, %broadcast_in_dim3A_372, %add3A_300] : memref<4x8x2048xf32, #tpu.memory_space<vmem>>[vector<16xi32>, vector<16xi32>, vector<16xi32>], vector<16xf32>,
        tpu.vector_store_idx %arg7[%broadcast_in_dim3A_352, %broadcast_in_dim3A_372, %add3A_294], %gather3A_373 : memref<4x8x128xf32, #tpu.memory_space<vmem>>[vector<16xi32>, vector<16xi32>, vector<16xi32>], vector<16xf32>,
        %broadcast_in_dim3A_374 = arith.constant 7 : i32
        %broadcast_in_dim3A_375 = vector.broadcast %broadcast_in_dim3A_374 : i32 to vector<16xi32>
        %gather3A_376 = tpu.vector_load_idx %arg6[%broadcast_in_dim3A_352, %broadcast_in_dim3A_375, %add3A_300] : memref<4x8x2048xf32, #tpu.memory_space<vmem>>[vector<16xi32>, vector<16xi32>, vector<16xi32>], vector<16xf32>,
        tpu.vector_store_idx %arg7[%broadcast_in_dim3A_352, %broadcast_in_dim3A_375, %add3A_294], %gather3A_376 : memref<4x8x128xf32, #tpu.memory_space<vmem>>[vector<16xi32>, vector<16xi32>, vector<16xi32>], vector<16xf32>,
        %broadcast_in_dim3A_377 = arith.constant 3 : i32
        %broadcast_in_dim3A_378 = vector.broadcast %broadcast_in_dim3A_377 : i32 to vector<16xi32>
        %broadcast_in_dim3A_379 = arith.constant 0 : i32
        %broadcast_in_dim3A_380 = vector.broadcast %broadcast_in_dim3A_379 : i32 to vector<16xi32>
        %gather3A_381 = tpu.vector_load_idx %arg6[%broadcast_in_dim3A_378, %broadcast_in_dim3A_380, %add3A_300] : memref<4x8x2048xf32, #tpu.memory_space<vmem>>[vector<16xi32>, vector<16xi32>, vector<16xi32>], vector<16xf32>,
        tpu.vector_store_idx %arg7[%broadcast_in_dim3A_378, %broadcast_in_dim3A_380, %add3A_294], %gather3A_381 : memref<4x8x128xf32, #tpu.memory_space<vmem>>[vector<16xi32>, vector<16xi32>, vector<16xi32>], vector<16xf32>,
        %broadcast_in_dim3A_382 = arith.constant 1 : i32
        %broadcast_in_dim3A_383 = vector.broadcast %broadcast_in_dim3A_382 : i32 to vector<16xi32>
        %gather3A_384 = tpu.vector_load_idx %arg6[%broadcast_in_dim3A_378, %broadcast_in_dim3A_383, %add3A_300] : memref<4x8x2048xf32, #tpu.memory_space<vmem>>[vector<16xi32>, vector<16xi32>, vector<16xi32>], vector<16xf32>,
        tpu.vector_store_idx %arg7[%broadcast_in_dim3A_378, %broadcast_in_dim3A_383, %add3A_294], %gather3A_384 : memref<4x8x128xf32, #tpu.memory_space<vmem>>[vector<16xi32>, vector<16xi32>, vector<16xi32>], vector<16xf32>,
        %broadcast_in_dim3A_385 = arith.constant 2 : i32
        %broadcast_in_dim3A_386 = vector.broadcast %broadcast_in_dim3A_385 : i32 to vector<16xi32>
        %gather3A_387 = tpu.vector_load_idx %arg6[%broadcast_in_dim3A_378, %broadcast_in_dim3A_386, %add3A_300] : memref<4x8x2048xf32, #tpu.memory_space<vmem>>[vector<16xi32>, vector<16xi32>, vector<16xi32>], vector<16xf32>,
        tpu.vector_store_idx %arg7[%broadcast_in_dim3A_378, %broadcast_in_dim3A_386, %add3A_294], %gather3A_387 : memref<4x8x128xf32, #tpu.memory_space<vmem>>[vector<16xi32>, vector<16xi32>, vector<16xi32>], vector<16xf32>,
        %broadcast_in_dim3A_388 = arith.constant 3 : i32
        %broadcast_in_dim3A_389 = vector.broadcast %broadcast_in_dim3A_388 : i32 to vector<16xi32>
        %gather3A_390 = tpu.vector_load_idx %arg6[%broadcast_in_dim3A_378, %broadcast_in_dim3A_389, %add3A_300] : memref<4x8x2048xf32, #tpu.memory_space<vmem>>[vector<16xi32>, vector<16xi32>, vector<16xi32>], vector<16xf32>,
        tpu.vector_store_idx %arg7[%broadcast_in_dim3A_378, %broadcast_in_dim3A_389, %add3A_294], %gather3A_390 : memref<4x8x128xf32, #tpu.memory_space<vmem>>[vector<16xi32>, vector<16xi32>, vector<16xi32>], vector<16xf32>,
        %broadcast_in_dim3A_391 = arith.constant 4 : i32
        %broadcast_in_dim3A_392 = vector.broadcast %broadcast_in_dim3A_391 : i32 to vector<16xi32>
        %gather3A_393 = tpu.vector_load_idx %arg6[%broadcast_in_dim3A_378, %broadcast_in_dim3A_392, %add3A_300] : memref<4x8x2048xf32, #tpu.memory_space<vmem>>[vector<16xi32>, vector<16xi32>, vector<16xi32>], vector<16xf32>,
        tpu.vector_store_idx %arg7[%broadcast_in_dim3A_378, %broadcast_in_dim3A_392, %add3A_294], %gather3A_393 : memref<4x8x128xf32, #tpu.memory_space<vmem>>[vector<16xi32>, vector<16xi32>, vector<16xi32>], vector<16xf32>,
        %broadcast_in_dim3A_394 = arith.constant 5 : i32
        %broadcast_in_dim3A_395 = vector.broadcast %broadcast_in_dim3A_394 : i32 to vector<16xi32>
        %gather3A_396 = tpu.vector_load_idx %arg6[%broadcast_in_dim3A_378, %broadcast_in_dim3A_395, %add3A_300] : memref<4x8x2048xf32, #tpu.memory_space<vmem>>[vector<16xi32>, vector<16xi32>, vector<16xi32>], vector<16xf32>,
        tpu.vector_store_idx %arg7[%broadcast_in_dim3A_378, %broadcast_in_dim3A_395, %add3A_294], %gather3A_396 : memref<4x8x128xf32, #tpu.memory_space<vmem>>[vector<16xi32>, vector<16xi32>, vector<16xi32>], vector<16xf32>,
        %broadcast_in_dim3A_397 = arith.constant 6 : i32
        %broadcast_in_dim3A_398 = vector.broadcast %broadcast_in_dim3A_397 : i32 to vector<16xi32>
        %gather3A_399 = tpu.vector_load_idx %arg6[%broadcast_in_dim3A_378, %broadcast_in_dim3A_398, %add3A_300] : memref<4x8x2048xf32, #tpu.memory_space<vmem>>[vector<16xi32>, vector<16xi32>, vector<16xi32>], vector<16xf32>,
        tpu.vector_store_idx %arg7[%broadcast_in_dim3A_378, %broadcast_in_dim3A_398, %add3A_294], %gather3A_399 : memref<4x8x128xf32, #tpu.memory_space<vmem>>[vector<16xi32>, vector<16xi32>, vector<16xi32>], vector<16xf32>,
        %broadcast_in_dim3A_400 = arith.constant 7 : i32
        %broadcast_in_dim3A_401 = vector.broadcast %broadcast_in_dim3A_400 : i32 to vector<16xi32>
        %gather3A_402 = tpu.vector_load_idx %arg6[%broadcast_in_dim3A_378, %broadcast_in_dim3A_401, %add3A_300] : memref<4x8x2048xf32, #tpu.memory_space<vmem>>[vector<16xi32>, vector<16xi32>, vector<16xi32>], vector<16xf32>,
        tpu.vector_store_idx %arg7[%broadcast_in_dim3A_378, %broadcast_in_dim3A_401, %add3A_294], %gather3A_402 : memref<4x8x128xf32, #tpu.memory_space<vmem>>[vector<16xi32>, vector<16xi32>, vector<16xi32>], vector<16xf32>,
      }
      %scan3A_23 = arith.constant 8 : i32
      %add3A_24 = arith.addi %mul3A_2, %mul3A_13 : i32
      "tpu.region"() ({
        %run_scoped3A = tpu.sem_alloc : memref<!tpu.dma_semaphore, #tpu.memory_space<semaphore_mem>>
        %dma_start3A = arith.constant 0 : i32
        %dma_start3A_25 = arith.constant 0 : i32
        %dma_start3A_26 = tpu.memref_slice %arg4[%dma_start3A, %dma_start3A_25, %add3A_24] : memref<4x8x16384xf32, #tpu.memory_space<hbm>> -> memref<4x8x128xf32, #tpu.memory_space<hbm>>
        %dma_start3A_27 = arith.constant 0 : i32
        %dma_start3A_28 = arith.constant 0 : i32
        %dma_start3A_29 = tpu.memref_slice %arg4[%dma_start3A_27, %dma_start3A_28, %add3A_24] : memref<4x8x16384xf32, #tpu.memory_space<hbm>> -> memref<4x8x128xf32, #tpu.memory_space<hbm>>
        tpu.enqueue_dma source(%arg7 : memref<4x8x128xf32, #tpu.memory_space<vmem>>) target(%dma_start3A_29 : memref<4x8x128xf32, #tpu.memory_space<hbm>>) target_semaphore(%run_scoped3A : memref<!tpu.dma_semaphore, #tpu.memory_space<semaphore_mem>>)
        %dma_wait3A = arith.constant 0 : i32
        %dma_wait3A_30 = arith.constant 0 : i32
        %dma_wait3A_31 = tpu.memref_slice %arg4[%dma_wait3A, %dma_wait3A_30, %add3A_24] : memref<4x8x16384xf32, #tpu.memory_space<hbm>> -> memref<4x8x128xf32, #tpu.memory_space<hbm>>
        %dma_wait3A_32 = arith.constant 0 : i32
        %dma_wait3A_33 = arith.constant 0 : i32
        %dma_wait3A_34 = tpu.memref_slice %arg4[%dma_wait3A_32, %dma_wait3A_33, %add3A_24] : memref<4x8x16384xf32, #tpu.memory_space<hbm>> -> memref<4x8x128xf32, #tpu.memory_space<hbm>>
        tpu.wait_dma2 semaphore(%run_scoped3A : memref<!tpu.dma_semaphore, #tpu.memory_space<semaphore_mem>>) src(%arg7 : memref<4x8x128xf32, #tpu.memory_space<vmem>>) dst(%dma_wait3A_34 : memref<4x8x128xf32, #tpu.memory_space<hbm>>)
        tpu.yield
      }) : () -> ()
    }
    %scan3A_6 = arith.constant 4 : i32
    return
  }
}

</mosaic_0001>

<sc_bundles>
// kernel: kernel.3.cloned.1.call-start
scs
__scs_entry_jumppad:
0x0: {  	(pc) =	sbr.rel $0x88, $3  }
0x1: {  	(tag) =	ssettag $0x0;
	lr =	simm.s32 $0x1  }
0x2: {  	[smem:$0x3F9F] =	sst lr;
	_ =	strace $0xD0000000  }
0x3: {  	_ = 	snop  }
0x4: {  	_ = 	snop  }
0x5: {  	_ = 	snop  }
0x6: {  	_ = 	snop  }
0x7: {  	_ = 	snop  }
__scs_overlays_trampoline_lowered:
0x8: {  	[smem:$0x3FAE] =	sst s0  }
0x9: {  	[smem:$0x3FAF] =	sst s1  }
0xa: {  	[smem:$0x3FB0] =	sst s2  }
0xb: {  	[smem:$0x3FB1] =	sst s3  }
0xc: {  	[smem:$0x3FB2] =	sst s4  }
0xd: {  	[smem:$0x3FB3] =	sst s5  }
0xe: {  	[smem:$0x3FB4] =	sst s6  }
0xf: {  	[smem:$0x3FB5] =	sst s7  }
0x10: {  	[smem:$0x3FB6] =	sst s8  }
0x11: {  	[smem:$0x3FB7] =	sst s9;
	s0 =	simm.s32 @!p0 $0x0  }
0x12: {  	s1 =	sld [smem:$0x3F9D];
	s0 =	simm.s32 @p0 $0x1  }
0x13: {  	[smem:$0x3FB8] =	sst s0;
	s0 =	simm.s32 @!p1 $0x0  }
0x14: {  	s2 =	sld [smem:$0x3F9C];
	s0 =	simm.s32 @p1 $0x1  }
0x15: {  	[smem:$0x3FB9] =	sst s0;
	s0 =	simm.s32 @!p2 $0x0  }
0x16: {  	s3 =	sld [smem:$0x3FDB];
	s0 =	simm.s32 @p2 $0x1  }
0x17: {  	s4 =	simm.s32 $0x1BF5;
	[smem:$0x3FBB] =	sst s0  }
0x18: {  	s0 =	sld [smem:$0x3F9E];
	_ =	swait.ge [sflag:s4], $0x0  }
0x19: {  	s7 =	sld [smem:$0x3F9F]  }
0x1a: {  	s8 =	sadd.s32 $0xFFFFE003, lr  }
0x1b: {  	s9 =	sadd.s32 $0xFFFFFEF7, lr;
	s5 =	simm.s32 $0xFFFFFFFF;
	p2 =	slt.u32 s8, $0xFFFFF086  }
0x1c: {  	p1 =	slt.u32 s9, $0xF7A;
	s5 =	simm.s32 @!p2 $0x0  }
0x1d: {  	s5 =	simm.s32 @p1 $0x1;
	p0 =	seq.s32 s7, s2  }
0x1e: {  	s7 =	smul.u32 @!p0 $0xF7A, s2;
	p2 =	seq.s32 @!p0 s5, $0x0  }
0x1f: {  	s9 =	smul.u32 $0xF7A, s1;
	s8 =	simm.s32 @!p0 $0x1BF5;
	p2 =	por !p2, p0  }
0x20: {  	[sflag:s8] =	ssyncset.s32 @!p0 $0xFFFFF086;
	s6 =	sadd.s32 @!p0 s3, s7;
	s7 =	simm.s32 @!p0 $0x108  }
0x21: {  	s3 =	sadd.s32 s3, s9;
	s6 =	sadd.s32 @!p0 $0x88, s6;
	s7 =	simm.s32 @p2 $0x1082  }
0x22: {  	[simem:s7], [sflag:s8] =	dma.local @!p0 [hbm:s6], $0xF7A  }
0x23: {  	s9 =	sor.u32 $0xD0000000, s2;
	s6 =	simm.s32 $0x108;
	_ =	swait.ge @!p0 [sflag:s8], $0x0  }
0x24: {  	s3 =	sadd.s32 $0x88, s3;
	s6 =	simm.s32 @!p1 $0x1082;
	[sflag:s4] =	ssyncset.s32 $0xFFFFF086  }
0x25: {  	[simem:s6], [sflag:s4] =	dma.local [hbm:s3], $0xF7A  }
0x26: {  	[smem:$0x3F9F] =	sst s1;
	(tag) =	ssettag s2;
	_ =	strace s9  }
0x27: {  	s1 =	sld [smem:$0x3FAF]  }
0x28: {  	s2 =	sld [smem:$0x3FB0]  }
0x29: {  	s4 =	sld [smem:$0x3FB2]  }
0x2a: {  	p0 =	seq.s32 s5, $0x0;
	s5 =	sld [smem:$0x3FB3]  }
0x2b: {  	s6 =	sld [smem:$0x3FB4]  }
0x2c: {  	s7 =	sld [smem:$0x3FB5]  }
0x2d: {  	s3 =	simm.s32 $0x108;
	s8 =	sld [smem:$0x3FB6]  }
0x2e: {  	s3 =	simm.s32 @!p0 $0x1082;
	s9 =	sld [smem:$0x3FB7]  }
0x2f: {  	lr =	sadd.s32 s0, s3;
	s0 =	sld [smem:$0x3FAE]  }
0x30: {  	s3 =	sld [smem:$0x3FB1]  }
0x31: {  	[smem:$0x3FBA] =	sst s10  }
0x32: {  	s10 =	sld [smem:$0x3FB8];
	_ =	sdelay $0x3  }
0x33: {  	p0 =	seq.s32 s10, $0x1;
	s10 =	sld [smem:$0x3FBA];
	_ =	sdelay $0x3  }
0x34: {  	[smem:$0x3FBA] =	sst s10  }
0x35: {  	s10 =	sld [smem:$0x3FB9];
	_ =	sdelay $0x3  }
0x36: {  	p1 =	seq.s32 s10, $0x1;
	s10 =	sld [smem:$0x3FBA];
	_ =	sdelay $0x3  }
0x37: {  	[smem:$0x3FBA] =	sst s10  }
0x38: {  	s10 =	sld [smem:$0x3FBB]  }
0x39: {  	_ = 	snop;
	(pc) =	sbr.ind lr, $3  }
0x3a: {  	_ = 	snop  }
0x3b: {  	_ = 	snop  }
0x3c: {  	p2 =	seq.s32 s10, $0x1;
	s10 =	sld [smem:$0x3FBA]  }
0x3d: {  	_ =	shalt  }
0x3e: {  	_ =	shalt  }
0x3f: {  	_ =	shalt  }
0x40: {  	_ =	shalt  }
0x41: {  	_ =	shalt  }
0x42: {  	_ =	shalt  }
0x43: {  	_ =	shalt  }
0x44: {  	_ =	shalt  }
0x45: {  	_ =	shalt  }
0x46: {  	_ =	shalt  }
0x47: {  	_ =	shalt  }
0x48: {  	_ =	shalt  }
0x49: {  	_ =	shalt  }
0x4a: {  	_ =	shalt  }
0x4b: {  	_ =	shalt  }
0x4c: {  	_ =	shalt  }
0x4d: {  	_ =	shalt  }
0x4e: {  	_ =	shalt  }
0x4f: {  	_ =	shalt  }
0x50: {  	_ =	shalt  }
0x51: {  	_ =	shalt  }
0x52: {  	_ =	shalt  }
0x53: {  	_ =	shalt  }
0x54: {  	_ =	shalt  }
0x55: {  	_ =	shalt  }
0x56: {  	_ =	shalt  }
0x57: {  	_ =	shalt  }
0x58: {  	_ =	shalt  }
0x59: {  	_ =	shalt  }
0x5a: {  	_ =	shalt  }
0x5b: {  	_ =	shalt  }
0x5c: {  	_ =	shalt  }
0x5d: {  	_ =	shalt  }
0x5e: {  	_ =	shalt  }
0x5f: {  	_ =	shalt  }
0x60: {  	_ =	shalt  }
0x61: {  	_ =	shalt  }
0x62: {  	_ =	shalt  }
0x63: {  	_ =	shalt  }
0x64: {  	_ =	shalt  }
0x65: {  	_ =	shalt  }
0x66: {  	_ =	shalt  }
0x67: {  	_ =	shalt  }
0x68: {  	_ =	shalt  }
0x69: {  	_ =	shalt  }
0x6a: {  	_ =	shalt  }
0x6b: {  	_ =	shalt  }
0x6c: {  	_ =	shalt  }
0x6d: {  	_ =	shalt  }
0x6e: {  	_ =	shalt  }
0x6f: {  	_ =	shalt  }
0x70: {  	_ =	shalt  }
0x71: {  	_ =	shalt  }
0x72: {  	_ =	shalt  }
0x73: {  	_ =	shalt  }
0x74: {  	_ =	shalt  }
0x75: {  	_ =	shalt  }
0x76: {  	_ =	shalt  }
0x77: {  	_ =	shalt  }
0x78: {  	_ =	shalt  }
0x79: {  	_ =	shalt  }
0x7a: {  	_ =	shalt  }
0x7b: {  	_ =	shalt  }
0x7c: {  	_ =	shalt  }
0x7d: {  	_ =	shalt  }
0x7e: {  	_ =	shalt  }
0x7f: {  	_ =	shalt  }
0x80: {  	_ =	shalt  }
0x81: {  	_ =	shalt  }
0x82: {  	_ =	shalt  }
0x83: {  	_ =	shalt  }
0x84: {  	_ =	shalt  }
0x85: {  	_ =	shalt  }
0x86: {  	_ =	shalt  }
0x87: {  	_ =	shalt  }
.Lfunc_end0:
.L_simem_size_0:
called_computation_lowered:
.L_overlay_start_0:
0x88: {  	s2 =	sld [smem:$0x3FD9]  }
0x89: {  	s3 =	sld [smem:$0x3FFE];
	_ =	sdelay $0x1  }
0x8a: {  	s1 =	srdreg.scid  }
0x8b: {  	s0 =	sand.u32 $0x1, s1  }
0x8c: {  	s18 =	sshll.u32 s0, $0xA;
	s2 =	sadd.s32 s3, s2  }
0x8d: {  	s2 =	sadd.s32 s2, s18  }
0x8e: {  	[smem:$0x3FC6] =	sst s2  }
0x8f: {  	_ = 	snop  }
0x90: {  	s2 =	sld [smem:$0x3FC9]  }
0x91: {  	s19 =	sld [smem:$0x3FC8]  }
0x92: {  	s4 =	sld [smem:$0x3FD0];
	(tm) =	ssettm $0x1  }
0x93: {  	s5 =	sld [smem:$0x3FFB];
	_ =	sdelay $0x3  }
0x94: {  	_ =	strace s5  }
0x95: {  	s5 =	sld [smem:$0x3FFC];
	_ =	sdelay $0x3  }
0x96: {  	_ =	strace s5  }
0x97: {  	s5 =	sld [smem:$0x3FFD];
	_ =	sdelay $0x3  }
0x98: {  	_ =	strace s5  }
0x99: {  	_ =	strace $0x8FFFFFFF  }
0x9a: {  	s20 =	sld [smem:$0x3FDB];
	_ =	sdelay $0x1  }
0x9b: {  	s6 =	simm.s32 $_scs_section_size  }
0x9c: {  	s7 =	simm.s32 $_size__tile_overlayer_lowered;
	s8 =	simm.s32 $_tile_overlayer_lowered  }
0x9d: {  	s23 =	simm.s32 $0x1BFF;
	s22 =	sshll.u32 s8, $0x1;
	s5 =	sadd.s32 s6, s20  }
0x9e: {  	s9 =	simm.s32 $0x0;
	s21 =	sshll.u32 s7, $0x1;
	s7 =	sadd.s32 s22, s5  }
0x9f: {  	[timem:s9], [sflag:s23] =	dma.local [hbm:s7], s21  }
0xa0: {  	_ =	swait.ge [sflag:s23], s21  }
0xa1: {  	s6 =	ssub.s32 $0x0, s21;
	[sflag:s23] =	ssyncset.done $0x0  }
0xa2: {  	[sflag:s23] =	ssyncadd.s32 s6;
	_ =	sdelay $0x1  }
0xa3: {  	s24 =	simm.s32 $0x1B8B  }
0xa4: {  	_ =	swait.ge [sflag:s24], $0x1  }
0xa5: {  	[sflag:s24] =	ssyncset.done $0x0  }
0xa6: {  	s25 =	simm.s32 $0x1B8E;
	[sflag:s24] =	ssyncadd.s32 $0xFFFFFFFF  }
0xa7: {  	s26 =	simm.s32 $execute0_lowered;
	[smem:$0x3FD2] =	sst s25  }
0xa8: {  	s6 =	sshll.u32 s26, $0x1;
	_ =	strace $0x80000046;
	[dreg:$0x1] =	wrdreg $0xFFFFFFFF  }
0xa9: {  	s28 =	simm.s32 $_size_execute0_lowered;
	s5 =	sadd.s32 s5, s6;
	[dreg:$0x0] =	wrdreg $0x0  }
0xaa: {  	s6 =	sshll.u32 s28, $0x1;
	[dreg:$0x2] =	wrdreg s5  }
0xab: {  	[dreg:$0x3] =	wrdreg s6  }
0xac: {  	[dreg:$0x4] =	wrdreg $0xC0  }
0xad: {  	_ =	task [dreg:s9], $0x5FFFF  }
0xae: {  	[dreg:$0x1] =	wrdreg $0xFFFFFFFF  }
0xaf: {  	[dreg:$0x0] =	wrdreg $0x60  }
0xb0: {  	[dreg:$0x2] =	wrdreg s2  }
0xb1: {  	[dreg:$0x3] =	wrdreg s19  }
0xb2: {  	[dreg:$0x4] =	wrdreg s4  }
0xb3: {  	[dreg:$0x5] =	wrdreg $0x9  }
0xb4: {  	_ =	task.clear_ibuf [dreg:s9], $0x6FFFF;
	_ =	strace $0x90000046  }
0xb5: {  	s29 =	simm.s32 $0x9;
	_ =	strace $0x80000048  }
0xb6: {  	_ =	swait.ge [sflag:s29], $0x1  }
0xb7: {  	[sflag:s29] =	ssyncadd.s32 $0xFFFFFFFF  }
0xb8: {  	_ =	strace $0x90000048  }
0xb9: {  	_ =	sfence  }
0xba: {  	s30 =	sld [smem:$0x0];
	_ =	sdelay $0x2  }
0xbb: {  	s31 =	sshll.u32 s1, $0xD;
	s1 =	sshrl.u32 s1, $0x2  }
0xbc: {  	s3 =	sand.u32 $0x4000, s31;
	s1 =	sadd.s32 s1, s30  }
0xbd: {  	s0 =	sor.u32 s3, s0;
	s1 =	sshll.u32 s1, $0x11  }
0xbe: {  	s0 =	sor.u32 s1, s0  }
0xbf: {  	s0 =	sadd.s32 $0x8F2B, s0  }
0xc0: {  	[sflag:s0] =	ssyncadd.remote.s32 $0x1  }
0xc1: {  	_ =	sfence.sel $0xFFFF  }
0xc2: {  	[dreg:$0x0] =	wrdreg $0xFFFFFFFF;
	(pc) =	sbr.abs _section_cstart, $3  }
0xc3: {  	[dreg:$0x1] =	wrdreg $0xFFFFFFFF  }
0xc4: {  	_ =	task.clear_ibuf [dreg:s9], $0x2FFFF;
	_ =	strace $0x9FFFFFFF  }
0xc5: {  	(tm) =	ssettm $0x7FFFFFFF  }
tec
execute0_lowered:
.L_overlay_start_1:
0x0: {  	(tag) =	ssettag $0x1  }
0x1: {  	v0 =	vlaneseq.u32  }
0x2: {  	s4 =	rddreg [dreg:$0x0];
	v1 =	vand.u32 $0x7, v0;
	v2 =	vor.u32 $0x80, v0;
	v3 =	vor.u32 $0x100, v0  }
0x3: {  	s0 =	rddreg [dreg:$0x1];
	v4 =	vor.u32 $0x180, v0;
	v5 =	vor.u32 $0x200, v0;
	v6 =	vor.u32 $0x280, v0  }
0x4: {  	s2 =	srdreg.scid;
	s5 =	rddreg [dreg:$0x2];
	v7 =	vor.u32 $0x300, v0;
	v8 =	vor.u32 $0x380, v0;
	v9 =	vor.u32 $0x400, v0  }
0x5: {  	s1 =	stileid.u32;
	s3 =	simm.s32 $0x0;
	s10 =	simm.s32 $0x10280;
	v10 =	vor.u32 $0x480, v0;
	v11 =	vor.u32 $0x500, v0;
	v12 =	vor.u32 $0x580, v0  }
0x6: {  	s11 =	simm.s32 $0x400;
	s12 =	simm.s32 $0x20000;
	s13 =	simm.s32 $0x0;
	v13 =	vor.u32 $0x600, v0;
	v14 =	vor.u32 $0x680, v0;
	v15 =	vor.u32 $0x700, v0  }
0x7: {  	s6 =	sand.u32 $0x1, s2;
	s2 =	rddreg [dreg:$0x3];
	s7 =	sshll.u32 s1, $0xA;
	v16 =	vor.u32 $0x780, v0;
	v17 =	vor.u32 $0x800, v0;
	v18 =	vor.u32 $0x880, v0  }
.Ltmp0:
0x8: {  	[smem:$0x7FF] =	sst s3;
	v19 =	vor.u32 $0x900, v0;
	v20 =	vor.u32 $0x980, v0;
	v21 =	vor.u32 $0xA00, v0;
	s8 =	sshll.u32 s6, $0x9;
	(pc) =	sbr.rel .LBB2_1-.Ltmp0, $4  }
0x9: {  	v22 =	vor.u32 $0xA80, v0;
	v23 =	vor.u32 $0xB00, v0;
	v24 =	vor.u32 $0xB80, v0;
	s6 =	ssub.s32 $0x2, s6;
	_ =	strace $0x80000047;
	s7 =	sor.u32 s8, s7  }
0xa: {  	v25 =	vor.u32 $0xC00, v0;
	v26 =	vor.u32 $0xC80, v0;
	v27 =	vor.u32 $0xD00, v0;
	s31 =	sshrl.u32 s6, $0x1;
	s8 =	simm.s32 $0x1;
	s9 =	sshrl.u32 s7, $0x3  }
0xb: {  	v28 =	vor.u32 $0xD80, v0;
	v29 =	vor.u32 $0xE00, v0;
	v30 =	vor.u32 $0xE80, v0;
	s6 =	ssub.s32 s6, s31;
	s5 =	sadd.s32 s5, s7;
	s7 =	simm.s32 $0x2  }
0xc: {  	v31 =	vor.u32 $0xF00, v0;
	v32 =	vor.u32 $0xF80, v0;
	v1 =	vmul.u32 $0x10, v1;
	s4 =	sadd.s32 s4, s9;
	s6 =	smax.u32 s6, $0x1;
	s9 =	simm.s32 $0x280  }
.LBB2_72:
0xd: {  	s13 =	sadd.s32 $0x1, s13  }
0xe: {  	p0 =	sne.s32 s13, s6  }
.Ltmp1:
0xf: {  	_ = 	snop;
	(pc) =	sbr.rel @!p0 .LBB2_73-.Ltmp1, $1  }
0x10: {  	_ =	sdelay $0x3  }
.LBB2_1:
.Ltmp2:
0x11: {  	(pc) =	sbr.rel .LBB2_2-.Ltmp2, $4  }
0x12: {  	[tilespmem:s3], [sflag:$0x2] =	stream.linear.gather [hbm4b:s4+s3], $0x200, $0x38;
	[tilespmem:$0x11280] =	vst v63  }
0x13: {  	_ =	swait.ge [sflag:s7], $0x200  }
0x14: {  	[sflag:s7] =	ssyncset.done $0x0  }
0x15: {  	s14 =	simm.s32 $0x800;
	s15 =	simm.s32 $0x0;
	[sflag:s7] =	ssyncadd.s32 $0xFFFFFE00  }
.LBB2_71:
0x16: {  	s15 =	sadd.s32 $0x1, s15  }
0x17: {  	p0 =	sne.s32 s15, $0x4  }
.Ltmp3:
0x18: {  	s16 =	sadd.s32 s16, s5;
	(pc) =	sbr.rel @!p0 .LBB2_72-.Ltmp3, $4  }
0x19: {  	[hbm4b:s16+s11] =	stream.strided.scatter [tilespmem:s10], [sflag:$0x2], $0x1000, s12, s11, $0x38;
	[tilespmem:$0x11280] =	vst v63  }
0x1a: {  	_ =	swait.ge [sflag:s7], $0x1000  }
0x1b: {  	[sflag:s7] =	ssyncset.done $0x0  }
0x1c: {  	s14 =	sadd.s32 $0x4000, s14;
	[sflag:s7] =	ssyncadd.s32 $0xFFFFF000  }
.LBB2_2:
.Ltmp4:
0x1d: {  	(pc) =	sbr.rel .LBB2_3-.Ltmp4, $3  }
0x1e: {  	_ =	sdelay $0x1  }
0x1f: {  	s16 =	sshll.u32 s15, $0x7  }
0x20: {  	s17 =	simm.s32 $0x0;
	s18 =	simm.s32 $0x0;
	s19 =	simm.s32 $0x0;
	v33 =	vmov s16  }
.LBB2_34:
0x21: {  	s19 =	sadd.s32 $0x1, s19  }
0x22: {  	p0 =	seq.s32 s19, $0x10  }
.Ltmp5:
0x23: {  	_ = 	snop;
	(pc) =	sbr.rel @p0 .LBB2_35-.Ltmp5, $2  }
0x24: {  	_ =	sdelay $0x2  }
0x25: {  	s18 =	sadd.s32 $0x80, s18;
	s17 =	sadd.s32 $0x1, s17  }
.LBB2_3:
0x26: {  	_ =	sdelay $0x3  }
0x27: {  	v34 =	vld.idx.msk [tilespmem:v33+s19+$0x0 ss:$0x1], $0xffff;
	_ =	sdelay $0x4  }
0x28: {  	(v2sf) =	vpush v34, $0x0;
	_ =	sdelay $0xe  }
0x29: {  	s24 =	spop (v2sf)  }
0x2a: {  	s23 =	sshrl.u32 s24, $0x4  }
0x2b: {  	s22 =	sand.u32 $0x7, s23  }
0x2c: {  	p0 =	sgt.u32 s22, $0x3  }
.Ltmp6:
0x2d: {  	s20 =	sshll.u32 s18, $0x2;
	s21 =	sand.u32 $0x7, s17;
	(pc) =	sbr.rel @p0 .LBB2_19-.Ltmp6, $4  }
0x2e: {  	s20 =	sand.u32 $0xFFFFF000, s20;
	s21 =	sshll.u32 s21, $0x6  }
0x2f: {  	s20 =	sor.u32 s21, s20  }
0x30: {  	s20 =	sshrl.u32 s20, $0x2;
	s31 =	sand.u32 $0xFFFFF80, s24  }
0x31: {  	s20 =	sor.u32 $0x280, s20;
	s21 =	sadd.s32 s0, s31  }
0x32: {  	p0 =	sgt.u32 s22, $0x1  }
.Ltmp7:
0x33: {  	_ = 	snop;
	(pc) =	sbr.rel @p0 .LBB2_12-.Ltmp7, $1  }
0x34: {  	_ =	sdelay $0x3  }
0x35: {  	s22 =	sand.u32 $0x1, s23  }
0x36: {  	p0 =	seq.s32 s22, $0x1  }
.Ltmp8:
0x37: {  	_ = 	snop;
	(pc) =	sbr.rel @!p0 .LBB2_6-.Ltmp8, $1  }
0x38: {  	_ =	sdelay $0x3  }
0x39: {  	s21 =	sadd.s32 $0x2, s21;
	s25 =	sadd.s32 $0x0, s20  }
0x3a: {  	[tilespmem:s25], [sflag:$0x1] =	stream.linear.gather [hbm4b:s21+s3], $0x10, $0x38;
	[tilespmem:$0x11280] =	vst v63  }
0x3b: {  	s22 =	sadd.s32 $0x10, s21;
	s23 =	sadd.s32 $0x80, s25  }
0x3c: {  	[tilespmem:s23], [sflag:$0x1] =	stream.linear.gather [hbm4b:s22+s3], $0x10, $0x38;
	[tilespmem:$0x11280] =	vst v63  }
0x3d: {  	s28 =	sadd.s32 $0x20, s21;
	s29 =	sadd.s32 $0x100, s25;
	s30 =	sadd.s32 $0x30, s21  }
0x3e: {  	[tilespmem:s29], [sflag:$0x1] =	stream.linear.gather [hbm4b:s28+s3], $0x10, $0x38;
	[tilespmem:$0x11280] =	vst v63  }
0x3f: {  	s31 =	sadd.s32 $0x180, s25;
	s24 =	sadd.s32 $0x40, s21;
	s26 =	sadd.s32 $0x200, s25  }
0x40: {  	[tilespmem:s31], [sflag:$0x1] =	stream.linear.gather [hbm4b:s30+s3], $0x10, $0x38;
	[tilespmem:$0x11280] =	vst v63  }
0x41: {  	s22 =	simm.s32 $0x4000;
	s23 =	simm.s32 $0x20000;
	s28 =	sadd.s32 $0x50, s21  }
0x42: {  	[tilespmem:s26], [sflag:$0x1] =	stream.linear.gather [hbm4b:s24+s3], $0x10, $0x38;
	[tilespmem:$0x11280] =	vst v63  }
0x43: {  	s29 =	sadd.s32 $0x280, s25;
	s30 =	sadd.s32 $0x60, s21;
	s31 =	sadd.s32 $0x300, s25  }
0x44: {  	[tilespmem:s29], [sflag:$0x1] =	stream.linear.gather [hbm4b:s28+s3], $0x10, $0x38;
	[tilespmem:$0x11280] =	vst v63  }
0x45: {  	s25 =	sadd.s32 $0x380, s25;
	s24 =	sadd.s32 $0x70, s21;
	s21 =	sadd.s32 $0xF4280, s21  }
0x46: {  	[tilespmem:s31], [sflag:$0x1] =	stream.linear.gather [hbm4b:s30+s3], $0x10, $0x38;
	[tilespmem:$0x11280] =	vst v63  }
.LBB2_10:
0x47: {  	[tilespmem:s25], [sflag:$0x1] =	stream.linear.gather [hbm4b:s24+s3], $0x10, $0x38;
	[tilespmem:$0x11280] =	vst v63  }
0x48: {  	s24 =	smov.u32 s23  }
0x49: {  	s26 =	sadd.s32 $0x10000, s23;
	s25 =	sadd.s32 s22, s20;
	s22 =	sshra.s32 s24, $0x2  }
0x4a: {  	[tilespmem:s25], [sflag:$0x1] =	stream.linear.gather [hbm4b:s21+s3], $0x10, $0x38;
	[tilespmem:$0x11280] =	vst v63  }
0x4b: {  	p0 =	seq.s32 s23, $0x30000;
	s23 =	sadd.s32 $0x10, s21;
	s24 =	sadd.s32 $0x80, s25  }
0x4c: {  	[tilespmem:s24], [sflag:$0x1] =	stream.linear.gather [hbm4b:s23+s3], $0x10, $0x38;
	[tilespmem:$0x11280] =	vst v63  }
0x4d: {  	s23 =	sadd.s32 $0x20, s21;
	s24 =	sadd.s32 $0x100, s25  }
0x4e: {  	[tilespmem:s24], [sflag:$0x1] =	stream.linear.gather [hbm4b:s23+s3], $0x10, $0x38;
	[tilespmem:$0x11280] =	vst v63  }
0x4f: {  	s23 =	sadd.s32 $0x30, s21;
	s24 =	sadd.s32 $0x180, s25  }
0x50: {  	[tilespmem:s24], [sflag:$0x1] =	stream.linear.gather [hbm4b:s23+s3], $0x10, $0x38;
	[tilespmem:$0x11280] =	vst v63  }
0x51: {  	s23 =	sadd.s32 $0x40, s21;
	s24 =	sadd.s32 $0x200, s25  }
0x52: {  	[tilespmem:s24], [sflag:$0x1] =	stream.linear.gather [hbm4b:s23+s3], $0x10, $0x38;
	[tilespmem:$0x11280] =	vst v63  }
.Ltmp9:
0x53: {  	s23 =	sadd.s32 $0x50, s21;
	s24 =	sadd.s32 $0x280, s25;
	(pc) =	sbr.rel @!p0 .LBB2_10-.Ltmp9, $4  }
0x54: {  	[tilespmem:s24], [sflag:$0x1] =	stream.linear.gather [hbm4b:s23+s3], $0x10, $0x38;
	[tilespmem:$0x11280] =	vst v63  }
0x55: {  	s23 =	sadd.s32 $0x60, s21;
	s24 =	sadd.s32 $0x300, s25;
	s25 =	sadd.s32 $0x380, s25  }
0x56: {  	[tilespmem:s24], [sflag:$0x1] =	stream.linear.gather [hbm4b:s23+s3], $0x10, $0x38;
	[tilespmem:$0x11280] =	vst v63  }
0x57: {  	s24 =	sadd.s32 $0x70, s21;
	s21 =	sadd.s32 $0xF4280, s21;
	s23 =	smov.u32 s26  }
0x58: {  	[tilespmem:s25], [sflag:$0x1] =	stream.linear.gather [hbm4b:s24+s3], $0x10, $0x38;
	[tilespmem:$0x11280] =	vst v63  }
0x59: {  	s20 =	sadd.s32 s22, s20  }
0x5a: {  	[tilespmem:s20], [sflag:$0x1] =	stream.linear.gather [hbm4b:s21+s3], $0x10, $0x38;
	[tilespmem:$0x11280] =	vst v63  }
0x5b: {  	s26 =	sadd.s32 $0x10, s21;
	s23 =	sadd.s32 $0x80, s20  }
0x5c: {  	[tilespmem:s23], [sflag:$0x1] =	stream.linear.gather [hbm4b:s26+s3], $0x10, $0x38;
	[tilespmem:$0x11280] =	vst v63  }
0x5d: {  	s28 =	sadd.s32 $0x20, s21;
	s29 =	sadd.s32 $0x100, s20  }
0x5e: {  	[tilespmem:s29], [sflag:$0x1] =	stream.linear.gather [hbm4b:s28+s3], $0x10, $0x38;
	[tilespmem:$0x11280] =	vst v63  }
0x5f: {  	s30 =	sadd.s32 $0x30, s21;
	s31 =	sadd.s32 $0x180, s20  }
0x60: {  	[tilespmem:s31], [sflag:$0x1] =	stream.linear.gather [hbm4b:s30+s3], $0x10, $0x38;
	[tilespmem:$0x11280] =	vst v63  }
0x61: {  	s24 =	sadd.s32 $0x40, s21;
	s25 =	sadd.s32 $0x200, s20  }
0x62: {  	[tilespmem:s25], [sflag:$0x1] =	stream.linear.gather [hbm4b:s24+s3], $0x10, $0x38;
	[tilespmem:$0x11280] =	vst v63  }
0x63: {  	s26 =	sadd.s32 $0x50, s21;
	s28 =	sadd.s32 $0x280, s20  }
0x64: {  	[tilespmem:s28], [sflag:$0x1] =	stream.linear.gather [hbm4b:s26+s3], $0x10, $0x38;
	[tilespmem:$0x11280] =	vst v63  }
.Ltmp10:
0x65: {  	_ = 	snop;
	(pc) =	sbr.rel .LBB2_34-.Ltmp10, $4  }
0x66: {  	s29 =	sadd.s32 $0x60, s21;
	s30 =	sadd.s32 $0x300, s20  }
0x67: {  	[tilespmem:s30], [sflag:$0x1] =	stream.linear.gather [hbm4b:s29+s3], $0x10, $0x38;
	[tilespmem:$0x11280] =	vst v63  }
0x68: {  	s31 =	sadd.s32 $0x70, s21;
	s20 =	sadd.s32 $0x380, s20  }
0x69: {  	[tilespmem:s20], [sflag:$0x1] =	stream.linear.gather [hbm4b:s31+s3], $0x10, $0x38;
	[tilespmem:$0x11280] =	vst v63  }
.LBB2_19:
0x6a: {  	p0 =	sgt.u32 s22, $0x5  }
.Ltmp11:
0x6b: {  	_ = 	snop;
	(pc) =	sbr.rel @p0 .LBB2_27-.Ltmp11, $1  }
0x6c: {  	_ =	sdelay $0x3  }
0x6d: {  	p0 =	sne.s32 s22, $0x4  }
.Ltmp12:
0x6e: {  	_ = 	snop;
	(pc) =	sbr.rel @p0 .LBB2_24-.Ltmp12, $1  }
0x6f: {  	_ =	sdelay $0x3  }
0x70: {  	s21 =	sadd.s32 $0x8, s21;
	s25 =	sadd.s32 $0x0, s20  }
0x71: {  	[tilespmem:s25], [sflag:$0x1] =	stream.linear.gather [hbm4b:s21+s3], $0x10, $0x38;
	[tilespmem:$0x11280] =	vst v63  }
0x72: {  	s22 =	sadd.s32 $0x10, s21;
	s23 =	sadd.s32 $0x80, s25  }
0x73: {  	[tilespmem:s23], [sflag:$0x1] =	stream.linear.gather [hbm4b:s22+s3], $0x10, $0x38;
	[tilespmem:$0x11280] =	vst v63  }
0x74: {  	s28 =	sadd.s32 $0x20, s21;
	s29 =	sadd.s32 $0x100, s25;
	s30 =	sadd.s32 $0x30, s21  }
0x75: {  	[tilespmem:s29], [sflag:$0x1] =	stream.linear.gather [hbm4b:s28+s3], $0x10, $0x38;
	[tilespmem:$0x11280] =	vst v63  }
0x76: {  	s31 =	sadd.s32 $0x180, s25;
	s24 =	sadd.s32 $0x40, s21;
	s26 =	sadd.s32 $0x200, s25  }
0x77: {  	[tilespmem:s31], [sflag:$0x1] =	stream.linear.gather [hbm4b:s30+s3], $0x10, $0x38;
	[tilespmem:$0x11280] =	vst v63  }
0x78: {  	s22 =	simm.s32 $0x4000;
	s23 =	simm.s32 $0x20000;
	s28 =	sadd.s32 $0x50, s21  }
0x79: {  	[tilespmem:s26], [sflag:$0x1] =	stream.linear.gather [hbm4b:s24+s3], $0x10, $0x38;
	[tilespmem:$0x11280] =	vst v63  }
0x7a: {  	s29 =	sadd.s32 $0x280, s25;
	s30 =	sadd.s32 $0x60, s21;
	s31 =	sadd.s32 $0x300, s25  }
0x7b: {  	[tilespmem:s29], [sflag:$0x1] =	stream.linear.gather [hbm4b:s28+s3], $0x10, $0x38;
	[tilespmem:$0x11280] =	vst v63  }
0x7c: {  	s25 =	sadd.s32 $0x380, s25;
	s24 =	sadd.s32 $0x70, s21;
	s21 =	sadd.s32 $0xF4280, s21  }
0x7d: {  	[tilespmem:s31], [sflag:$0x1] =	stream.linear.gather [hbm4b:s30+s3], $0x10, $0x38;
	[tilespmem:$0x11280] =	vst v63  }
.LBB2_22:
0x7e: {  	[tilespmem:s25], [sflag:$0x1] =	stream.linear.gather [hbm4b:s24+s3], $0x10, $0x38;
	[tilespmem:$0x11280] =	vst v63  }
0x7f: {  	s24 =	smov.u32 s23  }
0x80: {  	s26 =	sadd.s32 $0x10000, s23;
	s25 =	sadd.s32 s22, s20;
	s22 =	sshra.s32 s24, $0x2  }
0x81: {  	[tilespmem:s25], [sflag:$0x1] =	stream.linear.gather [hbm4b:s21+s3], $0x10, $0x38;
	[tilespmem:$0x11280] =	vst v63  }
0x82: {  	p0 =	seq.s32 s23, $0x30000;
	s23 =	sadd.s32 $0x10, s21;
	s24 =	sadd.s32 $0x80, s25  }
0x83: {  	[tilespmem:s24], [sflag:$0x1] =	stream.linear.gather [hbm4b:s23+s3], $0x10, $0x38;
	[tilespmem:$0x11280] =	vst v63  }
0x84: {  	s23 =	sadd.s32 $0x20, s21;
	s24 =	sadd.s32 $0x100, s25  }
0x85: {  	[tilespmem:s24], [sflag:$0x1] =	stream.linear.gather [hbm4b:s23+s3], $0x10, $0x38;
	[tilespmem:$0x11280] =	vst v63  }
0x86: {  	s23 =	sadd.s32 $0x30, s21;
	s24 =	sadd.s32 $0x180, s25  }
0x87: {  	[tilespmem:s24], [sflag:$0x1] =	stream.linear.gather [hbm4b:s23+s3], $0x10, $0x38;
	[tilespmem:$0x11280] =	vst v63  }
0x88: {  	s23 =	sadd.s32 $0x40, s21;
	s24 =	sadd.s32 $0x200, s25  }
0x89: {  	[tilespmem:s24], [sflag:$0x1] =	stream.linear.gather [hbm4b:s23+s3], $0x10, $0x38;
	[tilespmem:$0x11280] =	vst v63  }
.Ltmp13:
0x8a: {  	s23 =	sadd.s32 $0x50, s21;
	s24 =	sadd.s32 $0x280, s25;
	(pc) =	sbr.rel @!p0 .LBB2_22-.Ltmp13, $4  }
0x8b: {  	[tilespmem:s24], [sflag:$0x1] =	stream.linear.gather [hbm4b:s23+s3], $0x10, $0x38;
	[tilespmem:$0x11280] =	vst v63  }
0x8c: {  	s23 =	sadd.s32 $0x60, s21;
	s24 =	sadd.s32 $0x300, s25;
	s25 =	sadd.s32 $0x380, s25  }
0x8d: {  	[tilespmem:s24], [sflag:$0x1] =	stream.linear.gather [hbm4b:s23+s3], $0x10, $0x38;
	[tilespmem:$0x11280] =	vst v63  }
0x8e: {  	s24 =	sadd.s32 $0x70, s21;
	s21 =	sadd.s32 $0xF4280, s21;
	s23 =	smov.u32 s26  }
0x8f: {  	[tilespmem:s25], [sflag:$0x1] =	stream.linear.gather [hbm4b:s24+s3], $0x10, $0x38;
	[tilespmem:$0x11280] =	vst v63  }
0x90: {  	s20 =	sadd.s32 s22, s20  }
0x91: {  	[tilespmem:s20], [sflag:$0x1] =	stream.linear.gather [hbm4b:s21+s3], $0x10, $0x38;
	[tilespmem:$0x11280] =	vst v63  }
0x92: {  	s26 =	sadd.s32 $0x10, s21;
	s23 =	sadd.s32 $0x80, s20  }
0x93: {  	[tilespmem:s23], [sflag:$0x1] =	stream.linear.gather [hbm4b:s26+s3], $0x10, $0x38;
	[tilespmem:$0x11280] =	vst v63  }
0x94: {  	s28 =	sadd.s32 $0x20, s21;
	s29 =	sadd.s32 $0x100, s20  }
0x95: {  	[tilespmem:s29], [sflag:$0x1] =	stream.linear.gather [hbm4b:s28+s3], $0x10, $0x38;
	[tilespmem:$0x11280] =	vst v63  }
0x96: {  	s30 =	sadd.s32 $0x30, s21;
	s31 =	sadd.s32 $0x180, s20  }
0x97: {  	[tilespmem:s31], [sflag:$0x1] =	stream.linear.gather [hbm4b:s30+s3], $0x10, $0x38;
	[tilespmem:$0x11280] =	vst v63  }
0x98: {  	s24 =	sadd.s32 $0x40, s21;
	s25 =	sadd.s32 $0x200, s20  }
0x99: {  	[tilespmem:s25], [sflag:$0x1] =	stream.linear.gather [hbm4b:s24+s3], $0x10, $0x38;
	[tilespmem:$0x11280] =	vst v63  }
0x9a: {  	s26 =	sadd.s32 $0x50, s21;
	s28 =	sadd.s32 $0x280, s20  }
0x9b: {  	[tilespmem:s28], [sflag:$0x1] =	stream.linear.gather [hbm4b:s26+s3], $0x10, $0x38;
	[tilespmem:$0x11280] =	vst v63  }
.Ltmp14:
0x9c: {  	_ = 	snop;
	(pc) =	sbr.rel .LBB2_34-.Ltmp14, $4  }
0x9d: {  	s29 =	sadd.s32 $0x60, s21;
	s30 =	sadd.s32 $0x300, s20  }
0x9e: {  	[tilespmem:s30], [sflag:$0x1] =	stream.linear.gather [hbm4b:s29+s3], $0x10, $0x38;
	[tilespmem:$0x11280] =	vst v63  }
0x9f: {  	s31 =	sadd.s32 $0x70, s21;
	s20 =	sadd.s32 $0x380, s20  }
0xa0: {  	[tilespmem:s20], [sflag:$0x1] =	stream.linear.gather [hbm4b:s31+s3], $0x10, $0x38;
	[tilespmem:$0x11280] =	vst v63  }
.LBB2_12:
0xa1: {  	p0 =	sne.s32 s22, $0x2  }
.Ltmp15:
0xa2: {  	_ = 	snop;
	(pc) =	sbr.rel @p0 .LBB2_16-.Ltmp15, $1  }
0xa3: {  	_ =	sdelay $0x3  }
0xa4: {  	s21 =	sadd.s32 $0x4, s21;
	s25 =	sadd.s32 $0x0, s20  }
0xa5: {  	[tilespmem:s25], [sflag:$0x1] =	stream.linear.gather [hbm4b:s21+s3], $0x10, $0x38;
	[tilespmem:$0x11280] =	vst v63  }
0xa6: {  	s22 =	sadd.s32 $0x10, s21;
	s23 =	sadd.s32 $0x80, s25  }
0xa7: {  	[tilespmem:s23], [sflag:$0x1] =	stream.linear.gather [hbm4b:s22+s3], $0x10, $0x38;
	[tilespmem:$0x11280] =	vst v63  }
0xa8: {  	s28 =	sadd.s32 $0x20, s21;
	s29 =	sadd.s32 $0x100, s25;
	s30 =	sadd.s32 $0x30, s21  }
0xa9: {  	[tilespmem:s29], [sflag:$0x1] =	stream.linear.gather [hbm4b:s28+s3], $0x10, $0x38;
	[tilespmem:$0x11280] =	vst v63  }
0xaa: {  	s31 =	sadd.s32 $0x180, s25;
	s24 =	sadd.s32 $0x40, s21;
	s26 =	sadd.s32 $0x200, s25  }
0xab: {  	[tilespmem:s31], [sflag:$0x1] =	stream.linear.gather [hbm4b:s30+s3], $0x10, $0x38;
	[tilespmem:$0x11280] =	vst v63  }
0xac: {  	s22 =	simm.s32 $0x4000;
	s23 =	simm.s32 $0x20000;
	s28 =	sadd.s32 $0x50, s21  }
0xad: {  	[tilespmem:s26], [sflag:$0x1] =	stream.linear.gather [hbm4b:s24+s3], $0x10, $0x38;
	[tilespmem:$0x11280] =	vst v63  }
0xae: {  	s29 =	sadd.s32 $0x280, s25;
	s30 =	sadd.s32 $0x60, s21;
	s31 =	sadd.s32 $0x300, s25  }
0xaf: {  	[tilespmem:s29], [sflag:$0x1] =	stream.linear.gather [hbm4b:s28+s3], $0x10, $0x38;
	[tilespmem:$0x11280] =	vst v63  }
0xb0: {  	s25 =	sadd.s32 $0x380, s25;
	s24 =	sadd.s32 $0x70, s21;
	s21 =	sadd.s32 $0xF4280, s21  }
0xb1: {  	[tilespmem:s31], [sflag:$0x1] =	stream.linear.gather [hbm4b:s30+s3], $0x10, $0x38;
	[tilespmem:$0x11280] =	vst v63  }
.LBB2_14:
0xb2: {  	[tilespmem:s25], [sflag:$0x1] =	stream.linear.gather [hbm4b:s24+s3], $0x10, $0x38;
	[tilespmem:$0x11280] =	vst v63  }
0xb3: {  	s24 =	smov.u32 s23  }
0xb4: {  	s26 =	sadd.s32 $0x10000, s23;
	s25 =	sadd.s32 s22, s20;
	s22 =	sshra.s32 s24, $0x2  }
0xb5: {  	[tilespmem:s25], [sflag:$0x1] =	stream.linear.gather [hbm4b:s21+s3], $0x10, $0x38;
	[tilespmem:$0x11280] =	vst v63  }
0xb6: {  	p0 =	seq.s32 s23, $0x30000;
	s23 =	sadd.s32 $0x10, s21;
	s24 =	sadd.s32 $0x80, s25  }
0xb7: {  	[tilespmem:s24], [sflag:$0x1] =	stream.linear.gather [hbm4b:s23+s3], $0x10, $0x38;
	[tilespmem:$0x11280] =	vst v63  }
0xb8: {  	s23 =	sadd.s32 $0x20, s21;
	s24 =	sadd.s32 $0x100, s25  }
0xb9: {  	[tilespmem:s24], [sflag:$0x1] =	stream.linear.gather [hbm4b:s23+s3], $0x10, $0x38;
	[tilespmem:$0x11280] =	vst v63  }
0xba: {  	s23 =	sadd.s32 $0x30, s21;
	s24 =	sadd.s32 $0x180, s25  }
0xbb: {  	[tilespmem:s24], [sflag:$0x1] =	stream.linear.gather [hbm4b:s23+s3], $0x10, $0x38;
	[tilespmem:$0x11280] =	vst v63  }
0xbc: {  	s23 =	sadd.s32 $0x40, s21;
	s24 =	sadd.s32 $0x200, s25  }
0xbd: {  	[tilespmem:s24], [sflag:$0x1] =	stream.linear.gather [hbm4b:s23+s3], $0x10, $0x38;
	[tilespmem:$0x11280] =	vst v63  }
.Ltmp16:
0xbe: {  	s23 =	sadd.s32 $0x50, s21;
	s24 =	sadd.s32 $0x280, s25;
	(pc) =	sbr.rel @!p0 .LBB2_14-.Ltmp16, $4  }
0xbf: {  	[tilespmem:s24], [sflag:$0x1] =	stream.linear.gather [hbm4b:s23+s3], $0x10, $0x38;
	[tilespmem:$0x11280] =	vst v63  }
0xc0: {  	s23 =	sadd.s32 $0x60, s21;
	s24 =	sadd.s32 $0x300, s25;
	s25 =	sadd.s32 $0x380, s25  }
0xc1: {  	[tilespmem:s24], [sflag:$0x1] =	stream.linear.gather [hbm4b:s23+s3], $0x10, $0x38;
	[tilespmem:$0x11280] =	vst v63  }
0xc2: {  	s24 =	sadd.s32 $0x70, s21;
	s21 =	sadd.s32 $0xF4280, s21;
	s23 =	smov.u32 s26  }
0xc3: {  	[tilespmem:s25], [sflag:$0x1] =	stream.linear.gather [hbm4b:s24+s3], $0x10, $0x38;
	[tilespmem:$0x11280] =	vst v63  }
0xc4: {  	s20 =	sadd.s32 s22, s20  }
0xc5: {  	[tilespmem:s20], [sflag:$0x1] =	stream.linear.gather [hbm4b:s21+s3], $0x10, $0x38;
	[tilespmem:$0x11280] =	vst v63  }
0xc6: {  	s26 =	sadd.s32 $0x10, s21;
	s23 =	sadd.s32 $0x80, s20  }
0xc7: {  	[tilespmem:s23], [sflag:$0x1] =	stream.linear.gather [hbm4b:s26+s3], $0x10, $0x38;
	[tilespmem:$0x11280] =	vst v63  }
0xc8: {  	s28 =	sadd.s32 $0x20, s21;
	s29 =	sadd.s32 $0x100, s20  }
0xc9: {  	[tilespmem:s29], [sflag:$0x1] =	stream.linear.gather [hbm4b:s28+s3], $0x10, $0x38;
	[tilespmem:$0x11280] =	vst v63  }
0xca: {  	s30 =	sadd.s32 $0x30, s21;
	s31 =	sadd.s32 $0x180, s20  }
0xcb: {  	[tilespmem:s31], [sflag:$0x1] =	stream.linear.gather [hbm4b:s30+s3], $0x10, $0x38;
	[tilespmem:$0x11280] =	vst v63  }
0xcc: {  	s24 =	sadd.s32 $0x40, s21;
	s25 =	sadd.s32 $0x200, s20  }
0xcd: {  	[tilespmem:s25], [sflag:$0x1] =	stream.linear.gather [hbm4b:s24+s3], $0x10, $0x38;
	[tilespmem:$0x11280] =	vst v63  }
0xce: {  	s26 =	sadd.s32 $0x50, s21;
	s28 =	sadd.s32 $0x280, s20  }
0xcf: {  	[tilespmem:s28], [sflag:$0x1] =	stream.linear.gather [hbm4b:s26+s3], $0x10, $0x38;
	[tilespmem:$0x11280] =	vst v63  }
.Ltmp17:
0xd0: {  	_ = 	snop;
	(pc) =	sbr.rel .LBB2_34-.Ltmp17, $4  }
0xd1: {  	s29 =	sadd.s32 $0x60, s21;
	s30 =	sadd.s32 $0x300, s20  }
0xd2: {  	[tilespmem:s30], [sflag:$0x1] =	stream.linear.gather [hbm4b:s29+s3], $0x10, $0x38;
	[tilespmem:$0x11280] =	vst v63  }
0xd3: {  	s31 =	sadd.s32 $0x70, s21;
	s20 =	sadd.s32 $0x380, s20  }
0xd4: {  	[tilespmem:s20], [sflag:$0x1] =	stream.linear.gather [hbm4b:s31+s3], $0x10, $0x38;
	[tilespmem:$0x11280] =	vst v63  }
.LBB2_27:
0xd5: {  	p0 =	sne.s32 s22, $0x6  }
.Ltmp18:
0xd6: {  	_ = 	snop;
	(pc) =	sbr.rel @p0 .LBB2_31-.Ltmp18, $1  }
0xd7: {  	_ =	sdelay $0x3  }
0xd8: {  	s21 =	sadd.s32 $0xC, s21;
	s25 =	sadd.s32 $0x0, s20  }
0xd9: {  	[tilespmem:s25], [sflag:$0x1] =	stream.linear.gather [hbm4b:s21+s3], $0x10, $0x38;
	[tilespmem:$0x11280] =	vst v63  }
0xda: {  	s22 =	sadd.s32 $0x10, s21;
	s23 =	sadd.s32 $0x80, s25  }
0xdb: {  	[tilespmem:s23], [sflag:$0x1] =	stream.linear.gather [hbm4b:s22+s3], $0x10, $0x38;
	[tilespmem:$0x11280] =	vst v63  }
0xdc: {  	s28 =	sadd.s32 $0x20, s21;
	s29 =	sadd.s32 $0x100, s25;
	s30 =	sadd.s32 $0x30, s21  }
0xdd: {  	[tilespmem:s29], [sflag:$0x1] =	stream.linear.gather [hbm4b:s28+s3], $0x10, $0x38;
	[tilespmem:$0x11280] =	vst v63  }
0xde: {  	s31 =	sadd.s32 $0x180, s25;
	s24 =	sadd.s32 $0x40, s21;
	s26 =	sadd.s32 $0x200, s25  }
0xdf: {  	[tilespmem:s31], [sflag:$0x1] =	stream.linear.gather [hbm4b:s30+s3], $0x10, $0x38;
	[tilespmem:$0x11280] =	vst v63  }
0xe0: {  	s22 =	simm.s32 $0x4000;
	s23 =	simm.s32 $0x20000;
	s28 =	sadd.s32 $0x50, s21  }
0xe1: {  	[tilespmem:s26], [sflag:$0x1] =	stream.linear.gather [hbm4b:s24+s3], $0x10, $0x38;
	[tilespmem:$0x11280] =	vst v63  }
0xe2: {  	s29 =	sadd.s32 $0x280, s25;
	s30 =	sadd.s32 $0x60, s21;
	s31 =	sadd.s32 $0x300, s25  }
0xe3: {  	[tilespmem:s29], [sflag:$0x1] =	stream.linear.gather [hbm4b:s28+s3], $0x10, $0x38;
	[tilespmem:$0x11280] =	vst v63  }
0xe4: {  	s25 =	sadd.s32 $0x380, s25;
	s24 =	sadd.s32 $0x70, s21;
	s21 =	sadd.s32 $0xF4280, s21  }
0xe5: {  	[tilespmem:s31], [sflag:$0x1] =	stream.linear.gather [hbm4b:s30+s3], $0x10, $0x38;
	[tilespmem:$0x11280] =	vst v63  }
.LBB2_29:
0xe6: {  	[tilespmem:s25], [sflag:$0x1] =	stream.linear.gather [hbm4b:s24+s3], $0x10, $0x38;
	[tilespmem:$0x11280] =	vst v63  }
0xe7: {  	s24 =	smov.u32 s23  }
0xe8: {  	s26 =	sadd.s32 $0x10000, s23;
	s25 =	sadd.s32 s22, s20;
	s22 =	sshra.s32 s24, $0x2  }
0xe9: {  	[tilespmem:s25], [sflag:$0x1] =	stream.linear.gather [hbm4b:s21+s3], $0x10, $0x38;
	[tilespmem:$0x11280] =	vst v63  }
0xea: {  	p0 =	seq.s32 s23, $0x30000;
	s23 =	sadd.s32 $0x10, s21;
	s24 =	sadd.s32 $0x80, s25  }
0xeb: {  	[tilespmem:s24], [sflag:$0x1] =	stream.linear.gather [hbm4b:s23+s3], $0x10, $0x38;
	[tilespmem:$0x11280] =	vst v63  }
0xec: {  	s23 =	sadd.s32 $0x20, s21;
	s24 =	sadd.s32 $0x100, s25  }
0xed: {  	[tilespmem:s24], [sflag:$0x1] =	stream.linear.gather [hbm4b:s23+s3], $0x10, $0x38;
	[tilespmem:$0x11280] =	vst v63  }
0xee: {  	s23 =	sadd.s32 $0x30, s21;
	s24 =	sadd.s32 $0x180, s25  }
0xef: {  	[tilespmem:s24], [sflag:$0x1] =	stream.linear.gather [hbm4b:s23+s3], $0x10, $0x38;
	[tilespmem:$0x11280] =	vst v63  }
0xf0: {  	s23 =	sadd.s32 $0x40, s21;
	s24 =	sadd.s32 $0x200, s25  }
0xf1: {  	[tilespmem:s24], [sflag:$0x1] =	stream.linear.gather [hbm4b:s23+s3], $0x10, $0x38;
	[tilespmem:$0x11280] =	vst v63  }
.Ltmp19:
0xf2: {  	s23 =	sadd.s32 $0x50, s21;
	s24 =	sadd.s32 $0x280, s25;
	(pc) =	sbr.rel @!p0 .LBB2_29-.Ltmp19, $4  }
0xf3: {  	[tilespmem:s24], [sflag:$0x1] =	stream.linear.gather [hbm4b:s23+s3], $0x10, $0x38;
	[tilespmem:$0x11280] =	vst v63  }
0xf4: {  	s23 =	sadd.s32 $0x60, s21;
	s24 =	sadd.s32 $0x300, s25;
	s25 =	sadd.s32 $0x380, s25  }
0xf5: {  	[tilespmem:s24], [sflag:$0x1] =	stream.linear.gather [hbm4b:s23+s3], $0x10, $0x38;
	[tilespmem:$0x11280] =	vst v63  }
0xf6: {  	s24 =	sadd.s32 $0x70, s21;
	s21 =	sadd.s32 $0xF4280, s21;
	s23 =	smov.u32 s26  }
0xf7: {  	[tilespmem:s25], [sflag:$0x1] =	stream.linear.gather [hbm4b:s24+s3], $0x10, $0x38;
	[tilespmem:$0x11280] =	vst v63  }
0xf8: {  	s20 =	sadd.s32 s22, s20  }
0xf9: {  	[tilespmem:s20], [sflag:$0x1] =	stream.linear.gather [hbm4b:s21+s3], $0x10, $0x38;
	[tilespmem:$0x11280] =	vst v63  }
0xfa: {  	s26 =	sadd.s32 $0x10, s21;
	s23 =	sadd.s32 $0x80, s20  }
0xfb: {  	[tilespmem:s23], [sflag:$0x1] =	stream.linear.gather [hbm4b:s26+s3], $0x10, $0x38;
	[tilespmem:$0x11280] =	vst v63  }
0xfc: {  	s28 =	sadd.s32 $0x20, s21;
	s29 =	sadd.s32 $0x100, s20  }
0xfd: {  	[tilespmem:s29], [sflag:$0x1] =	stream.linear.gather [hbm4b:s28+s3], $0x10, $0x38;
	[tilespmem:$0x11280] =	vst v63  }
0xfe: {  	s30 =	sadd.s32 $0x30, s21;
	s31 =	sadd.s32 $0x180, s20  }
0xff: {  	[tilespmem:s31], [sflag:$0x1] =	stream.linear.gather [hbm4b:s30+s3], $0x10, $0x38;
	[tilespmem:$0x11280] =	vst v63  }
0x100: {  	s24 =	sadd.s32 $0x40, s21;
	s25 =	sadd.s32 $0x200, s20  }
0x101: {  	[tilespmem:s25], [sflag:$0x1] =	stream.linear.gather [hbm4b:s24+s3], $0x10, $0x38;
	[tilespmem:$0x11280] =	vst v63  }
0x102: {  	s26 =	sadd.s32 $0x50, s21;
	s28 =	sadd.s32 $0x280, s20  }
0x103: {  	[tilespmem:s28], [sflag:$0x1] =	stream.linear.gather [hbm4b:s26+s3], $0x10, $0x38;
	[tilespmem:$0x11280] =	vst v63  }
.Ltmp20:
0x104: {  	_ = 	snop;
	(pc) =	sbr.rel .LBB2_34-.Ltmp20, $4  }
0x105: {  	s29 =	sadd.s32 $0x60, s21;
	s30 =	sadd.s32 $0x300, s20  }
0x106: {  	[tilespmem:s30], [sflag:$0x1] =	stream.linear.gather [hbm4b:s29+s3], $0x10, $0x38;
	[tilespmem:$0x11280] =	vst v63  }
0x107: {  	s31 =	sadd.s32 $0x70, s21;
	s20 =	sadd.s32 $0x380, s20  }
0x108: {  	[tilespmem:s20], [sflag:$0x1] =	stream.linear.gather [hbm4b:s31+s3], $0x10, $0x38;
	[tilespmem:$0x11280] =	vst v63  }
.LBB2_6:
0x109: {  	s25 =	sadd.s32 $0x0, s20  }
0x10a: {  	[tilespmem:s25], [sflag:$0x1] =	stream.linear.gather [hbm4b:s21+s3], $0x10, $0x38;
	[tilespmem:$0x11280] =	vst v63  }
0x10b: {  	s22 =	sadd.s32 $0x10, s21;
	s23 =	sadd.s32 $0x80, s25  }
0x10c: {  	[tilespmem:s23], [sflag:$0x1] =	stream.linear.gather [hbm4b:s22+s3], $0x10, $0x38;
	[tilespmem:$0x11280] =	vst v63  }
0x10d: {  	s28 =	sadd.s32 $0x20, s21;
	s30 =	sadd.s32 $0x30, s21;
	s29 =	sadd.s32 $0x100, s25  }
0x10e: {  	[tilespmem:s29], [sflag:$0x1] =	stream.linear.gather [hbm4b:s28+s3], $0x10, $0x38;
	[tilespmem:$0x11280] =	vst v63  }
0x10f: {  	s24 =	sadd.s32 $0x40, s21;
	s31 =	sadd.s32 $0x180, s25;
	s26 =	sadd.s32 $0x200, s25  }
0x110: {  	[tilespmem:s31], [sflag:$0x1] =	stream.linear.gather [hbm4b:s30+s3], $0x10, $0x38;
	[tilespmem:$0x11280] =	vst v63  }
0x111: {  	s22 =	simm.s32 $0x4000;
	s23 =	simm.s32 $0x20000;
	s28 =	sadd.s32 $0x50, s21  }
0x112: {  	[tilespmem:s26], [sflag:$0x1] =	stream.linear.gather [hbm4b:s24+s3], $0x10, $0x38;
	[tilespmem:$0x11280] =	vst v63  }
0x113: {  	s29 =	sadd.s32 $0x280, s25;
	s30 =	sadd.s32 $0x60, s21;
	s31 =	sadd.s32 $0x300, s25  }
0x114: {  	[tilespmem:s29], [sflag:$0x1] =	stream.linear.gather [hbm4b:s28+s3], $0x10, $0x38;
	[tilespmem:$0x11280] =	vst v63  }
0x115: {  	s25 =	sadd.s32 $0x380, s25;
	s24 =	sadd.s32 $0x70, s21;
	s21 =	sadd.s32 $0xF4280, s21  }
0x116: {  	[tilespmem:s31], [sflag:$0x1] =	stream.linear.gather [hbm4b:s30+s3], $0x10, $0x38;
	[tilespmem:$0x11280] =	vst v63  }
.LBB2_7:
0x117: {  	[tilespmem:s25], [sflag:$0x1] =	stream.linear.gather [hbm4b:s24+s3], $0x10, $0x38;
	[tilespmem:$0x11280] =	vst v63  }
0x118: {  	s24 =	smov.u32 s23  }
0x119: {  	s26 =	sadd.s32 $0x10000, s23;
	s25 =	sadd.s32 s22, s20;
	s22 =	sshra.s32 s24, $0x2  }
0x11a: {  	[tilespmem:s25], [sflag:$0x1] =	stream.linear.gather [hbm4b:s21+s3], $0x10, $0x38;
	[tilespmem:$0x11280] =	vst v63  }
0x11b: {  	p0 =	seq.s32 s23, $0x30000;
	s23 =	sadd.s32 $0x10, s21;
	s24 =	sadd.s32 $0x80, s25  }
0x11c: {  	[tilespmem:s24], [sflag:$0x1] =	stream.linear.gather [hbm4b:s23+s3], $0x10, $0x38;
	[tilespmem:$0x11280] =	vst v63  }
0x11d: {  	s23 =	sadd.s32 $0x20, s21;
	s24 =	sadd.s32 $0x100, s25  }
0x11e: {  	[tilespmem:s24], [sflag:$0x1] =	stream.linear.gather [hbm4b:s23+s3], $0x10, $0x38;
	[tilespmem:$0x11280] =	vst v63  }
0x11f: {  	s23 =	sadd.s32 $0x30, s21;
	s24 =	sadd.s32 $0x180, s25  }
0x120: {  	[tilespmem:s24], [sflag:$0x1] =	stream.linear.gather [hbm4b:s23+s3], $0x10, $0x38;
	[tilespmem:$0x11280] =	vst v63  }
0x121: {  	s23 =	sadd.s32 $0x40, s21;
	s24 =	sadd.s32 $0x200, s25  }
0x122: {  	[tilespmem:s24], [sflag:$0x1] =	stream.linear.gather [hbm4b:s23+s3], $0x10, $0x38;
	[tilespmem:$0x11280] =	vst v63  }
.Ltmp21:
0x123: {  	s23 =	sadd.s32 $0x50, s21;
	s24 =	sadd.s32 $0x280, s25;
	(pc) =	sbr.rel @!p0 .LBB2_7-.Ltmp21, $4  }
0x124: {  	[tilespmem:s24], [sflag:$0x1] =	stream.linear.gather [hbm4b:s23+s3], $0x10, $0x38;
	[tilespmem:$0x11280] =	vst v63  }
0x125: {  	s23 =	sadd.s32 $0x60, s21;
	s24 =	sadd.s32 $0x300, s25;
	s25 =	sadd.s32 $0x380, s25  }
0x126: {  	[tilespmem:s24], [sflag:$0x1] =	stream.linear.gather [hbm4b:s23+s3], $0x10, $0x38;
	[tilespmem:$0x11280] =	vst v63  }
0x127: {  	s24 =	sadd.s32 $0x70, s21;
	s21 =	sadd.s32 $0xF4280, s21;
	s23 =	smov.u32 s26  }
0x128: {  	[tilespmem:s25], [sflag:$0x1] =	stream.linear.gather [hbm4b:s24+s3], $0x10, $0x38;
	[tilespmem:$0x11280] =	vst v63  }
0x129: {  	s20 =	sadd.s32 s22, s20  }
0x12a: {  	[tilespmem:s20], [sflag:$0x1] =	stream.linear.gather [hbm4b:s21+s3], $0x10, $0x38;
	[tilespmem:$0x11280] =	vst v63  }
0x12b: {  	s26 =	sadd.s32 $0x10, s21;
	s23 =	sadd.s32 $0x80, s20  }
0x12c: {  	[tilespmem:s23], [sflag:$0x1] =	stream.linear.gather [hbm4b:s26+s3], $0x10, $0x38;
	[tilespmem:$0x11280] =	vst v63  }
0x12d: {  	s28 =	sadd.s32 $0x20, s21;
	s29 =	sadd.s32 $0x100, s20  }
0x12e: {  	[tilespmem:s29], [sflag:$0x1] =	stream.linear.gather [hbm4b:s28+s3], $0x10, $0x38;
	[tilespmem:$0x11280] =	vst v63  }
0x12f: {  	s30 =	sadd.s32 $0x30, s21;
	s31 =	sadd.s32 $0x180, s20  }
0x130: {  	[tilespmem:s31], [sflag:$0x1] =	stream.linear.gather [hbm4b:s30+s3], $0x10, $0x38;
	[tilespmem:$0x11280] =	vst v63  }
0x131: {  	s24 =	sadd.s32 $0x40, s21;
	s25 =	sadd.s32 $0x200, s20  }
0x132: {  	[tilespmem:s25], [sflag:$0x1] =	stream.linear.gather [hbm4b:s24+s3], $0x10, $0x38;
	[tilespmem:$0x11280] =	vst v63  }
0x133: {  	s26 =	sadd.s32 $0x50, s21;
	s28 =	sadd.s32 $0x280, s20  }
0x134: {  	[tilespmem:s28], [sflag:$0x1] =	stream.linear.gather [hbm4b:s26+s3], $0x10, $0x38;
	[tilespmem:$0x11280] =	vst v63  }
.Ltmp22:
0x135: {  	_ = 	snop;
	(pc) =	sbr.rel .LBB2_34-.Ltmp22, $4  }
0x136: {  	s29 =	sadd.s32 $0x60, s21;
	s30 =	sadd.s32 $0x300, s20  }
0x137: {  	[tilespmem:s30], [sflag:$0x1] =	stream.linear.gather [hbm4b:s29+s3], $0x10, $0x38;
	[tilespmem:$0x11280] =	vst v63  }
0x138: {  	s31 =	sadd.s32 $0x70, s21;
	s20 =	sadd.s32 $0x380, s20  }
0x139: {  	[tilespmem:s20], [sflag:$0x1] =	stream.linear.gather [hbm4b:s31+s3], $0x10, $0x38;
	[tilespmem:$0x11280] =	vst v63  }
.LBB2_24:
0x13a: {  	s21 =	sadd.s32 $0xA, s21;
	s25 =	sadd.s32 $0x0, s20  }
0x13b: {  	[tilespmem:s25], [sflag:$0x1] =	stream.linear.gather [hbm4b:s21+s3], $0x10, $0x38;
	[tilespmem:$0x11280] =	vst v63  }
0x13c: {  	s22 =	sadd.s32 $0x10, s21;
	s23 =	sadd.s32 $0x80, s25  }
0x13d: {  	[tilespmem:s23], [sflag:$0x1] =	stream.linear.gather [hbm4b:s22+s3], $0x10, $0x38;
	[tilespmem:$0x11280] =	vst v63  }
0x13e: {  	s28 =	sadd.s32 $0x20, s21;
	s29 =	sadd.s32 $0x100, s25;
	s30 =	sadd.s32 $0x30, s21  }
0x13f: {  	[tilespmem:s29], [sflag:$0x1] =	stream.linear.gather [hbm4b:s28+s3], $0x10, $0x38;
	[tilespmem:$0x11280] =	vst v63  }
0x140: {  	s31 =	sadd.s32 $0x180, s25;
	s24 =	sadd.s32 $0x40, s21;
	s26 =	sadd.s32 $0x200, s25  }
0x141: {  	[tilespmem:s31], [sflag:$0x1] =	stream.linear.gather [hbm4b:s30+s3], $0x10, $0x38;
	[tilespmem:$0x11280] =	vst v63  }
0x142: {  	s22 =	simm.s32 $0x4000;
	s23 =	simm.s32 $0x20000;
	s28 =	sadd.s32 $0x50, s21  }
0x143: {  	[tilespmem:s26], [sflag:$0x1] =	stream.linear.gather [hbm4b:s24+s3], $0x10, $0x38;
	[tilespmem:$0x11280] =	vst v63  }
0x144: {  	s29 =	sadd.s32 $0x280, s25;
	s30 =	sadd.s32 $0x60, s21;
	s31 =	sadd.s32 $0x300, s25  }
0x145: {  	[tilespmem:s29], [sflag:$0x1] =	stream.linear.gather [hbm4b:s28+s3], $0x10, $0x38;
	[tilespmem:$0x11280] =	vst v63  }
0x146: {  	s25 =	sadd.s32 $0x380, s25;
	s24 =	sadd.s32 $0x70, s21;
	s21 =	sadd.s32 $0xF4280, s21  }
0x147: {  	[tilespmem:s31], [sflag:$0x1] =	stream.linear.gather [hbm4b:s30+s3], $0x10, $0x38;
	[tilespmem:$0x11280] =	vst v63  }
.LBB2_25:
0x148: {  	[tilespmem:s25], [sflag:$0x1] =	stream.linear.gather [hbm4b:s24+s3], $0x10, $0x38;
	[tilespmem:$0x11280] =	vst v63  }
0x149: {  	s24 =	smov.u32 s23  }
0x14a: {  	s26 =	sadd.s32 $0x10000, s23;
	s25 =	sadd.s32 s22, s20;
	s22 =	sshra.s32 s24, $0x2  }
0x14b: {  	[tilespmem:s25], [sflag:$0x1] =	stream.linear.gather [hbm4b:s21+s3], $0x10, $0x38;
	[tilespmem:$0x11280] =	vst v63  }
0x14c: {  	p0 =	seq.s32 s23, $0x30000;
	s23 =	sadd.s32 $0x10, s21;
	s24 =	sadd.s32 $0x80, s25  }
0x14d: {  	[tilespmem:s24], [sflag:$0x1] =	stream.linear.gather [hbm4b:s23+s3], $0x10, $0x38;
	[tilespmem:$0x11280] =	vst v63  }
0x14e: {  	s23 =	sadd.s32 $0x20, s21;
	s24 =	sadd.s32 $0x100, s25  }
0x14f: {  	[tilespmem:s24], [sflag:$0x1] =	stream.linear.gather [hbm4b:s23+s3], $0x10, $0x38;
	[tilespmem:$0x11280] =	vst v63  }
0x150: {  	s23 =	sadd.s32 $0x30, s21;
	s24 =	sadd.s32 $0x180, s25  }
0x151: {  	[tilespmem:s24], [sflag:$0x1] =	stream.linear.gather [hbm4b:s23+s3], $0x10, $0x38;
	[tilespmem:$0x11280] =	vst v63  }
0x152: {  	s23 =	sadd.s32 $0x40, s21;
	s24 =	sadd.s32 $0x200, s25  }
0x153: {  	[tilespmem:s24], [sflag:$0x1] =	stream.linear.gather [hbm4b:s23+s3], $0x10, $0x38;
	[tilespmem:$0x11280] =	vst v63  }
.Ltmp23:
0x154: {  	s23 =	sadd.s32 $0x50, s21;
	s24 =	sadd.s32 $0x280, s25;
	(pc) =	sbr.rel @!p0 .LBB2_25-.Ltmp23, $4  }
0x155: {  	[tilespmem:s24], [sflag:$0x1] =	stream.linear.gather [hbm4b:s23+s3], $0x10, $0x38;
	[tilespmem:$0x11280] =	vst v63  }
0x156: {  	s23 =	sadd.s32 $0x60, s21;
	s24 =	sadd.s32 $0x300, s25;
	s25 =	sadd.s32 $0x380, s25  }
0x157: {  	[tilespmem:s24], [sflag:$0x1] =	stream.linear.gather [hbm4b:s23+s3], $0x10, $0x38;
	[tilespmem:$0x11280] =	vst v63  }
0x158: {  	s24 =	sadd.s32 $0x70, s21;
	s21 =	sadd.s32 $0xF4280, s21;
	s23 =	smov.u32 s26  }
0x159: {  	[tilespmem:s25], [sflag:$0x1] =	stream.linear.gather [hbm4b:s24+s3], $0x10, $0x38;
	[tilespmem:$0x11280] =	vst v63  }
0x15a: {  	s20 =	sadd.s32 s22, s20  }
0x15b: {  	[tilespmem:s20], [sflag:$0x1] =	stream.linear.gather [hbm4b:s21+s3], $0x10, $0x38;
	[tilespmem:$0x11280] =	vst v63  }
0x15c: {  	s26 =	sadd.s32 $0x10, s21;
	s23 =	sadd.s32 $0x80, s20  }
0x15d: {  	[tilespmem:s23], [sflag:$0x1] =	stream.linear.gather [hbm4b:s26+s3], $0x10, $0x38;
	[tilespmem:$0x11280] =	vst v63  }
0x15e: {  	s28 =	sadd.s32 $0x20, s21;
	s29 =	sadd.s32 $0x100, s20  }
0x15f: {  	[tilespmem:s29], [sflag:$0x1] =	stream.linear.gather [hbm4b:s28+s3], $0x10, $0x38;
	[tilespmem:$0x11280] =	vst v63  }
0x160: {  	s30 =	sadd.s32 $0x30, s21;
	s31 =	sadd.s32 $0x180, s20  }
0x161: {  	[tilespmem:s31], [sflag:$0x1] =	stream.linear.gather [hbm4b:s30+s3], $0x10, $0x38;
	[tilespmem:$0x11280] =	vst v63  }
0x162: {  	s24 =	sadd.s32 $0x40, s21;
	s25 =	sadd.s32 $0x200, s20  }
0x163: {  	[tilespmem:s25], [sflag:$0x1] =	stream.linear.gather [hbm4b:s24+s3], $0x10, $0x38;
	[tilespmem:$0x11280] =	vst v63  }
0x164: {  	s26 =	sadd.s32 $0x50, s21;
	s28 =	sadd.s32 $0x280, s20  }
0x165: {  	[tilespmem:s28], [sflag:$0x1] =	stream.linear.gather [hbm4b:s26+s3], $0x10, $0x38;
	[tilespmem:$0x11280] =	vst v63  }
.Ltmp24:
0x166: {  	_ = 	snop;
	(pc) =	sbr.rel .LBB2_34-.Ltmp24, $4  }
0x167: {  	s29 =	sadd.s32 $0x60, s21;
	s30 =	sadd.s32 $0x300, s20  }
0x168: {  	[tilespmem:s30], [sflag:$0x1] =	stream.linear.gather [hbm4b:s29+s3], $0x10, $0x38;
	[tilespmem:$0x11280] =	vst v63  }
0x169: {  	s31 =	sadd.s32 $0x70, s21;
	s20 =	sadd.s32 $0x380, s20  }
0x16a: {  	[tilespmem:s20], [sflag:$0x1] =	stream.linear.gather [hbm4b:s31+s3], $0x10, $0x38;
	[tilespmem:$0x11280] =	vst v63  }
.LBB2_16:
0x16b: {  	s21 =	sadd.s32 $0x6, s21;
	s25 =	sadd.s32 $0x0, s20  }
0x16c: {  	[tilespmem:s25], [sflag:$0x1] =	stream.linear.gather [hbm4b:s21+s3], $0x10, $0x38;
	[tilespmem:$0x11280] =	vst v63  }
0x16d: {  	s22 =	sadd.s32 $0x10, s21;
	s23 =	sadd.s32 $0x80, s25  }
0x16e: {  	[tilespmem:s23], [sflag:$0x1] =	stream.linear.gather [hbm4b:s22+s3], $0x10, $0x38;
	[tilespmem:$0x11280] =	vst v63  }
0x16f: {  	s28 =	sadd.s32 $0x20, s21;
	s29 =	sadd.s32 $0x100, s25;
	s30 =	sadd.s32 $0x30, s21  }
0x170: {  	[tilespmem:s29], [sflag:$0x1] =	stream.linear.gather [hbm4b:s28+s3], $0x10, $0x38;
	[tilespmem:$0x11280] =	vst v63  }
0x171: {  	s31 =	sadd.s32 $0x180, s25;
	s24 =	sadd.s32 $0x40, s21;
	s26 =	sadd.s32 $0x200, s25  }
0x172: {  	[tilespmem:s31], [sflag:$0x1] =	stream.linear.gather [hbm4b:s30+s3], $0x10, $0x38;
	[tilespmem:$0x11280] =	vst v63  }
0x173: {  	s22 =	simm.s32 $0x4000;
	s23 =	simm.s32 $0x20000;
	s28 =	sadd.s32 $0x50, s21  }
0x174: {  	[tilespmem:s26], [sflag:$0x1] =	stream.linear.gather [hbm4b:s24+s3], $0x10, $0x38;
	[tilespmem:$0x11280] =	vst v63  }
0x175: {  	s29 =	sadd.s32 $0x280, s25;
	s30 =	sadd.s32 $0x60, s21;
	s31 =	sadd.s32 $0x300, s25  }
0x176: {  	[tilespmem:s29], [sflag:$0x1] =	stream.linear.gather [hbm4b:s28+s3], $0x10, $0x38;
	[tilespmem:$0x11280] =	vst v63  }
0x177: {  	s25 =	sadd.s32 $0x380, s25;
	s24 =	sadd.s32 $0x70, s21;
	s21 =	sadd.s32 $0xF4280, s21  }
0x178: {  	[tilespmem:s31], [sflag:$0x1] =	stream.linear.gather [hbm4b:s30+s3], $0x10, $0x38;
	[tilespmem:$0x11280] =	vst v63  }
.LBB2_17:
0x179: {  	[tilespmem:s25], [sflag:$0x1] =	stream.linear.gather [hbm4b:s24+s3], $0x10, $0x38;
	[tilespmem:$0x11280] =	vst v63  }
0x17a: {  	s24 =	smov.u32 s23  }
0x17b: {  	s26 =	sadd.s32 $0x10000, s23;
	s25 =	sadd.s32 s22, s20;
	s22 =	sshra.s32 s24, $0x2  }
0x17c: {  	[tilespmem:s25], [sflag:$0x1] =	stream.linear.gather [hbm4b:s21+s3], $0x10, $0x38;
	[tilespmem:$0x11280] =	vst v63  }
0x17d: {  	p0 =	seq.s32 s23, $0x30000;
	s23 =	sadd.s32 $0x10, s21;
	s24 =	sadd.s32 $0x80, s25  }
0x17e: {  	[tilespmem:s24], [sflag:$0x1] =	stream.linear.gather [hbm4b:s23+s3], $0x10, $0x38;
	[tilespmem:$0x11280] =	vst v63  }
0x17f: {  	s23 =	sadd.s32 $0x20, s21;
	s24 =	sadd.s32 $0x100, s25  }
0x180: {  	[tilespmem:s24], [sflag:$0x1] =	stream.linear.gather [hbm4b:s23+s3], $0x10, $0x38;
	[tilespmem:$0x11280] =	vst v63  }
0x181: {  	s23 =	sadd.s32 $0x30, s21;
	s24 =	sadd.s32 $0x180, s25  }
0x182: {  	[tilespmem:s24], [sflag:$0x1] =	stream.linear.gather [hbm4b:s23+s3], $0x10, $0x38;
	[tilespmem:$0x11280] =	vst v63  }
0x183: {  	s23 =	sadd.s32 $0x40, s21;
	s24 =	sadd.s32 $0x200, s25  }
0x184: {  	[tilespmem:s24], [sflag:$0x1] =	stream.linear.gather [hbm4b:s23+s3], $0x10, $0x38;
	[tilespmem:$0x11280] =	vst v63  }
.Ltmp25:
0x185: {  	s23 =	sadd.s32 $0x50, s21;
	s24 =	sadd.s32 $0x280, s25;
	(pc) =	sbr.rel @!p0 .LBB2_17-.Ltmp25, $4  }
0x186: {  	[tilespmem:s24], [sflag:$0x1] =	stream.linear.gather [hbm4b:s23+s3], $0x10, $0x38;
	[tilespmem:$0x11280] =	vst v63  }
0x187: {  	s23 =	sadd.s32 $0x60, s21;
	s24 =	sadd.s32 $0x300, s25;
	s25 =	sadd.s32 $0x380, s25  }
0x188: {  	[tilespmem:s24], [sflag:$0x1] =	stream.linear.gather [hbm4b:s23+s3], $0x10, $0x38;
	[tilespmem:$0x11280] =	vst v63  }
0x189: {  	s24 =	sadd.s32 $0x70, s21;
	s21 =	sadd.s32 $0xF4280, s21;
	s23 =	smov.u32 s26  }
0x18a: {  	[tilespmem:s25], [sflag:$0x1] =	stream.linear.gather [hbm4b:s24+s3], $0x10, $0x38;
	[tilespmem:$0x11280] =	vst v63  }
0x18b: {  	s20 =	sadd.s32 s22, s20  }
0x18c: {  	[tilespmem:s20], [sflag:$0x1] =	stream.linear.gather [hbm4b:s21+s3], $0x10, $0x38;
	[tilespmem:$0x11280] =	vst v63  }
0x18d: {  	s26 =	sadd.s32 $0x10, s21;
	s23 =	sadd.s32 $0x80, s20  }
0x18e: {  	[tilespmem:s23], [sflag:$0x1] =	stream.linear.gather [hbm4b:s26+s3], $0x10, $0x38;
	[tilespmem:$0x11280] =	vst v63  }
0x18f: {  	s28 =	sadd.s32 $0x20, s21;
	s29 =	sadd.s32 $0x100, s20  }
0x190: {  	[tilespmem:s29], [sflag:$0x1] =	stream.linear.gather [hbm4b:s28+s3], $0x10, $0x38;
	[tilespmem:$0x11280] =	vst v63  }
0x191: {  	s30 =	sadd.s32 $0x30, s21;
	s31 =	sadd.s32 $0x180, s20  }
0x192: {  	[tilespmem:s31], [sflag:$0x1] =	stream.linear.gather [hbm4b:s30+s3], $0x10, $0x38;
	[tilespmem:$0x11280] =	vst v63  }
0x193: {  	s24 =	sadd.s32 $0x40, s21;
	s25 =	sadd.s32 $0x200, s20  }
0x194: {  	[tilespmem:s25], [sflag:$0x1] =	stream.linear.gather [hbm4b:s24+s3], $0x10, $0x38;
	[tilespmem:$0x11280] =	vst v63  }
0x195: {  	s26 =	sadd.s32 $0x50, s21;
	s28 =	sadd.s32 $0x280, s20  }
0x196: {  	[tilespmem:s28], [sflag:$0x1] =	stream.linear.gather [hbm4b:s26+s3], $0x10, $0x38;
	[tilespmem:$0x11280] =	vst v63  }
.Ltmp26:
0x197: {  	_ = 	snop;
	(pc) =	sbr.rel .LBB2_34-.Ltmp26, $4  }
0x198: {  	s29 =	sadd.s32 $0x60, s21;
	s30 =	sadd.s32 $0x300, s20  }
0x199: {  	[tilespmem:s30], [sflag:$0x1] =	stream.linear.gather [hbm4b:s29+s3], $0x10, $0x38;
	[tilespmem:$0x11280] =	vst v63  }
0x19a: {  	s31 =	sadd.s32 $0x70, s21;
	s20 =	sadd.s32 $0x380, s20  }
0x19b: {  	[tilespmem:s20], [sflag:$0x1] =	stream.linear.gather [hbm4b:s31+s3], $0x10, $0x38;
	[tilespmem:$0x11280] =	vst v63  }
.LBB2_31:
0x19c: {  	s21 =	sadd.s32 $0xE, s21;
	s25 =	sadd.s32 $0x0, s20  }
0x19d: {  	[tilespmem:s25], [sflag:$0x1] =	stream.linear.gather [hbm4b:s21+s3], $0x10, $0x38;
	[tilespmem:$0x11280] =	vst v63  }
0x19e: {  	s22 =	sadd.s32 $0x10, s21;
	s23 =	sadd.s32 $0x80, s25  }
0x19f: {  	[tilespmem:s23], [sflag:$0x1] =	stream.linear.gather [hbm4b:s22+s3], $0x10, $0x38;
	[tilespmem:$0x11280] =	vst v63  }
0x1a0: {  	s28 =	sadd.s32 $0x20, s21;
	s29 =	sadd.s32 $0x100, s25;
	s30 =	sadd.s32 $0x30, s21  }
0x1a1: {  	[tilespmem:s29], [sflag:$0x1] =	stream.linear.gather [hbm4b:s28+s3], $0x10, $0x38;
	[tilespmem:$0x11280] =	vst v63  }
0x1a2: {  	s31 =	sadd.s32 $0x180, s25;
	s24 =	sadd.s32 $0x40, s21;
	s26 =	sadd.s32 $0x200, s25  }
0x1a3: {  	[tilespmem:s31], [sflag:$0x1] =	stream.linear.gather [hbm4b:s30+s3], $0x10, $0x38;
	[tilespmem:$0x11280] =	vst v63  }
0x1a4: {  	s22 =	simm.s32 $0x4000;
	s23 =	simm.s32 $0x20000;
	s28 =	sadd.s32 $0x50, s21  }
0x1a5: {  	[tilespmem:s26], [sflag:$0x1] =	stream.linear.gather [hbm4b:s24+s3], $0x10, $0x38;
	[tilespmem:$0x11280] =	vst v63  }
0x1a6: {  	s29 =	sadd.s32 $0x280, s25;
	s30 =	sadd.s32 $0x60, s21;
	s31 =	sadd.s32 $0x300, s25  }
0x1a7: {  	[tilespmem:s29], [sflag:$0x1] =	stream.linear.gather [hbm4b:s28+s3], $0x10, $0x38;
	[tilespmem:$0x11280] =	vst v63  }
0x1a8: {  	s25 =	sadd.s32 $0x380, s25;
	s24 =	sadd.s32 $0x70, s21;
	s21 =	sadd.s32 $0xF4280, s21  }
0x1a9: {  	[tilespmem:s31], [sflag:$0x1] =	stream.linear.gather [hbm4b:s30+s3], $0x10, $0x38;
	[tilespmem:$0x11280] =	vst v63  }
.LBB2_32:
0x1aa: {  	[tilespmem:s25], [sflag:$0x1] =	stream.linear.gather [hbm4b:s24+s3], $0x10, $0x38;
	[tilespmem:$0x11280] =	vst v63  }
0x1ab: {  	s24 =	smov.u32 s23  }
0x1ac: {  	s26 =	sadd.s32 $0x10000, s23;
	s25 =	sadd.s32 s22, s20;
	s22 =	sshra.s32 s24, $0x2  }
0x1ad: {  	[tilespmem:s25], [sflag:$0x1] =	stream.linear.gather [hbm4b:s21+s3], $0x10, $0x38;
	[tilespmem:$0x11280] =	vst v63  }
0x1ae: {  	p0 =	sne.s32 s23, $0x30000;
	s23 =	sadd.s32 $0x10, s21;
	s24 =	sadd.s32 $0x80, s25  }
0x1af: {  	[tilespmem:s24], [sflag:$0x1] =	stream.linear.gather [hbm4b:s23+s3], $0x10, $0x38;
	[tilespmem:$0x11280] =	vst v63  }
0x1b0: {  	s23 =	sadd.s32 $0x20, s21;
	s24 =	sadd.s32 $0x100, s25  }
0x1b1: {  	[tilespmem:s24], [sflag:$0x1] =	stream.linear.gather [hbm4b:s23+s3], $0x10, $0x38;
	[tilespmem:$0x11280] =	vst v63  }
0x1b2: {  	s23 =	sadd.s32 $0x30, s21;
	s24 =	sadd.s32 $0x180, s25  }
0x1b3: {  	[tilespmem:s24], [sflag:$0x1] =	stream.linear.gather [hbm4b:s23+s3], $0x10, $0x38;
	[tilespmem:$0x11280] =	vst v63  }
0x1b4: {  	s23 =	sadd.s32 $0x40, s21;
	s24 =	sadd.s32 $0x200, s25  }
0x1b5: {  	[tilespmem:s24], [sflag:$0x1] =	stream.linear.gather [hbm4b:s23+s3], $0x10, $0x38;
	[tilespmem:$0x11280] =	vst v63  }
.Ltmp27:
0x1b6: {  	s23 =	sadd.s32 $0x50, s21;
	s24 =	sadd.s32 $0x280, s25;
	(pc) =	sbr.rel @p0 .LBB2_32-.Ltmp27, $4  }
0x1b7: {  	[tilespmem:s24], [sflag:$0x1] =	stream.linear.gather [hbm4b:s23+s3], $0x10, $0x38;
	[tilespmem:$0x11280] =	vst v63  }
0x1b8: {  	s23 =	sadd.s32 $0x60, s21;
	s24 =	sadd.s32 $0x300, s25;
	s25 =	sadd.s32 $0x380, s25  }
0x1b9: {  	[tilespmem:s24], [sflag:$0x1] =	stream.linear.gather [hbm4b:s23+s3], $0x10, $0x38;
	[tilespmem:$0x11280] =	vst v63  }
0x1ba: {  	s24 =	sadd.s32 $0x70, s21;
	s21 =	sadd.s32 $0xF4280, s21;
	s23 =	smov.u32 s26  }
0x1bb: {  	[tilespmem:s25], [sflag:$0x1] =	stream.linear.gather [hbm4b:s24+s3], $0x10, $0x38;
	[tilespmem:$0x11280] =	vst v63  }
0x1bc: {  	s20 =	sadd.s32 s22, s20  }
0x1bd: {  	[tilespmem:s20], [sflag:$0x1] =	stream.linear.gather [hbm4b:s21+s3], $0x10, $0x38;
	[tilespmem:$0x11280] =	vst v63  }
0x1be: {  	s26 =	sadd.s32 $0x10, s21;
	s23 =	sadd.s32 $0x80, s20  }
0x1bf: {  	[tilespmem:s23], [sflag:$0x1] =	stream.linear.gather [hbm4b:s26+s3], $0x10, $0x38;
	[tilespmem:$0x11280] =	vst v63  }
0x1c0: {  	s28 =	sadd.s32 $0x20, s21;
	s29 =	sadd.s32 $0x100, s20  }
0x1c1: {  	[tilespmem:s29], [sflag:$0x1] =	stream.linear.gather [hbm4b:s28+s3], $0x10, $0x38;
	[tilespmem:$0x11280] =	vst v63  }
0x1c2: {  	s30 =	sadd.s32 $0x30, s21;
	s31 =	sadd.s32 $0x180, s20  }
0x1c3: {  	[tilespmem:s31], [sflag:$0x1] =	stream.linear.gather [hbm4b:s30+s3], $0x10, $0x38;
	[tilespmem:$0x11280] =	vst v63  }
0x1c4: {  	s24 =	sadd.s32 $0x40, s21;
	s25 =	sadd.s32 $0x200, s20  }
0x1c5: {  	[tilespmem:s25], [sflag:$0x1] =	stream.linear.gather [hbm4b:s24+s3], $0x10, $0x38;
	[tilespmem:$0x11280] =	vst v63  }
0x1c6: {  	s26 =	sadd.s32 $0x50, s21;
	s28 =	sadd.s32 $0x280, s20  }
0x1c7: {  	[tilespmem:s28], [sflag:$0x1] =	stream.linear.gather [hbm4b:s26+s3], $0x10, $0x38;
	[tilespmem:$0x11280] =	vst v63  }
.Ltmp28:
0x1c8: {  	_ = 	snop;
	(pc) =	sbr.rel .LBB2_34-.Ltmp28, $4  }
0x1c9: {  	s29 =	sadd.s32 $0x60, s21;
	s30 =	sadd.s32 $0x300, s20  }
0x1ca: {  	[tilespmem:s30], [sflag:$0x1] =	stream.linear.gather [hbm4b:s29+s3], $0x10, $0x38;
	[tilespmem:$0x11280] =	vst v63  }
0x1cb: {  	s31 =	sadd.s32 $0x70, s21;
	s20 =	sadd.s32 $0x380, s20  }
0x1cc: {  	[tilespmem:s20], [sflag:$0x1] =	stream.linear.gather [hbm4b:s31+s3], $0x10, $0x38;
	[tilespmem:$0x11280] =	vst v63  }
.LBB2_35:
.Ltmp29:
0x1cd: {  	(pc) =	sbr.rel .LBB2_36-.Ltmp29, $2  }
0x1ce: {  	_ =	sdelay $0x2  }
0x1cf: {  	s17 =	sor.u32 $0x10, s16;
	s18 =	simm.s32 $0x0;
	s19 =	smov.u32 s14  }
.LBB2_70:
0x1d0: {  	_ =	swait.ge [sflag:s8], $0x200  }
0x1d1: {  	[sflag:s8] =	ssyncset.done $0x0  }
0x1d2: {  	[sflag:s8] =	ssyncadd.s32 $0xFFFFFE00  }
0x1d3: {  	_ =	swait.ge [sflag:s8], $0x200  }
0x1d4: {  	[sflag:s8] =	ssyncset.done $0x0  }
0x1d5: {  	[sflag:s8] =	ssyncadd.s32 $0xFFFFFE00  }
0x1d6: {  	_ =	swait.ge [sflag:s8], $0x200  }
0x1d7: {  	[sflag:s8] =	ssyncset.done $0x0  }
0x1d8: {  	[sflag:s8] =	ssyncadd.s32 $0xFFFFFE00  }
0x1d9: {  	_ =	swait.ge [sflag:s8], $0x200  }
0x1da: {  	[sflag:s8] =	ssyncset.done $0x0  }
0x1db: {  	[sflag:s8] =	ssyncadd.s32 $0xFFFFFE00  }
0x1dc: {  	_ =	swait.ge [sflag:s8], $0x200  }
0x1dd: {  	[sflag:s8] =	ssyncset.done $0x0  }
0x1de: {  	[sflag:s8] =	ssyncadd.s32 $0xFFFFFE00  }
0x1df: {  	_ =	swait.ge [sflag:s8], $0x200  }
0x1e0: {  	[sflag:s8] =	ssyncset.done $0x0  }
0x1e1: {  	[sflag:s8] =	ssyncadd.s32 $0xFFFFFE00  }
0x1e2: {  	_ =	swait.ge [sflag:s8], $0x200  }
0x1e3: {  	[sflag:s8] =	ssyncset.done $0x0  }
0x1e4: {  	[sflag:s8] =	ssyncadd.s32 $0xFFFFFE00  }
0x1e5: {  	_ =	swait.ge [sflag:s8], $0x200  }
0x1e6: {  	[sflag:s8] =	ssyncset.done $0x0  }
0x1e7: {  	[sflag:s8] =	ssyncadd.s32 $0xFFFFFE00  }
0x1e8: {  	_ =	swait.ge [sflag:s8], $0x200  }
0x1e9: {  	[sflag:s8] =	ssyncset.done $0x0  }
0x1ea: {  	[sflag:s8] =	ssyncadd.s32 $0xFFFFFE00  }
0x1eb: {  	_ =	swait.ge [sflag:s8], $0x200  }
0x1ec: {  	[sflag:s8] =	ssyncset.done $0x0  }
0x1ed: {  	[sflag:s8] =	ssyncadd.s32 $0xFFFFFE00  }
0x1ee: {  	_ =	swait.ge [sflag:s8], $0x200  }
0x1ef: {  	[sflag:s8] =	ssyncset.done $0x0  }
0x1f0: {  	[sflag:s8] =	ssyncadd.s32 $0xFFFFFE00  }
0x1f1: {  	_ =	swait.ge [sflag:s8], $0x200  }
0x1f2: {  	[sflag:s8] =	ssyncset.done $0x0  }
0x1f3: {  	[sflag:s8] =	ssyncadd.s32 $0xFFFFFE00  }
0x1f4: {  	_ =	swait.ge [sflag:s8], $0x200  }
0x1f5: {  	[sflag:s8] =	ssyncset.done $0x0  }
0x1f6: {  	[sflag:s8] =	ssyncadd.s32 $0xFFFFFE00  }
0x1f7: {  	_ =	swait.ge [sflag:s8], $0x200  }
0x1f8: {  	[sflag:s8] =	ssyncset.done $0x0  }
0x1f9: {  	[sflag:s8] =	ssyncadd.s32 $0xFFFFFE00  }
0x1fa: {  	_ =	swait.ge [sflag:s8], $0x200  }
0x1fb: {  	[sflag:s8] =	ssyncset.done $0x0  }
0x1fc: {  	[sflag:s8] =	ssyncadd.s32 $0xFFFFFE00  }
0x1fd: {  	_ =	swait.ge [sflag:s8], $0x200  }
0x1fe: {  	[sflag:s8] =	ssyncset.done $0x0  }
0x1ff: {  	[sflag:s8] =	ssyncadd.s32 $0xFFFFFE00  }
0x200: {  	v34 =	vld.idx.msk [tilespmem:v33+s20+$0x0 ss:$0x1], $0xffff;
	_ =	sdelay $0x3  }
0x201: {  	v35 =	vor.u32 s20, v0  }
0x202: {  	v36 =	vshll.u32 v35, $0x7;
	v34 =	vand.u32 $0xF, v34  }
0x203: {  	v37 =	vand.u32 $0x3C00, v36;
	v34 =	vor.u32 v1, v34  }
0x204: {  	v37 =	vor.u32 v37, v34;
	_ =	sdelay $0x4  }
0x205: {  	v38 =	vld.idx.msk [tilespmem:v37+s9+$0x0], $0xffff  }
0x206: {  	v39 =	vor.u32 $0x80, v37;
	_ =	sdelay $0x3  }
0x207: {  	[tilespmem:v35+s10+$0x0] =	vst.idx.msk $0xffff, v38  }
0x208: {  	v52 =	vor.u32 s20, v2;
	v35 =	vld.idx.msk [tilespmem:v39+s9+$0x0], $0xffff  }
0x209: {  	v53 =	vor.u32 $0x100, v37;
	_ =	sdelay $0x3  }
0x20a: {  	[tilespmem:v52+s10+$0x0] =	vst.idx.msk $0xffff, v35  }
0x20b: {  	v54 =	vor.u32 s20, v3;
	v35 =	vld.idx.msk [tilespmem:v53+s9+$0x0], $0xffff  }
0x20c: {  	v55 =	vor.u32 $0x180, v37;
	_ =	sdelay $0x3  }
0x20d: {  	[tilespmem:v54+s10+$0x0] =	vst.idx.msk $0xffff, v35  }
0x20e: {  	v56 =	vor.u32 s20, v4;
	v35 =	vld.idx.msk [tilespmem:v55+s9+$0x0], $0xffff  }
0x20f: {  	v57 =	vor.u32 $0x200, v37;
	_ =	sdelay $0x3  }
0x210: {  	[tilespmem:v56+s10+$0x0] =	vst.idx.msk $0xffff, v35  }
0x211: {  	v58 =	vor.u32 s20, v5;
	v35 =	vld.idx.msk [tilespmem:v57+s9+$0x0], $0xffff  }
0x212: {  	v59 =	vor.u32 $0x280, v37;
	_ =	sdelay $0x3  }
0x213: {  	[tilespmem:v58+s10+$0x0] =	vst.idx.msk $0xffff, v35  }
0x214: {  	v60 =	vor.u32 s20, v6;
	v35 =	vld.idx.msk [tilespmem:v59+s9+$0x0], $0xffff  }
0x215: {  	v61 =	vor.u32 $0x300, v37;
	_ =	sdelay $0x3  }
0x216: {  	[tilespmem:v60+s10+$0x0] =	vst.idx.msk $0xffff, v35  }
0x217: {  	v62 =	vor.u32 s20, v7;
	v34 =	vor.u32 v34, v36;
	v35 =	vld.idx.msk [tilespmem:v61+s9+$0x0], $0xffff  }
0x218: {  	v34 =	vor.u32 $0x380, v34;
	_ =	sdelay $0x3  }
0x219: {  	[tilespmem:v62+s10+$0x0] =	vst.idx.msk $0xffff, v35  }
0x21a: {  	v63 =	vor.u32 s20, v8;
	v34 =	vld.idx.msk [tilespmem:v34+s9+$0x0], $0xffff  }
0x21b: {  	v40 =	vor.u32 $0x4000, v37;
	_ =	sdelay $0x3  }
0x21c: {  	[tilespmem:v63+s10+$0x0] =	vst.idx.msk $0xffff, v34  }
0x21d: {  	v41 =	vor.u32 s20, v9;
	v34 =	vld.idx.msk [tilespmem:v40+s9+$0x0], $0xffff  }
0x21e: {  	v42 =	vor.u32 $0x4080, v37;
	_ =	sdelay $0x3  }
0x21f: {  	[tilespmem:v41+s10+$0x0] =	vst.idx.msk $0xffff, v34  }
0x220: {  	v43 =	vor.u32 s20, v10;
	v34 =	vld.idx.msk [tilespmem:v42+s9+$0x0], $0xffff  }
0x221: {  	v44 =	vor.u32 $0x4100, v37;
	_ =	sdelay $0x3  }
0x222: {  	[tilespmem:v43+s10+$0x0] =	vst.idx.msk $0xffff, v34  }
0x223: {  	v45 =	vor.u32 s20, v11;
	v34 =	vld.idx.msk [tilespmem:v44+s9+$0x0], $0xffff  }
0x224: {  	v46 =	vor.u32 $0x4180, v37;
	_ =	sdelay $0x3  }
0x225: {  	[tilespmem:v45+s10+$0x0] =	vst.idx.msk $0xffff, v34  }
0x226: {  	v47 =	vor.u32 s20, v12;
	v34 =	vld.idx.msk [tilespmem:v46+s9+$0x0], $0xffff  }
0x227: {  	v48 =	vor.u32 $0x4200, v37;
	_ =	sdelay $0x3  }
0x228: {  	[tilespmem:v47+s10+$0x0] =	vst.idx.msk $0xffff, v34  }
0x229: {  	v49 =	vor.u32 s20, v13;
	v34 =	vld.idx.msk [tilespmem:v48+s9+$0x0], $0xffff  }
0x22a: {  	v50 =	vor.u32 $0x4280, v37;
	_ =	sdelay $0x3  }
0x22b: {  	[tilespmem:v49+s10+$0x0] =	vst.idx.msk $0xffff, v34  }
0x22c: {  	v51 =	vor.u32 s20, v14;
	v34 =	vld.idx.msk [tilespmem:v50+s9+$0x0], $0xffff  }
0x22d: {  	v52 =	vor.u32 $0x4300, v37;
	_ =	sdelay $0x3  }
0x22e: {  	[tilespmem:v51+s10+$0x0] =	vst.idx.msk $0xffff, v34  }
0x22f: {  	v53 =	vor.u32 s20, v15;
	v34 =	vld.idx.msk [tilespmem:v52+s9+$0x0], $0xffff  }
0x230: {  	v54 =	vor.u32 $0x4380, v37;
	_ =	sdelay $0x3  }
0x231: {  	[tilespmem:v53+s10+$0x0] =	vst.idx.msk $0xffff, v34  }
0x232: {  	v55 =	vor.u32 s20, v16;
	v34 =	vld.idx.msk [tilespmem:v54+s9+$0x0], $0xffff  }
0x233: {  	v56 =	vor.u32 $0x8000, v37;
	_ =	sdelay $0x3  }
0x234: {  	[tilespmem:v55+s10+$0x0] =	vst.idx.msk $0xffff, v34  }
0x235: {  	v57 =	vor.u32 s20, v17;
	v34 =	vld.idx.msk [tilespmem:v56+s9+$0x0], $0xffff  }
0x236: {  	v58 =	vor.u32 $0x8080, v37;
	_ =	sdelay $0x3  }
0x237: {  	[tilespmem:v57+s10+$0x0] =	vst.idx.msk $0xffff, v34  }
0x238: {  	v59 =	vor.u32 s20, v18;
	v34 =	vld.idx.msk [tilespmem:v58+s9+$0x0], $0xffff  }
0x239: {  	v60 =	vor.u32 $0x8100, v37;
	_ =	sdelay $0x3  }
0x23a: {  	[tilespmem:v59+s10+$0x0] =	vst.idx.msk $0xffff, v34  }
0x23b: {  	v61 =	vor.u32 s20, v19;
	v34 =	vld.idx.msk [tilespmem:v60+s9+$0x0], $0xffff  }
0x23c: {  	v62 =	vor.u32 $0x8180, v37;
	_ =	sdelay $0x3  }
0x23d: {  	[tilespmem:v61+s10+$0x0] =	vst.idx.msk $0xffff, v34  }
0x23e: {  	v63 =	vor.u32 s20, v20;
	v34 =	vld.idx.msk [tilespmem:v62+s9+$0x0], $0xffff  }
0x23f: {  	v40 =	vor.u32 $0x8200, v37;
	_ =	sdelay $0x3  }
0x240: {  	[tilespmem:v63+s10+$0x0] =	vst.idx.msk $0xffff, v34  }
0x241: {  	v41 =	vor.u32 s20, v21;
	v34 =	vld.idx.msk [tilespmem:v40+s9+$0x0], $0xffff  }
0x242: {  	v42 =	vor.u32 $0x8280, v37;
	_ =	sdelay $0x3  }
0x243: {  	[tilespmem:v41+s10+$0x0] =	vst.idx.msk $0xffff, v34  }
0x244: {  	v43 =	vor.u32 s20, v22;
	v34 =	vld.idx.msk [tilespmem:v42+s9+$0x0], $0xffff  }
0x245: {  	v44 =	vor.u32 $0x8300, v37;
	_ =	sdelay $0x3  }
0x246: {  	[tilespmem:v43+s10+$0x0] =	vst.idx.msk $0xffff, v34  }
0x247: {  	v45 =	vor.u32 s20, v23;
	v34 =	vld.idx.msk [tilespmem:v44+s9+$0x0], $0xffff  }
0x248: {  	v46 =	vor.u32 $0x8380, v37;
	_ =	sdelay $0x3  }
0x249: {  	[tilespmem:v45+s10+$0x0] =	vst.idx.msk $0xffff, v34  }
0x24a: {  	v47 =	vor.u32 s20, v24;
	v34 =	vld.idx.msk [tilespmem:v46+s9+$0x0], $0xffff  }
0x24b: {  	v48 =	vor.u32 $0xC000, v37;
	_ =	sdelay $0x3  }
0x24c: {  	[tilespmem:v47+s10+$0x0] =	vst.idx.msk $0xffff, v34  }
0x24d: {  	v49 =	vor.u32 s20, v25;
	v34 =	vld.idx.msk [tilespmem:v48+s9+$0x0], $0xffff  }
0x24e: {  	v50 =	vor.u32 $0xC080, v37;
	_ =	sdelay $0x3  }
0x24f: {  	[tilespmem:v49+s10+$0x0] =	vst.idx.msk $0xffff, v34  }
0x250: {  	v51 =	vor.u32 s20, v26;
	v34 =	vld.idx.msk [tilespmem:v50+s9+$0x0], $0xffff  }
0x251: {  	v52 =	vor.u32 $0xC100, v37;
	_ =	sdelay $0x3  }
0x252: {  	[tilespmem:v51+s10+$0x0] =	vst.idx.msk $0xffff, v34  }
0x253: {  	v53 =	vor.u32 s20, v27;
	v34 =	vld.idx.msk [tilespmem:v52+s9+$0x0], $0xffff  }
0x254: {  	v54 =	vor.u32 $0xC180, v37;
	_ =	sdelay $0x3  }
0x255: {  	[tilespmem:v53+s10+$0x0] =	vst.idx.msk $0xffff, v34  }
0x256: {  	v55 =	vor.u32 s20, v28;
	v34 =	vld.idx.msk [tilespmem:v54+s9+$0x0], $0xffff  }
0x257: {  	v56 =	vor.u32 $0xC200, v37;
	_ =	sdelay $0x3  }
0x258: {  	[tilespmem:v55+s10+$0x0] =	vst.idx.msk $0xffff, v34  }
0x259: {  	v57 =	vor.u32 s20, v29;
	v34 =	vld.idx.msk [tilespmem:v56+s9+$0x0], $0xffff  }
0x25a: {  	v58 =	vor.u32 $0xC280, v37;
	_ =	sdelay $0x3  }
0x25b: {  	[tilespmem:v57+s10+$0x0] =	vst.idx.msk $0xffff, v34  }
0x25c: {  	v59 =	vor.u32 s20, v30;
	v34 =	vld.idx.msk [tilespmem:v58+s9+$0x0], $0xffff  }
0x25d: {  	v60 =	vor.u32 $0xC300, v37;
	_ =	sdelay $0x3  }
0x25e: {  	[tilespmem:v59+s10+$0x0] =	vst.idx.msk $0xffff, v34  }
0x25f: {  	v61 =	vor.u32 s20, v31;
	v34 =	vld.idx.msk [tilespmem:v60+s9+$0x0], $0xffff  }
0x260: {  	v62 =	vor.u32 $0xC380, v37;
	_ =	sdelay $0x3  }
0x261: {  	s18 =	sadd.s32 $0x1, s18;
	[tilespmem:v61+s10+$0x0] =	vst.idx.msk $0xffff, v34  }
0x262: {  	p0 =	sne.s32 s18, $0x8;
	v63 =	vor.u32 s20, v32;
	v34 =	vld.idx.msk [tilespmem:v62+s9+$0x0], $0xffff  }
.Ltmp30:
0x263: {  	_ = 	snop;
	(pc) =	sbr.rel @!p0 .LBB2_71-.Ltmp30, $2  }
0x264: {  	_ =	sdelay $0x2  }
0x265: {  	s19 =	sadd.s32 $0x800, s19;
	[tilespmem:v63+s10+$0x0] =	vst.idx.msk $0xffff, v34  }
.LBB2_36:
0x266: {  	p0 =	seq.s32 s18, $0x7  }
.Ltmp31:
0x267: {  	_ = 	snop;
	(pc) =	sbr.rel @p0 .LBB2_70-.Ltmp31, $2  }
0x268: {  	_ =	sdelay $0x2  }
0x269: {  	s20 =	simm.s32 $0x70  }
.Ltmp32:
0x26a: {  	(pc) =	sbr.rel .LBB2_38-.Ltmp32, $4  }
0x26b: {  	_ = 	snop  }
0x26c: {  	s20 =	sshll.u32 s18, $0x4  }
0x26d: {  	s22 =	sadd.s32 s20, s17  }
0x26e: {  	s21 =	simm.s32 $0x0;
	s23 =	simm.s32 $0x0;
	v34 =	vmov s22;
	s22 =	smov.u32 s19  }
.LBB2_68:
0x26f: {  	[tilespmem:s30], [sflag:$0x1] =	stream.linear.gather [hbm4b:s29+s3], $0x10, $0x38;
	[tilespmem:$0x11280] =	vst v63  }
0x270: {  	s24 =	sadd.s32 s26, s24  }
0x271: {  	[tilespmem:s24], [sflag:$0x1] =	stream.linear.gather [hbm4b:s25+s3], $0x10, $0x38;
	[tilespmem:$0x11280] =	vst v63  }
0x272: {  	s29 =	sadd.s32 $0x10, s25;
	s28 =	sadd.s32 $0x80, s24  }
0x273: {  	[tilespmem:s28], [sflag:$0x1] =	stream.linear.gather [hbm4b:s29+s3], $0x10, $0x38;
	[tilespmem:$0x11280] =	vst v63  }
0x274: {  	s30 =	sadd.s32 $0x20, s25;
	s31 =	sadd.s32 $0x100, s24  }
0x275: {  	[tilespmem:s31], [sflag:$0x1] =	stream.linear.gather [hbm4b:s30+s3], $0x10, $0x38;
	[tilespmem:$0x11280] =	vst v63  }
0x276: {  	s29 =	sadd.s32 $0x30, s25;
	s30 =	sadd.s32 $0x180, s24  }
0x277: {  	[tilespmem:s30], [sflag:$0x1] =	stream.linear.gather [hbm4b:s29+s3], $0x10, $0x38;
	[tilespmem:$0x11280] =	vst v63  }
0x278: {  	s31 =	sadd.s32 $0x40, s25;
	s29 =	sadd.s32 $0x200, s24  }
0x279: {  	[tilespmem:s29], [sflag:$0x1] =	stream.linear.gather [hbm4b:s31+s3], $0x10, $0x38;
	[tilespmem:$0x11280] =	vst v63  }
0x27a: {  	s30 =	sadd.s32 $0x50, s25;
	s31 =	sadd.s32 $0x280, s24  }
0x27b: {  	[tilespmem:s31], [sflag:$0x1] =	stream.linear.gather [hbm4b:s30+s3], $0x10, $0x38;
	[tilespmem:$0x11280] =	vst v63  }
0x27c: {  	s29 =	sadd.s32 $0x60, s25;
	s30 =	sadd.s32 $0x300, s24  }
0x27d: {  	[tilespmem:s30], [sflag:$0x1] =	stream.linear.gather [hbm4b:s29+s3], $0x10, $0x38;
	[tilespmem:$0x11280] =	vst v63  }
0x27e: {  	s31 =	sadd.s32 $0x70, s25;
	s24 =	sadd.s32 $0x380, s24  }
0x27f: {  	[tilespmem:s24], [sflag:$0x1] =	stream.linear.gather [hbm4b:s31+s3], $0x10, $0x38;
	[tilespmem:$0x11280] =	vst v63  }
.LBB2_69:
0x280: {  	s23 =	sadd.s32 $0x1, s23  }
0x281: {  	p0 =	sne.s32 s23, $0x10  }
.Ltmp33:
0x282: {  	_ = 	snop;
	(pc) =	sbr.rel @!p0 .LBB2_70-.Ltmp33, $2  }
0x283: {  	_ =	sdelay $0x2  }
0x284: {  	s22 =	sadd.s32 $0x80, s22;
	s21 =	sadd.s32 $0x1, s21  }
.LBB2_38:
0x285: {  	_ =	sdelay $0x3  }
0x286: {  	v35 =	vld.idx.msk [tilespmem:v34+s23+$0x0 ss:$0x1], $0xffff;
	_ =	sdelay $0x4  }
0x287: {  	(v2sf) =	vpush v35, $0x0;
	_ =	sdelay $0xe  }
0x288: {  	s29 =	spop (v2sf)  }
0x289: {  	s28 =	sshrl.u32 s29, $0x4  }
0x28a: {  	s26 =	sand.u32 $0x7, s28  }
0x28b: {  	p0 =	sgt.u32 s26, $0x3  }
.Ltmp34:
0x28c: {  	s24 =	sshll.u32 s22, $0x2;
	s25 =	sand.u32 $0x7, s21;
	(pc) =	sbr.rel @p0 .LBB2_54-.Ltmp34, $4  }
0x28d: {  	s24 =	sand.u32 $0xF000, s24;
	s25 =	sshll.u32 s25, $0x6  }
0x28e: {  	s24 =	sor.u32 s25, s24  }
0x28f: {  	s24 =	sshrl.u32 s24, $0x2;
	s31 =	sand.u32 $0xFFFFF80, s29  }
0x290: {  	s24 =	sor.u32 $0x280, s24;
	s25 =	sadd.s32 s0, s31  }
0x291: {  	p0 =	sgt.u32 s26, $0x1  }
.Ltmp35:
0x292: {  	_ = 	snop;
	(pc) =	sbr.rel @p0 .LBB2_47-.Ltmp35, $1  }
0x293: {  	_ =	sdelay $0x3  }
0x294: {  	s26 =	sand.u32 $0x1, s28  }
0x295: {  	p0 =	seq.s32 s26, $0x1  }
.Ltmp36:
0x296: {  	_ = 	snop;
	(pc) =	sbr.rel @!p0 .LBB2_41-.Ltmp36, $1  }
0x297: {  	_ =	sdelay $0x3  }
0x298: {  	s25 =	sadd.s32 $0x2, s25;
	s30 =	sadd.s32 $0x0, s24  }
0x299: {  	[tilespmem:s30], [sflag:$0x1] =	stream.linear.gather [hbm4b:s25+s3], $0x10, $0x38;
	[tilespmem:$0x11280] =	vst v63  }
0x29a: {  	s26 =	sadd.s32 $0x10, s25;
	s28 =	sadd.s32 $0x80, s30  }
0x29b: {  	[tilespmem:s28], [sflag:$0x1] =	stream.linear.gather [hbm4b:s26+s3], $0x10, $0x38;
	[tilespmem:$0x11280] =	vst v63  }
0x29c: {  	s31 =	sadd.s32 $0x20, s25;
	s28 =	sadd.s32 $0x100, s30  }
0x29d: {  	[tilespmem:s28], [sflag:$0x1] =	stream.linear.gather [hbm4b:s31+s3], $0x10, $0x38;
	[tilespmem:$0x11280] =	vst v63  }
0x29e: {  	s31 =	sadd.s32 $0x30, s25;
	s28 =	sadd.s32 $0x180, s30  }
0x29f: {  	[tilespmem:s28], [sflag:$0x1] =	stream.linear.gather [hbm4b:s31+s3], $0x10, $0x38;
	[tilespmem:$0x11280] =	vst v63  }
0x2a0: {  	s31 =	sadd.s32 $0x40, s25;
	s28 =	sadd.s32 $0x200, s30  }
0x2a1: {  	[tilespmem:s28], [sflag:$0x1] =	stream.linear.gather [hbm4b:s31+s3], $0x10, $0x38;
	[tilespmem:$0x11280] =	vst v63  }
0x2a2: {  	s29 =	sadd.s32 $0x70, s25;
	s31 =	sadd.s32 $0x50, s25;
	s28 =	sadd.s32 $0x280, s30  }
0x2a3: {  	[tilespmem:s28], [sflag:$0x1] =	stream.linear.gather [hbm4b:s31+s3], $0x10, $0x38;
	[tilespmem:$0x11280] =	vst v63  }
0x2a4: {  	s26 =	simm.s32 $0x4000;
	s31 =	sadd.s32 $0x60, s25;
	s28 =	sadd.s32 $0x300, s30  }
0x2a5: {  	[tilespmem:s28], [sflag:$0x1] =	stream.linear.gather [hbm4b:s31+s3], $0x10, $0x38;
	[tilespmem:$0x11280] =	vst v63  }
0x2a6: {  	s30 =	sadd.s32 $0x380, s30;
	s25 =	sadd.s32 $0xF4280, s25;
	s28 =	simm.s32 $0x20000  }
.LBB2_45:
0x2a7: {  	[tilespmem:s30], [sflag:$0x1] =	stream.linear.gather [hbm4b:s29+s3], $0x10, $0x38;
	[tilespmem:$0x11280] =	vst v63  }
0x2a8: {  	s29 =	smov.u32 s28  }
0x2a9: {  	s31 =	sadd.s32 $0x10000, s28;
	s30 =	sadd.s32 s26, s24;
	s26 =	sshra.s32 s29, $0x2  }
0x2aa: {  	[tilespmem:s30], [sflag:$0x1] =	stream.linear.gather [hbm4b:s25+s3], $0x10, $0x38;
	[tilespmem:$0x11280] =	vst v63  }
0x2ab: {  	p0 =	seq.s32 s28, $0x30000;
	s28 =	sadd.s32 $0x10, s25;
	s29 =	sadd.s32 $0x80, s30  }
0x2ac: {  	[tilespmem:s29], [sflag:$0x1] =	stream.linear.gather [hbm4b:s28+s3], $0x10, $0x38;
	[tilespmem:$0x11280] =	vst v63  }
0x2ad: {  	s28 =	sadd.s32 $0x20, s25;
	s29 =	sadd.s32 $0x100, s30  }
0x2ae: {  	[tilespmem:s29], [sflag:$0x1] =	stream.linear.gather [hbm4b:s28+s3], $0x10, $0x38;
	[tilespmem:$0x11280] =	vst v63  }
0x2af: {  	s28 =	sadd.s32 $0x30, s25;
	s29 =	sadd.s32 $0x180, s30  }
0x2b0: {  	[tilespmem:s29], [sflag:$0x1] =	stream.linear.gather [hbm4b:s28+s3], $0x10, $0x38;
	[tilespmem:$0x11280] =	vst v63  }
0x2b1: {  	s28 =	sadd.s32 $0x40, s25;
	s29 =	sadd.s32 $0x200, s30  }
0x2b2: {  	[tilespmem:s29], [sflag:$0x1] =	stream.linear.gather [hbm4b:s28+s3], $0x10, $0x38;
	[tilespmem:$0x11280] =	vst v63  }
.Ltmp37:
0x2b3: {  	s28 =	sadd.s32 $0x50, s25;
	s29 =	sadd.s32 $0x280, s30;
	(pc) =	sbr.rel @!p0 .LBB2_45-.Ltmp37, $4  }
0x2b4: {  	[tilespmem:s29], [sflag:$0x1] =	stream.linear.gather [hbm4b:s28+s3], $0x10, $0x38;
	[tilespmem:$0x11280] =	vst v63  }
0x2b5: {  	s28 =	sadd.s32 $0x60, s25;
	s29 =	sadd.s32 $0x300, s30;
	s30 =	sadd.s32 $0x380, s30  }
0x2b6: {  	[tilespmem:s29], [sflag:$0x1] =	stream.linear.gather [hbm4b:s28+s3], $0x10, $0x38;
	[tilespmem:$0x11280] =	vst v63  }
0x2b7: {  	s29 =	sadd.s32 $0x70, s25;
	s25 =	sadd.s32 $0xF4280, s25;
	s28 =	smov.u32 s31  }
0x2b8: {  	[tilespmem:s30], [sflag:$0x1] =	stream.linear.gather [hbm4b:s29+s3], $0x10, $0x38;
	[tilespmem:$0x11280] =	vst v63  }
0x2b9: {  	s24 =	sadd.s32 s26, s24  }
0x2ba: {  	[tilespmem:s24], [sflag:$0x1] =	stream.linear.gather [hbm4b:s25+s3], $0x10, $0x38;
	[tilespmem:$0x11280] =	vst v63  }
0x2bb: {  	s29 =	sadd.s32 $0x10, s25;
	s28 =	sadd.s32 $0x80, s24  }
0x2bc: {  	[tilespmem:s28], [sflag:$0x1] =	stream.linear.gather [hbm4b:s29+s3], $0x10, $0x38;
	[tilespmem:$0x11280] =	vst v63  }
0x2bd: {  	s30 =	sadd.s32 $0x20, s25;
	s31 =	sadd.s32 $0x100, s24  }
0x2be: {  	[tilespmem:s31], [sflag:$0x1] =	stream.linear.gather [hbm4b:s30+s3], $0x10, $0x38;
	[tilespmem:$0x11280] =	vst v63  }
0x2bf: {  	s29 =	sadd.s32 $0x30, s25;
	s30 =	sadd.s32 $0x180, s24  }
0x2c0: {  	[tilespmem:s30], [sflag:$0x1] =	stream.linear.gather [hbm4b:s29+s3], $0x10, $0x38;
	[tilespmem:$0x11280] =	vst v63  }
0x2c1: {  	s31 =	sadd.s32 $0x40, s25;
	s29 =	sadd.s32 $0x200, s24  }
0x2c2: {  	[tilespmem:s29], [sflag:$0x1] =	stream.linear.gather [hbm4b:s31+s3], $0x10, $0x38;
	[tilespmem:$0x11280] =	vst v63  }
0x2c3: {  	s30 =	sadd.s32 $0x50, s25;
	s31 =	sadd.s32 $0x280, s24  }
0x2c4: {  	[tilespmem:s31], [sflag:$0x1] =	stream.linear.gather [hbm4b:s30+s3], $0x10, $0x38;
	[tilespmem:$0x11280] =	vst v63  }
.Ltmp38:
0x2c5: {  	_ = 	snop;
	(pc) =	sbr.rel .LBB2_69-.Ltmp38, $4  }
0x2c6: {  	s29 =	sadd.s32 $0x60, s25;
	s30 =	sadd.s32 $0x300, s24  }
0x2c7: {  	[tilespmem:s30], [sflag:$0x1] =	stream.linear.gather [hbm4b:s29+s3], $0x10, $0x38;
	[tilespmem:$0x11280] =	vst v63  }
0x2c8: {  	s31 =	sadd.s32 $0x70, s25;
	s24 =	sadd.s32 $0x380, s24  }
0x2c9: {  	[tilespmem:s24], [sflag:$0x1] =	stream.linear.gather [hbm4b:s31+s3], $0x10, $0x38;
	[tilespmem:$0x11280] =	vst v63  }
.LBB2_54:
0x2ca: {  	p0 =	sgt.u32 s26, $0x5  }
.Ltmp39:
0x2cb: {  	_ = 	snop;
	(pc) =	sbr.rel @p0 .LBB2_62-.Ltmp39, $1  }
0x2cc: {  	_ =	sdelay $0x3  }
0x2cd: {  	p0 =	sne.s32 s26, $0x4  }
.Ltmp40:
0x2ce: {  	_ = 	snop;
	(pc) =	sbr.rel @p0 .LBB2_59-.Ltmp40, $1  }
0x2cf: {  	_ =	sdelay $0x3  }
0x2d0: {  	s25 =	sadd.s32 $0x8, s25;
	s30 =	sadd.s32 $0x0, s24  }
0x2d1: {  	[tilespmem:s30], [sflag:$0x1] =	stream.linear.gather [hbm4b:s25+s3], $0x10, $0x38;
	[tilespmem:$0x11280] =	vst v63  }
0x2d2: {  	s26 =	sadd.s32 $0x10, s25;
	s28 =	sadd.s32 $0x80, s30  }
0x2d3: {  	[tilespmem:s28], [sflag:$0x1] =	stream.linear.gather [hbm4b:s26+s3], $0x10, $0x38;
	[tilespmem:$0x11280] =	vst v63  }
0x2d4: {  	s31 =	sadd.s32 $0x20, s25;
	s28 =	sadd.s32 $0x100, s30  }
0x2d5: {  	[tilespmem:s28], [sflag:$0x1] =	stream.linear.gather [hbm4b:s31+s3], $0x10, $0x38;
	[tilespmem:$0x11280] =	vst v63  }
0x2d6: {  	s31 =	sadd.s32 $0x30, s25;
	s28 =	sadd.s32 $0x180, s30  }
0x2d7: {  	[tilespmem:s28], [sflag:$0x1] =	stream.linear.gather [hbm4b:s31+s3], $0x10, $0x38;
	[tilespmem:$0x11280] =	vst v63  }
0x2d8: {  	s31 =	sadd.s32 $0x40, s25;
	s28 =	sadd.s32 $0x200, s30  }
0x2d9: {  	[tilespmem:s28], [sflag:$0x1] =	stream.linear.gather [hbm4b:s31+s3], $0x10, $0x38;
	[tilespmem:$0x11280] =	vst v63  }
0x2da: {  	s29 =	sadd.s32 $0x70, s25;
	s31 =	sadd.s32 $0x50, s25;
	s28 =	sadd.s32 $0x280, s30  }
0x2db: {  	[tilespmem:s28], [sflag:$0x1] =	stream.linear.gather [hbm4b:s31+s3], $0x10, $0x38;
	[tilespmem:$0x11280] =	vst v63  }
0x2dc: {  	s26 =	simm.s32 $0x4000;
	s31 =	sadd.s32 $0x60, s25;
	s28 =	sadd.s32 $0x300, s30  }
0x2dd: {  	[tilespmem:s28], [sflag:$0x1] =	stream.linear.gather [hbm4b:s31+s3], $0x10, $0x38;
	[tilespmem:$0x11280] =	vst v63  }
0x2de: {  	s30 =	sadd.s32 $0x380, s30;
	s25 =	sadd.s32 $0xF4280, s25;
	s28 =	simm.s32 $0x20000  }
.LBB2_57:
0x2df: {  	[tilespmem:s30], [sflag:$0x1] =	stream.linear.gather [hbm4b:s29+s3], $0x10, $0x38;
	[tilespmem:$0x11280] =	vst v63  }
0x2e0: {  	s29 =	smov.u32 s28  }
0x2e1: {  	s31 =	sadd.s32 $0x10000, s28;
	s30 =	sadd.s32 s26, s24;
	s26 =	sshra.s32 s29, $0x2  }
0x2e2: {  	[tilespmem:s30], [sflag:$0x1] =	stream.linear.gather [hbm4b:s25+s3], $0x10, $0x38;
	[tilespmem:$0x11280] =	vst v63  }
0x2e3: {  	p0 =	seq.s32 s28, $0x30000;
	s28 =	sadd.s32 $0x10, s25;
	s29 =	sadd.s32 $0x80, s30  }
0x2e4: {  	[tilespmem:s29], [sflag:$0x1] =	stream.linear.gather [hbm4b:s28+s3], $0x10, $0x38;
	[tilespmem:$0x11280] =	vst v63  }
0x2e5: {  	s28 =	sadd.s32 $0x20, s25;
	s29 =	sadd.s32 $0x100, s30  }
0x2e6: {  	[tilespmem:s29], [sflag:$0x1] =	stream.linear.gather [hbm4b:s28+s3], $0x10, $0x38;
	[tilespmem:$0x11280] =	vst v63  }
0x2e7: {  	s28 =	sadd.s32 $0x30, s25;
	s29 =	sadd.s32 $0x180, s30  }
0x2e8: {  	[tilespmem:s29], [sflag:$0x1] =	stream.linear.gather [hbm4b:s28+s3], $0x10, $0x38;
	[tilespmem:$0x11280] =	vst v63  }
0x2e9: {  	s28 =	sadd.s32 $0x40, s25;
	s29 =	sadd.s32 $0x200, s30  }
0x2ea: {  	[tilespmem:s29], [sflag:$0x1] =	stream.linear.gather [hbm4b:s28+s3], $0x10, $0x38;
	[tilespmem:$0x11280] =	vst v63  }
.Ltmp41:
0x2eb: {  	s28 =	sadd.s32 $0x50, s25;
	s29 =	sadd.s32 $0x280, s30;
	(pc) =	sbr.rel @!p0 .LBB2_57-.Ltmp41, $4  }
0x2ec: {  	[tilespmem:s29], [sflag:$0x1] =	stream.linear.gather [hbm4b:s28+s3], $0x10, $0x38;
	[tilespmem:$0x11280] =	vst v63  }
0x2ed: {  	s28 =	sadd.s32 $0x60, s25;
	s29 =	sadd.s32 $0x300, s30;
	s30 =	sadd.s32 $0x380, s30  }
0x2ee: {  	[tilespmem:s29], [sflag:$0x1] =	stream.linear.gather [hbm4b:s28+s3], $0x10, $0x38;
	[tilespmem:$0x11280] =	vst v63  }
0x2ef: {  	s29 =	sadd.s32 $0x70, s25;
	s25 =	sadd.s32 $0xF4280, s25;
	s28 =	smov.u32 s31  }
0x2f0: {  	[tilespmem:s30], [sflag:$0x1] =	stream.linear.gather [hbm4b:s29+s3], $0x10, $0x38;
	[tilespmem:$0x11280] =	vst v63  }
0x2f1: {  	s24 =	sadd.s32 s26, s24  }
0x2f2: {  	[tilespmem:s24], [sflag:$0x1] =	stream.linear.gather [hbm4b:s25+s3], $0x10, $0x38;
	[tilespmem:$0x11280] =	vst v63  }
0x2f3: {  	s29 =	sadd.s32 $0x10, s25;
	s28 =	sadd.s32 $0x80, s24  }
0x2f4: {  	[tilespmem:s28], [sflag:$0x1] =	stream.linear.gather [hbm4b:s29+s3], $0x10, $0x38;
	[tilespmem:$0x11280] =	vst v63  }
0x2f5: {  	s30 =	sadd.s32 $0x20, s25;
	s31 =	sadd.s32 $0x100, s24  }
0x2f6: {  	[tilespmem:s31], [sflag:$0x1] =	stream.linear.gather [hbm4b:s30+s3], $0x10, $0x38;
	[tilespmem:$0x11280] =	vst v63  }
0x2f7: {  	s29 =	sadd.s32 $0x30, s25;
	s30 =	sadd.s32 $0x180, s24  }
0x2f8: {  	[tilespmem:s30], [sflag:$0x1] =	stream.linear.gather [hbm4b:s29+s3], $0x10, $0x38;
	[tilespmem:$0x11280] =	vst v63  }
0x2f9: {  	s31 =	sadd.s32 $0x40, s25;
	s29 =	sadd.s32 $0x200, s24  }
0x2fa: {  	[tilespmem:s29], [sflag:$0x1] =	stream.linear.gather [hbm4b:s31+s3], $0x10, $0x38;
	[tilespmem:$0x11280] =	vst v63  }
0x2fb: {  	s30 =	sadd.s32 $0x50, s25;
	s31 =	sadd.s32 $0x280, s24  }
0x2fc: {  	[tilespmem:s31], [sflag:$0x1] =	stream.linear.gather [hbm4b:s30+s3], $0x10, $0x38;
	[tilespmem:$0x11280] =	vst v63  }
.Ltmp42:
0x2fd: {  	_ = 	snop;
	(pc) =	sbr.rel .LBB2_69-.Ltmp42, $4  }
0x2fe: {  	s29 =	sadd.s32 $0x60, s25;
	s30 =	sadd.s32 $0x300, s24  }
0x2ff: {  	[tilespmem:s30], [sflag:$0x1] =	stream.linear.gather [hbm4b:s29+s3], $0x10, $0x38;
	[tilespmem:$0x11280] =	vst v63  }
0x300: {  	s31 =	sadd.s32 $0x70, s25;
	s24 =	sadd.s32 $0x380, s24  }
0x301: {  	[tilespmem:s24], [sflag:$0x1] =	stream.linear.gather [hbm4b:s31+s3], $0x10, $0x38;
	[tilespmem:$0x11280] =	vst v63  }
.LBB2_47:
0x302: {  	p0 =	sne.s32 s26, $0x2  }
.Ltmp43:
0x303: {  	_ = 	snop;
	(pc) =	sbr.rel @p0 .LBB2_51-.Ltmp43, $1  }
0x304: {  	_ =	sdelay $0x3  }
0x305: {  	s25 =	sadd.s32 $0x4, s25;
	s30 =	sadd.s32 $0x0, s24  }
0x306: {  	[tilespmem:s30], [sflag:$0x1] =	stream.linear.gather [hbm4b:s25+s3], $0x10, $0x38;
	[tilespmem:$0x11280] =	vst v63  }
0x307: {  	s26 =	sadd.s32 $0x10, s25;
	s28 =	sadd.s32 $0x80, s30  }
0x308: {  	[tilespmem:s28], [sflag:$0x1] =	stream.linear.gather [hbm4b:s26+s3], $0x10, $0x38;
	[tilespmem:$0x11280] =	vst v63  }
0x309: {  	s31 =	sadd.s32 $0x20, s25;
	s28 =	sadd.s32 $0x100, s30  }
0x30a: {  	[tilespmem:s28], [sflag:$0x1] =	stream.linear.gather [hbm4b:s31+s3], $0x10, $0x38;
	[tilespmem:$0x11280] =	vst v63  }
0x30b: {  	s31 =	sadd.s32 $0x30, s25;
	s28 =	sadd.s32 $0x180, s30  }
0x30c: {  	[tilespmem:s28], [sflag:$0x1] =	stream.linear.gather [hbm4b:s31+s3], $0x10, $0x38;
	[tilespmem:$0x11280] =	vst v63  }
0x30d: {  	s31 =	sadd.s32 $0x40, s25;
	s28 =	sadd.s32 $0x200, s30  }
0x30e: {  	[tilespmem:s28], [sflag:$0x1] =	stream.linear.gather [hbm4b:s31+s3], $0x10, $0x38;
	[tilespmem:$0x11280] =	vst v63  }
0x30f: {  	s29 =	sadd.s32 $0x70, s25;
	s31 =	sadd.s32 $0x50, s25;
	s28 =	sadd.s32 $0x280, s30  }
0x310: {  	[tilespmem:s28], [sflag:$0x1] =	stream.linear.gather [hbm4b:s31+s3], $0x10, $0x38;
	[tilespmem:$0x11280] =	vst v63  }
0x311: {  	s26 =	simm.s32 $0x4000;
	s31 =	sadd.s32 $0x60, s25;
	s28 =	sadd.s32 $0x300, s30  }
0x312: {  	[tilespmem:s28], [sflag:$0x1] =	stream.linear.gather [hbm4b:s31+s3], $0x10, $0x38;
	[tilespmem:$0x11280] =	vst v63  }
0x313: {  	s30 =	sadd.s32 $0x380, s30;
	s25 =	sadd.s32 $0xF4280, s25;
	s28 =	simm.s32 $0x20000  }
.LBB2_49:
0x314: {  	[tilespmem:s30], [sflag:$0x1] =	stream.linear.gather [hbm4b:s29+s3], $0x10, $0x38;
	[tilespmem:$0x11280] =	vst v63  }
0x315: {  	s29 =	smov.u32 s28  }
0x316: {  	s31 =	sadd.s32 $0x10000, s28;
	s30 =	sadd.s32 s26, s24;
	s26 =	sshra.s32 s29, $0x2  }
0x317: {  	[tilespmem:s30], [sflag:$0x1] =	stream.linear.gather [hbm4b:s25+s3], $0x10, $0x38;
	[tilespmem:$0x11280] =	vst v63  }
0x318: {  	p0 =	seq.s32 s28, $0x30000;
	s28 =	sadd.s32 $0x10, s25;
	s29 =	sadd.s32 $0x80, s30  }
0x319: {  	[tilespmem:s29], [sflag:$0x1] =	stream.linear.gather [hbm4b:s28+s3], $0x10, $0x38;
	[tilespmem:$0x11280] =	vst v63  }
0x31a: {  	s28 =	sadd.s32 $0x20, s25;
	s29 =	sadd.s32 $0x100, s30  }
0x31b: {  	[tilespmem:s29], [sflag:$0x1] =	stream.linear.gather [hbm4b:s28+s3], $0x10, $0x38;
	[tilespmem:$0x11280] =	vst v63  }
0x31c: {  	s28 =	sadd.s32 $0x30, s25;
	s29 =	sadd.s32 $0x180, s30  }
0x31d: {  	[tilespmem:s29], [sflag:$0x1] =	stream.linear.gather [hbm4b:s28+s3], $0x10, $0x38;
	[tilespmem:$0x11280] =	vst v63  }
0x31e: {  	s28 =	sadd.s32 $0x40, s25;
	s29 =	sadd.s32 $0x200, s30  }
0x31f: {  	[tilespmem:s29], [sflag:$0x1] =	stream.linear.gather [hbm4b:s28+s3], $0x10, $0x38;
	[tilespmem:$0x11280] =	vst v63  }
.Ltmp44:
0x320: {  	s28 =	sadd.s32 $0x50, s25;
	s29 =	sadd.s32 $0x280, s30;
	(pc) =	sbr.rel @!p0 .LBB2_49-.Ltmp44, $4  }
0x321: {  	[tilespmem:s29], [sflag:$0x1] =	stream.linear.gather [hbm4b:s28+s3], $0x10, $0x38;
	[tilespmem:$0x11280] =	vst v63  }
0x322: {  	s28 =	sadd.s32 $0x60, s25;
	s29 =	sadd.s32 $0x300, s30;
	s30 =	sadd.s32 $0x380, s30  }
0x323: {  	[tilespmem:s29], [sflag:$0x1] =	stream.linear.gather [hbm4b:s28+s3], $0x10, $0x38;
	[tilespmem:$0x11280] =	vst v63  }
0x324: {  	s29 =	sadd.s32 $0x70, s25;
	s25 =	sadd.s32 $0xF4280, s25;
	s28 =	smov.u32 s31  }
0x325: {  	[tilespmem:s30], [sflag:$0x1] =	stream.linear.gather [hbm4b:s29+s3], $0x10, $0x38;
	[tilespmem:$0x11280] =	vst v63  }
0x326: {  	s24 =	sadd.s32 s26, s24  }
0x327: {  	[tilespmem:s24], [sflag:$0x1] =	stream.linear.gather [hbm4b:s25+s3], $0x10, $0x38;
	[tilespmem:$0x11280] =	vst v63  }
0x328: {  	s29 =	sadd.s32 $0x10, s25;
	s28 =	sadd.s32 $0x80, s24  }
0x329: {  	[tilespmem:s28], [sflag:$0x1] =	stream.linear.gather [hbm4b:s29+s3], $0x10, $0x38;
	[tilespmem:$0x11280] =	vst v63  }
0x32a: {  	s30 =	sadd.s32 $0x20, s25;
	s31 =	sadd.s32 $0x100, s24  }
0x32b: {  	[tilespmem:s31], [sflag:$0x1] =	stream.linear.gather [hbm4b:s30+s3], $0x10, $0x38;
	[tilespmem:$0x11280] =	vst v63  }
0x32c: {  	s29 =	sadd.s32 $0x30, s25;
	s30 =	sadd.s32 $0x180, s24  }
0x32d: {  	[tilespmem:s30], [sflag:$0x1] =	stream.linear.gather [hbm4b:s29+s3], $0x10, $0x38;
	[tilespmem:$0x11280] =	vst v63  }
0x32e: {  	s31 =	sadd.s32 $0x40, s25;
	s29 =	sadd.s32 $0x200, s24  }
0x32f: {  	[tilespmem:s29], [sflag:$0x1] =	stream.linear.gather [hbm4b:s31+s3], $0x10, $0x38;
	[tilespmem:$0x11280] =	vst v63  }
0x330: {  	s30 =	sadd.s32 $0x50, s25;
	s31 =	sadd.s32 $0x280, s24  }
0x331: {  	[tilespmem:s31], [sflag:$0x1] =	stream.linear.gather [hbm4b:s30+s3], $0x10, $0x38;
	[tilespmem:$0x11280] =	vst v63  }
.Ltmp45:
0x332: {  	_ = 	snop;
	(pc) =	sbr.rel .LBB2_69-.Ltmp45, $4  }
0x333: {  	s29 =	sadd.s32 $0x60, s25;
	s30 =	sadd.s32 $0x300, s24  }
0x334: {  	[tilespmem:s30], [sflag:$0x1] =	stream.linear.gather [hbm4b:s29+s3], $0x10, $0x38;
	[tilespmem:$0x11280] =	vst v63  }
0x335: {  	s31 =	sadd.s32 $0x70, s25;
	s24 =	sadd.s32 $0x380, s24  }
0x336: {  	[tilespmem:s24], [sflag:$0x1] =	stream.linear.gather [hbm4b:s31+s3], $0x10, $0x38;
	[tilespmem:$0x11280] =	vst v63  }
.LBB2_62:
0x337: {  	p0 =	sne.s32 s26, $0x6  }
.Ltmp46:
0x338: {  	_ = 	snop;
	(pc) =	sbr.rel @p0 .LBB2_66-.Ltmp46, $1  }
0x339: {  	_ =	sdelay $0x3  }
0x33a: {  	s25 =	sadd.s32 $0xC, s25;
	s30 =	sadd.s32 $0x0, s24  }
0x33b: {  	[tilespmem:s30], [sflag:$0x1] =	stream.linear.gather [hbm4b:s25+s3], $0x10, $0x38;
	[tilespmem:$0x11280] =	vst v63  }
0x33c: {  	s26 =	sadd.s32 $0x10, s25;
	s28 =	sadd.s32 $0x80, s30  }
0x33d: {  	[tilespmem:s28], [sflag:$0x1] =	stream.linear.gather [hbm4b:s26+s3], $0x10, $0x38;
	[tilespmem:$0x11280] =	vst v63  }
0x33e: {  	s31 =	sadd.s32 $0x20, s25;
	s28 =	sadd.s32 $0x100, s30  }
0x33f: {  	[tilespmem:s28], [sflag:$0x1] =	stream.linear.gather [hbm4b:s31+s3], $0x10, $0x38;
	[tilespmem:$0x11280] =	vst v63  }
0x340: {  	s31 =	sadd.s32 $0x30, s25;
	s28 =	sadd.s32 $0x180, s30  }
0x341: {  	[tilespmem:s28], [sflag:$0x1] =	stream.linear.gather [hbm4b:s31+s3], $0x10, $0x38;
	[tilespmem:$0x11280] =	vst v63  }
0x342: {  	s31 =	sadd.s32 $0x40, s25;
	s28 =	sadd.s32 $0x200, s30  }
0x343: {  	[tilespmem:s28], [sflag:$0x1] =	stream.linear.gather [hbm4b:s31+s3], $0x10, $0x38;
	[tilespmem:$0x11280] =	vst v63  }
0x344: {  	s29 =	sadd.s32 $0x70, s25;
	s31 =	sadd.s32 $0x50, s25;
	s28 =	sadd.s32 $0x280, s30  }
0x345: {  	[tilespmem:s28], [sflag:$0x1] =	stream.linear.gather [hbm4b:s31+s3], $0x10, $0x38;
	[tilespmem:$0x11280] =	vst v63  }
0x346: {  	s26 =	simm.s32 $0x4000;
	s31 =	sadd.s32 $0x60, s25;
	s28 =	sadd.s32 $0x300, s30  }
0x347: {  	[tilespmem:s28], [sflag:$0x1] =	stream.linear.gather [hbm4b:s31+s3], $0x10, $0x38;
	[tilespmem:$0x11280] =	vst v63  }
0x348: {  	s30 =	sadd.s32 $0x380, s30;
	s25 =	sadd.s32 $0xF4280, s25;
	s28 =	simm.s32 $0x20000  }
.LBB2_64:
0x349: {  	[tilespmem:s30], [sflag:$0x1] =	stream.linear.gather [hbm4b:s29+s3], $0x10, $0x38;
	[tilespmem:$0x11280] =	vst v63  }
0x34a: {  	s29 =	smov.u32 s28  }
0x34b: {  	s31 =	sadd.s32 $0x10000, s28;
	s30 =	sadd.s32 s26, s24;
	s26 =	sshra.s32 s29, $0x2  }
0x34c: {  	[tilespmem:s30], [sflag:$0x1] =	stream.linear.gather [hbm4b:s25+s3], $0x10, $0x38;
	[tilespmem:$0x11280] =	vst v63  }
0x34d: {  	p0 =	seq.s32 s28, $0x30000;
	s28 =	sadd.s32 $0x10, s25;
	s29 =	sadd.s32 $0x80, s30  }
0x34e: {  	[tilespmem:s29], [sflag:$0x1] =	stream.linear.gather [hbm4b:s28+s3], $0x10, $0x38;
	[tilespmem:$0x11280] =	vst v63  }
0x34f: {  	s28 =	sadd.s32 $0x20, s25;
	s29 =	sadd.s32 $0x100, s30  }
0x350: {  	[tilespmem:s29], [sflag:$0x1] =	stream.linear.gather [hbm4b:s28+s3], $0x10, $0x38;
	[tilespmem:$0x11280] =	vst v63  }
0x351: {  	s28 =	sadd.s32 $0x30, s25;
	s29 =	sadd.s32 $0x180, s30  }
0x352: {  	[tilespmem:s29], [sflag:$0x1] =	stream.linear.gather [hbm4b:s28+s3], $0x10, $0x38;
	[tilespmem:$0x11280] =	vst v63  }
0x353: {  	s28 =	sadd.s32 $0x40, s25;
	s29 =	sadd.s32 $0x200, s30  }
0x354: {  	[tilespmem:s29], [sflag:$0x1] =	stream.linear.gather [hbm4b:s28+s3], $0x10, $0x38;
	[tilespmem:$0x11280] =	vst v63  }
.Ltmp47:
0x355: {  	s28 =	sadd.s32 $0x50, s25;
	s29 =	sadd.s32 $0x280, s30;
	(pc) =	sbr.rel @!p0 .LBB2_64-.Ltmp47, $4  }
0x356: {  	[tilespmem:s29], [sflag:$0x1] =	stream.linear.gather [hbm4b:s28+s3], $0x10, $0x38;
	[tilespmem:$0x11280] =	vst v63  }
0x357: {  	s28 =	sadd.s32 $0x60, s25;
	s29 =	sadd.s32 $0x300, s30;
	s30 =	sadd.s32 $0x380, s30  }
0x358: {  	[tilespmem:s29], [sflag:$0x1] =	stream.linear.gather [hbm4b:s28+s3], $0x10, $0x38;
	[tilespmem:$0x11280] =	vst v63  }
0x359: {  	s29 =	sadd.s32 $0x70, s25;
	s25 =	sadd.s32 $0xF4280, s25;
	s28 =	smov.u32 s31  }
0x35a: {  	[tilespmem:s30], [sflag:$0x1] =	stream.linear.gather [hbm4b:s29+s3], $0x10, $0x38;
	[tilespmem:$0x11280] =	vst v63  }
0x35b: {  	s24 =	sadd.s32 s26, s24  }
0x35c: {  	[tilespmem:s24], [sflag:$0x1] =	stream.linear.gather [hbm4b:s25+s3], $0x10, $0x38;
	[tilespmem:$0x11280] =	vst v63  }
0x35d: {  	s29 =	sadd.s32 $0x10, s25;
	s28 =	sadd.s32 $0x80, s24  }
0x35e: {  	[tilespmem:s28], [sflag:$0x1] =	stream.linear.gather [hbm4b:s29+s3], $0x10, $0x38;
	[tilespmem:$0x11280] =	vst v63  }
0x35f: {  	s30 =	sadd.s32 $0x20, s25;
	s31 =	sadd.s32 $0x100, s24  }
0x360: {  	[tilespmem:s31], [sflag:$0x1] =	stream.linear.gather [hbm4b:s30+s3], $0x10, $0x38;
	[tilespmem:$0x11280] =	vst v63  }
0x361: {  	s29 =	sadd.s32 $0x30, s25;
	s30 =	sadd.s32 $0x180, s24  }
0x362: {  	[tilespmem:s30], [sflag:$0x1] =	stream.linear.gather [hbm4b:s29+s3], $0x10, $0x38;
	[tilespmem:$0x11280] =	vst v63  }
0x363: {  	s31 =	sadd.s32 $0x40, s25;
	s29 =	sadd.s32 $0x200, s24  }
0x364: {  	[tilespmem:s29], [sflag:$0x1] =	stream.linear.gather [hbm4b:s31+s3], $0x10, $0x38;
	[tilespmem:$0x11280] =	vst v63  }
0x365: {  	s30 =	sadd.s32 $0x50, s25;
	s31 =	sadd.s32 $0x280, s24  }
0x366: {  	[tilespmem:s31], [sflag:$0x1] =	stream.linear.gather [hbm4b:s30+s3], $0x10, $0x38;
	[tilespmem:$0x11280] =	vst v63  }
.Ltmp48:
0x367: {  	_ = 	snop;
	(pc) =	sbr.rel .LBB2_69-.Ltmp48, $4  }
0x368: {  	s29 =	sadd.s32 $0x60, s25;
	s30 =	sadd.s32 $0x300, s24  }
0x369: {  	[tilespmem:s30], [sflag:$0x1] =	stream.linear.gather [hbm4b:s29+s3], $0x10, $0x38;
	[tilespmem:$0x11280] =	vst v63  }
0x36a: {  	s31 =	sadd.s32 $0x70, s25;
	s24 =	sadd.s32 $0x380, s24  }
0x36b: {  	[tilespmem:s24], [sflag:$0x1] =	stream.linear.gather [hbm4b:s31+s3], $0x10, $0x38;
	[tilespmem:$0x11280] =	vst v63  }
.LBB2_41:
0x36c: {  	s30 =	sadd.s32 $0x0, s24  }
0x36d: {  	[tilespmem:s30], [sflag:$0x1] =	stream.linear.gather [hbm4b:s25+s3], $0x10, $0x38;
	[tilespmem:$0x11280] =	vst v63  }
0x36e: {  	s26 =	sadd.s32 $0x10, s25;
	s28 =	sadd.s32 $0x80, s30  }
0x36f: {  	[tilespmem:s28], [sflag:$0x1] =	stream.linear.gather [hbm4b:s26+s3], $0x10, $0x38;
	[tilespmem:$0x11280] =	vst v63  }
0x370: {  	s31 =	sadd.s32 $0x20, s25;
	s28 =	sadd.s32 $0x100, s30  }
0x371: {  	[tilespmem:s28], [sflag:$0x1] =	stream.linear.gather [hbm4b:s31+s3], $0x10, $0x38;
	[tilespmem:$0x11280] =	vst v63  }
0x372: {  	s31 =	sadd.s32 $0x30, s25;
	s28 =	sadd.s32 $0x180, s30  }
0x373: {  	[tilespmem:s28], [sflag:$0x1] =	stream.linear.gather [hbm4b:s31+s3], $0x10, $0x38;
	[tilespmem:$0x11280] =	vst v63  }
0x374: {  	s31 =	sadd.s32 $0x40, s25;
	s28 =	sadd.s32 $0x200, s30  }
0x375: {  	[tilespmem:s28], [sflag:$0x1] =	stream.linear.gather [hbm4b:s31+s3], $0x10, $0x38;
	[tilespmem:$0x11280] =	vst v63  }
0x376: {  	s29 =	sadd.s32 $0x70, s25;
	s31 =	sadd.s32 $0x50, s25;
	s28 =	sadd.s32 $0x280, s30  }
0x377: {  	[tilespmem:s28], [sflag:$0x1] =	stream.linear.gather [hbm4b:s31+s3], $0x10, $0x38;
	[tilespmem:$0x11280] =	vst v63  }
0x378: {  	s26 =	simm.s32 $0x4000;
	s31 =	sadd.s32 $0x60, s25;
	s28 =	sadd.s32 $0x300, s30  }
0x379: {  	[tilespmem:s28], [sflag:$0x1] =	stream.linear.gather [hbm4b:s31+s3], $0x10, $0x38;
	[tilespmem:$0x11280] =	vst v63  }
0x37a: {  	s30 =	sadd.s32 $0x380, s30;
	s25 =	sadd.s32 $0xF4280, s25;
	s28 =	simm.s32 $0x20000  }
.LBB2_42:
0x37b: {  	[tilespmem:s30], [sflag:$0x1] =	stream.linear.gather [hbm4b:s29+s3], $0x10, $0x38;
	[tilespmem:$0x11280] =	vst v63  }
0x37c: {  	s29 =	smov.u32 s28  }
0x37d: {  	s31 =	sadd.s32 $0x10000, s28;
	s30 =	sadd.s32 s26, s24;
	s26 =	sshra.s32 s29, $0x2  }
0x37e: {  	[tilespmem:s30], [sflag:$0x1] =	stream.linear.gather [hbm4b:s25+s3], $0x10, $0x38;
	[tilespmem:$0x11280] =	vst v63  }
0x37f: {  	p0 =	seq.s32 s28, $0x30000;
	s28 =	sadd.s32 $0x10, s25;
	s29 =	sadd.s32 $0x80, s30  }
0x380: {  	[tilespmem:s29], [sflag:$0x1] =	stream.linear.gather [hbm4b:s28+s3], $0x10, $0x38;
	[tilespmem:$0x11280] =	vst v63  }
0x381: {  	s28 =	sadd.s32 $0x20, s25;
	s29 =	sadd.s32 $0x100, s30  }
0x382: {  	[tilespmem:s29], [sflag:$0x1] =	stream.linear.gather [hbm4b:s28+s3], $0x10, $0x38;
	[tilespmem:$0x11280] =	vst v63  }
0x383: {  	s28 =	sadd.s32 $0x30, s25;
	s29 =	sadd.s32 $0x180, s30  }
0x384: {  	[tilespmem:s29], [sflag:$0x1] =	stream.linear.gather [hbm4b:s28+s3], $0x10, $0x38;
	[tilespmem:$0x11280] =	vst v63  }
0x385: {  	s28 =	sadd.s32 $0x40, s25;
	s29 =	sadd.s32 $0x200, s30  }
0x386: {  	[tilespmem:s29], [sflag:$0x1] =	stream.linear.gather [hbm4b:s28+s3], $0x10, $0x38;
	[tilespmem:$0x11280] =	vst v63  }
.Ltmp49:
0x387: {  	s28 =	sadd.s32 $0x50, s25;
	s29 =	sadd.s32 $0x280, s30;
	(pc) =	sbr.rel @!p0 .LBB2_42-.Ltmp49, $4  }
0x388: {  	[tilespmem:s29], [sflag:$0x1] =	stream.linear.gather [hbm4b:s28+s3], $0x10, $0x38;
	[tilespmem:$0x11280] =	vst v63  }
0x389: {  	s28 =	sadd.s32 $0x60, s25;
	s29 =	sadd.s32 $0x300, s30;
	s30 =	sadd.s32 $0x380, s30  }
0x38a: {  	[tilespmem:s29], [sflag:$0x1] =	stream.linear.gather [hbm4b:s28+s3], $0x10, $0x38;
	[tilespmem:$0x11280] =	vst v63  }
0x38b: {  	s29 =	sadd.s32 $0x70, s25;
	s25 =	sadd.s32 $0xF4280, s25;
	s28 =	smov.u32 s31  }
0x38c: {  	[tilespmem:s30], [sflag:$0x1] =	stream.linear.gather [hbm4b:s29+s3], $0x10, $0x38;
	[tilespmem:$0x11280] =	vst v63  }
0x38d: {  	s24 =	sadd.s32 s26, s24  }
0x38e: {  	[tilespmem:s24], [sflag:$0x1] =	stream.linear.gather [hbm4b:s25+s3], $0x10, $0x38;
	[tilespmem:$0x11280] =	vst v63  }
0x38f: {  	s29 =	sadd.s32 $0x10, s25;
	s28 =	sadd.s32 $0x80, s24  }
0x390: {  	[tilespmem:s28], [sflag:$0x1] =	stream.linear.gather [hbm4b:s29+s3], $0x10, $0x38;
	[tilespmem:$0x11280] =	vst v63  }
0x391: {  	s30 =	sadd.s32 $0x20, s25;
	s31 =	sadd.s32 $0x100, s24  }
0x392: {  	[tilespmem:s31], [sflag:$0x1] =	stream.linear.gather [hbm4b:s30+s3], $0x10, $0x38;
	[tilespmem:$0x11280] =	vst v63  }
0x393: {  	s29 =	sadd.s32 $0x30, s25;
	s30 =	sadd.s32 $0x180, s24  }
0x394: {  	[tilespmem:s30], [sflag:$0x1] =	stream.linear.gather [hbm4b:s29+s3], $0x10, $0x38;
	[tilespmem:$0x11280] =	vst v63  }
0x395: {  	s31 =	sadd.s32 $0x40, s25;
	s29 =	sadd.s32 $0x200, s24  }
0x396: {  	[tilespmem:s29], [sflag:$0x1] =	stream.linear.gather [hbm4b:s31+s3], $0x10, $0x38;
	[tilespmem:$0x11280] =	vst v63  }
0x397: {  	s30 =	sadd.s32 $0x50, s25;
	s31 =	sadd.s32 $0x280, s24  }
0x398: {  	[tilespmem:s31], [sflag:$0x1] =	stream.linear.gather [hbm4b:s30+s3], $0x10, $0x38;
	[tilespmem:$0x11280] =	vst v63  }
.Ltmp50:
0x399: {  	_ = 	snop;
	(pc) =	sbr.rel .LBB2_69-.Ltmp50, $4  }
0x39a: {  	s29 =	sadd.s32 $0x60, s25;
	s30 =	sadd.s32 $0x300, s24  }
0x39b: {  	[tilespmem:s30], [sflag:$0x1] =	stream.linear.gather [hbm4b:s29+s3], $0x10, $0x38;
	[tilespmem:$0x11280] =	vst v63  }
0x39c: {  	s31 =	sadd.s32 $0x70, s25;
	s24 =	sadd.s32 $0x380, s24  }
0x39d: {  	[tilespmem:s24], [sflag:$0x1] =	stream.linear.gather [hbm4b:s31+s3], $0x10, $0x38;
	[tilespmem:$0x11280] =	vst v63  }
.LBB2_59:
0x39e: {  	s25 =	sadd.s32 $0xA, s25;
	s30 =	sadd.s32 $0x0, s24  }
0x39f: {  	[tilespmem:s30], [sflag:$0x1] =	stream.linear.gather [hbm4b:s25+s3], $0x10, $0x38;
	[tilespmem:$0x11280] =	vst v63  }
0x3a0: {  	s26 =	sadd.s32 $0x10, s25;
	s28 =	sadd.s32 $0x80, s30  }
0x3a1: {  	[tilespmem:s28], [sflag:$0x1] =	stream.linear.gather [hbm4b:s26+s3], $0x10, $0x38;
	[tilespmem:$0x11280] =	vst v63  }
0x3a2: {  	s31 =	sadd.s32 $0x20, s25;
	s28 =	sadd.s32 $0x100, s30  }
0x3a3: {  	[tilespmem:s28], [sflag:$0x1] =	stream.linear.gather [hbm4b:s31+s3], $0x10, $0x38;
	[tilespmem:$0x11280] =	vst v63  }
0x3a4: {  	s31 =	sadd.s32 $0x30, s25;
	s28 =	sadd.s32 $0x180, s30  }
0x3a5: {  	[tilespmem:s28], [sflag:$0x1] =	stream.linear.gather [hbm4b:s31+s3], $0x10, $0x38;
	[tilespmem:$0x11280] =	vst v63  }
0x3a6: {  	s31 =	sadd.s32 $0x40, s25;
	s28 =	sadd.s32 $0x200, s30  }
0x3a7: {  	[tilespmem:s28], [sflag:$0x1] =	stream.linear.gather [hbm4b:s31+s3], $0x10, $0x38;
	[tilespmem:$0x11280] =	vst v63  }
0x3a8: {  	s29 =	sadd.s32 $0x70, s25;
	s31 =	sadd.s32 $0x50, s25;
	s28 =	sadd.s32 $0x280, s30  }
0x3a9: {  	[tilespmem:s28], [sflag:$0x1] =	stream.linear.gather [hbm4b:s31+s3], $0x10, $0x38;
	[tilespmem:$0x11280] =	vst v63  }
0x3aa: {  	s26 =	simm.s32 $0x4000;
	s31 =	sadd.s32 $0x60, s25;
	s28 =	sadd.s32 $0x300, s30  }
0x3ab: {  	[tilespmem:s28], [sflag:$0x1] =	stream.linear.gather [hbm4b:s31+s3], $0x10, $0x38;
	[tilespmem:$0x11280] =	vst v63  }
0x3ac: {  	s30 =	sadd.s32 $0x380, s30;
	s25 =	sadd.s32 $0xF4280, s25;
	s28 =	simm.s32 $0x20000  }
.LBB2_60:
0x3ad: {  	[tilespmem:s30], [sflag:$0x1] =	stream.linear.gather [hbm4b:s29+s3], $0x10, $0x38;
	[tilespmem:$0x11280] =	vst v63  }
0x3ae: {  	s29 =	smov.u32 s28  }
0x3af: {  	s31 =	sadd.s32 $0x10000, s28;
	s30 =	sadd.s32 s26, s24;
	s26 =	sshra.s32 s29, $0x2  }
0x3b0: {  	[tilespmem:s30], [sflag:$0x1] =	stream.linear.gather [hbm4b:s25+s3], $0x10, $0x38;
	[tilespmem:$0x11280] =	vst v63  }
0x3b1: {  	p0 =	seq.s32 s28, $0x30000;
	s28 =	sadd.s32 $0x10, s25;
	s29 =	sadd.s32 $0x80, s30  }
0x3b2: {  	[tilespmem:s29], [sflag:$0x1] =	stream.linear.gather [hbm4b:s28+s3], $0x10, $0x38;
	[tilespmem:$0x11280] =	vst v63  }
0x3b3: {  	s28 =	sadd.s32 $0x20, s25;
	s29 =	sadd.s32 $0x100, s30  }
0x3b4: {  	[tilespmem:s29], [sflag:$0x1] =	stream.linear.gather [hbm4b:s28+s3], $0x10, $0x38;
	[tilespmem:$0x11280] =	vst v63  }
0x3b5: {  	s28 =	sadd.s32 $0x30, s25;
	s29 =	sadd.s32 $0x180, s30  }
0x3b6: {  	[tilespmem:s29], [sflag:$0x1] =	stream.linear.gather [hbm4b:s28+s3], $0x10, $0x38;
	[tilespmem:$0x11280] =	vst v63  }
0x3b7: {  	s28 =	sadd.s32 $0x40, s25;
	s29 =	sadd.s32 $0x200, s30  }
0x3b8: {  	[tilespmem:s29], [sflag:$0x1] =	stream.linear.gather [hbm4b:s28+s3], $0x10, $0x38;
	[tilespmem:$0x11280] =	vst v63  }
.Ltmp51:
0x3b9: {  	s28 =	sadd.s32 $0x50, s25;
	s29 =	sadd.s32 $0x280, s30;
	(pc) =	sbr.rel @!p0 .LBB2_60-.Ltmp51, $4  }
0x3ba: {  	[tilespmem:s29], [sflag:$0x1] =	stream.linear.gather [hbm4b:s28+s3], $0x10, $0x38;
	[tilespmem:$0x11280] =	vst v63  }
0x3bb: {  	s28 =	sadd.s32 $0x60, s25;
	s29 =	sadd.s32 $0x300, s30;
	s30 =	sadd.s32 $0x380, s30  }
0x3bc: {  	[tilespmem:s29], [sflag:$0x1] =	stream.linear.gather [hbm4b:s28+s3], $0x10, $0x38;
	[tilespmem:$0x11280] =	vst v63  }
0x3bd: {  	s29 =	sadd.s32 $0x70, s25;
	s25 =	sadd.s32 $0xF4280, s25;
	s28 =	smov.u32 s31  }
0x3be: {  	[tilespmem:s30], [sflag:$0x1] =	stream.linear.gather [hbm4b:s29+s3], $0x10, $0x38;
	[tilespmem:$0x11280] =	vst v63  }
0x3bf: {  	s24 =	sadd.s32 s26, s24  }
0x3c0: {  	[tilespmem:s24], [sflag:$0x1] =	stream.linear.gather [hbm4b:s25+s3], $0x10, $0x38;
	[tilespmem:$0x11280] =	vst v63  }
0x3c1: {  	s29 =	sadd.s32 $0x10, s25;
	s28 =	sadd.s32 $0x80, s24  }
0x3c2: {  	[tilespmem:s28], [sflag:$0x1] =	stream.linear.gather [hbm4b:s29+s3], $0x10, $0x38;
	[tilespmem:$0x11280] =	vst v63  }
0x3c3: {  	s30 =	sadd.s32 $0x20, s25;
	s31 =	sadd.s32 $0x100, s24  }
0x3c4: {  	[tilespmem:s31], [sflag:$0x1] =	stream.linear.gather [hbm4b:s30+s3], $0x10, $0x38;
	[tilespmem:$0x11280] =	vst v63  }
0x3c5: {  	s29 =	sadd.s32 $0x30, s25;
	s30 =	sadd.s32 $0x180, s24  }
0x3c6: {  	[tilespmem:s30], [sflag:$0x1] =	stream.linear.gather [hbm4b:s29+s3], $0x10, $0x38;
	[tilespmem:$0x11280] =	vst v63  }
0x3c7: {  	s31 =	sadd.s32 $0x40, s25;
	s29 =	sadd.s32 $0x200, s24  }
0x3c8: {  	[tilespmem:s29], [sflag:$0x1] =	stream.linear.gather [hbm4b:s31+s3], $0x10, $0x38;
	[tilespmem:$0x11280] =	vst v63  }
0x3c9: {  	s30 =	sadd.s32 $0x50, s25;
	s31 =	sadd.s32 $0x280, s24  }
0x3ca: {  	[tilespmem:s31], [sflag:$0x1] =	stream.linear.gather [hbm4b:s30+s3], $0x10, $0x38;
	[tilespmem:$0x11280] =	vst v63  }
.Ltmp52:
0x3cb: {  	_ = 	snop;
	(pc) =	sbr.rel .LBB2_69-.Ltmp52, $4  }
0x3cc: {  	s29 =	sadd.s32 $0x60, s25;
	s30 =	sadd.s32 $0x300, s24  }
0x3cd: {  	[tilespmem:s30], [sflag:$0x1] =	stream.linear.gather [hbm4b:s29+s3], $0x10, $0x38;
	[tilespmem:$0x11280] =	vst v63  }
0x3ce: {  	s31 =	sadd.s32 $0x70, s25;
	s24 =	sadd.s32 $0x380, s24  }
0x3cf: {  	[tilespmem:s24], [sflag:$0x1] =	stream.linear.gather [hbm4b:s31+s3], $0x10, $0x38;
	[tilespmem:$0x11280] =	vst v63  }
.LBB2_51:
0x3d0: {  	s25 =	sadd.s32 $0x6, s25;
	s30 =	sadd.s32 $0x0, s24  }
0x3d1: {  	[tilespmem:s30], [sflag:$0x1] =	stream.linear.gather [hbm4b:s25+s3], $0x10, $0x38;
	[tilespmem:$0x11280] =	vst v63  }
0x3d2: {  	s26 =	sadd.s32 $0x10, s25;
	s28 =	sadd.s32 $0x80, s30  }
0x3d3: {  	[tilespmem:s28], [sflag:$0x1] =	stream.linear.gather [hbm4b:s26+s3], $0x10, $0x38;
	[tilespmem:$0x11280] =	vst v63  }
0x3d4: {  	s31 =	sadd.s32 $0x20, s25;
	s28 =	sadd.s32 $0x100, s30  }
0x3d5: {  	[tilespmem:s28], [sflag:$0x1] =	stream.linear.gather [hbm4b:s31+s3], $0x10, $0x38;
	[tilespmem:$0x11280] =	vst v63  }
0x3d6: {  	s31 =	sadd.s32 $0x30, s25;
	s28 =	sadd.s32 $0x180, s30  }
0x3d7: {  	[tilespmem:s28], [sflag:$0x1] =	stream.linear.gather [hbm4b:s31+s3], $0x10, $0x38;
	[tilespmem:$0x11280] =	vst v63  }
0x3d8: {  	s31 =	sadd.s32 $0x40, s25;
	s28 =	sadd.s32 $0x200, s30  }
0x3d9: {  	[tilespmem:s28], [sflag:$0x1] =	stream.linear.gather [hbm4b:s31+s3], $0x10, $0x38;
	[tilespmem:$0x11280] =	vst v63  }
0x3da: {  	s29 =	sadd.s32 $0x70, s25;
	s31 =	sadd.s32 $0x50, s25;
	s28 =	sadd.s32 $0x280, s30  }
0x3db: {  	[tilespmem:s28], [sflag:$0x1] =	stream.linear.gather [hbm4b:s31+s3], $0x10, $0x38;
	[tilespmem:$0x11280] =	vst v63  }
0x3dc: {  	s26 =	simm.s32 $0x4000;
	s31 =	sadd.s32 $0x60, s25;
	s28 =	sadd.s32 $0x300, s30  }
0x3dd: {  	[tilespmem:s28], [sflag:$0x1] =	stream.linear.gather [hbm4b:s31+s3], $0x10, $0x38;
	[tilespmem:$0x11280] =	vst v63  }
0x3de: {  	s30 =	sadd.s32 $0x380, s30;
	s25 =	sadd.s32 $0xF4280, s25;
	s28 =	simm.s32 $0x20000  }
.LBB2_52:
0x3df: {  	[tilespmem:s30], [sflag:$0x1] =	stream.linear.gather [hbm4b:s29+s3], $0x10, $0x38;
	[tilespmem:$0x11280] =	vst v63  }
0x3e0: {  	s29 =	smov.u32 s28  }
0x3e1: {  	s31 =	sadd.s32 $0x10000, s28;
	s30 =	sadd.s32 s26, s24;
	s26 =	sshra.s32 s29, $0x2  }
0x3e2: {  	[tilespmem:s30], [sflag:$0x1] =	stream.linear.gather [hbm4b:s25+s3], $0x10, $0x38;
	[tilespmem:$0x11280] =	vst v63  }
0x3e3: {  	p0 =	seq.s32 s28, $0x30000;
	s28 =	sadd.s32 $0x10, s25;
	s29 =	sadd.s32 $0x80, s30  }
0x3e4: {  	[tilespmem:s29], [sflag:$0x1] =	stream.linear.gather [hbm4b:s28+s3], $0x10, $0x38;
	[tilespmem:$0x11280] =	vst v63  }
0x3e5: {  	s28 =	sadd.s32 $0x20, s25;
	s29 =	sadd.s32 $0x100, s30  }
0x3e6: {  	[tilespmem:s29], [sflag:$0x1] =	stream.linear.gather [hbm4b:s28+s3], $0x10, $0x38;
	[tilespmem:$0x11280] =	vst v63  }
0x3e7: {  	s28 =	sadd.s32 $0x30, s25;
	s29 =	sadd.s32 $0x180, s30  }
0x3e8: {  	[tilespmem:s29], [sflag:$0x1] =	stream.linear.gather [hbm4b:s28+s3], $0x10, $0x38;
	[tilespmem:$0x11280] =	vst v63  }
0x3e9: {  	s28 =	sadd.s32 $0x40, s25;
	s29 =	sadd.s32 $0x200, s30  }
0x3ea: {  	[tilespmem:s29], [sflag:$0x1] =	stream.linear.gather [hbm4b:s28+s3], $0x10, $0x38;
	[tilespmem:$0x11280] =	vst v63  }
.Ltmp53:
0x3eb: {  	s28 =	sadd.s32 $0x50, s25;
	s29 =	sadd.s32 $0x280, s30;
	(pc) =	sbr.rel @!p0 .LBB2_52-.Ltmp53, $4  }
0x3ec: {  	[tilespmem:s29], [sflag:$0x1] =	stream.linear.gather [hbm4b:s28+s3], $0x10, $0x38;
	[tilespmem:$0x11280] =	vst v63  }
0x3ed: {  	s28 =	sadd.s32 $0x60, s25;
	s29 =	sadd.s32 $0x300, s30;
	s30 =	sadd.s32 $0x380, s30  }
0x3ee: {  	[tilespmem:s29], [sflag:$0x1] =	stream.linear.gather [hbm4b:s28+s3], $0x10, $0x38;
	[tilespmem:$0x11280] =	vst v63  }
0x3ef: {  	s29 =	sadd.s32 $0x70, s25;
	s25 =	sadd.s32 $0xF4280, s25;
	s28 =	smov.u32 s31  }
0x3f0: {  	[tilespmem:s30], [sflag:$0x1] =	stream.linear.gather [hbm4b:s29+s3], $0x10, $0x38;
	[tilespmem:$0x11280] =	vst v63  }
0x3f1: {  	s24 =	sadd.s32 s26, s24  }
0x3f2: {  	[tilespmem:s24], [sflag:$0x1] =	stream.linear.gather [hbm4b:s25+s3], $0x10, $0x38;
	[tilespmem:$0x11280] =	vst v63  }
0x3f3: {  	s29 =	sadd.s32 $0x10, s25;
	s28 =	sadd.s32 $0x80, s24  }
0x3f4: {  	[tilespmem:s28], [sflag:$0x1] =	stream.linear.gather [hbm4b:s29+s3], $0x10, $0x38;
	[tilespmem:$0x11280] =	vst v63  }
0x3f5: {  	s30 =	sadd.s32 $0x20, s25;
	s31 =	sadd.s32 $0x100, s24  }
0x3f6: {  	[tilespmem:s31], [sflag:$0x1] =	stream.linear.gather [hbm4b:s30+s3], $0x10, $0x38;
	[tilespmem:$0x11280] =	vst v63  }
0x3f7: {  	s29 =	sadd.s32 $0x30, s25;
	s30 =	sadd.s32 $0x180, s24  }
0x3f8: {  	[tilespmem:s30], [sflag:$0x1] =	stream.linear.gather [hbm4b:s29+s3], $0x10, $0x38;
	[tilespmem:$0x11280] =	vst v63  }
0x3f9: {  	s31 =	sadd.s32 $0x40, s25;
	s29 =	sadd.s32 $0x200, s24  }
0x3fa: {  	[tilespmem:s29], [sflag:$0x1] =	stream.linear.gather [hbm4b:s31+s3], $0x10, $0x38;
	[tilespmem:$0x11280] =	vst v63  }
0x3fb: {  	s30 =	sadd.s32 $0x50, s25;
	s31 =	sadd.s32 $0x280, s24  }
0x3fc: {  	[tilespmem:s31], [sflag:$0x1] =	stream.linear.gather [hbm4b:s30+s3], $0x10, $0x38;
	[tilespmem:$0x11280] =	vst v63  }
.Ltmp54:
0x3fd: {  	_ = 	snop;
	(pc) =	sbr.rel .LBB2_69-.Ltmp54, $4  }
0x3fe: {  	s29 =	sadd.s32 $0x60, s25;
	s30 =	sadd.s32 $0x300, s24  }
0x3ff: {  	[tilespmem:s30], [sflag:$0x1] =	stream.linear.gather [hbm4b:s29+s3], $0x10, $0x38;
	[tilespmem:$0x11280] =	vst v63  }
0x400: {  	s31 =	sadd.s32 $0x70, s25;
	s24 =	sadd.s32 $0x380, s24  }
0x401: {  	[tilespmem:s24], [sflag:$0x1] =	stream.linear.gather [hbm4b:s31+s3], $0x10, $0x38;
	[tilespmem:$0x11280] =	vst v63  }
.LBB2_66:
0x402: {  	s25 =	sadd.s32 $0xE, s25;
	s30 =	sadd.s32 $0x0, s24  }
0x403: {  	[tilespmem:s30], [sflag:$0x1] =	stream.linear.gather [hbm4b:s25+s3], $0x10, $0x38;
	[tilespmem:$0x11280] =	vst v63  }
0x404: {  	s26 =	sadd.s32 $0x10, s25;
	s28 =	sadd.s32 $0x80, s30  }
0x405: {  	[tilespmem:s28], [sflag:$0x1] =	stream.linear.gather [hbm4b:s26+s3], $0x10, $0x38;
	[tilespmem:$0x11280] =	vst v63  }
0x406: {  	s31 =	sadd.s32 $0x20, s25;
	s28 =	sadd.s32 $0x100, s30  }
0x407: {  	[tilespmem:s28], [sflag:$0x1] =	stream.linear.gather [hbm4b:s31+s3], $0x10, $0x38;
	[tilespmem:$0x11280] =	vst v63  }
0x408: {  	s31 =	sadd.s32 $0x30, s25;
	s28 =	sadd.s32 $0x180, s30  }
0x409: {  	[tilespmem:s28], [sflag:$0x1] =	stream.linear.gather [hbm4b:s31+s3], $0x10, $0x38;
	[tilespmem:$0x11280] =	vst v63  }
0x40a: {  	s31 =	sadd.s32 $0x40, s25;
	s28 =	sadd.s32 $0x200, s30  }
0x40b: {  	[tilespmem:s28], [sflag:$0x1] =	stream.linear.gather [hbm4b:s31+s3], $0x10, $0x38;
	[tilespmem:$0x11280] =	vst v63  }
0x40c: {  	s29 =	sadd.s32 $0x70, s25;
	s31 =	sadd.s32 $0x50, s25;
	s28 =	sadd.s32 $0x280, s30  }
0x40d: {  	[tilespmem:s28], [sflag:$0x1] =	stream.linear.gather [hbm4b:s31+s3], $0x10, $0x38;
	[tilespmem:$0x11280] =	vst v63  }
0x40e: {  	s26 =	simm.s32 $0x4000;
	s31 =	sadd.s32 $0x60, s25;
	s28 =	sadd.s32 $0x300, s30  }
0x40f: {  	[tilespmem:s28], [sflag:$0x1] =	stream.linear.gather [hbm4b:s31+s3], $0x10, $0x38;
	[tilespmem:$0x11280] =	vst v63  }
0x410: {  	s30 =	sadd.s32 $0x380, s30;
	s25 =	sadd.s32 $0xF4280, s25;
	s28 =	simm.s32 $0x20000  }
.LBB2_67:
0x411: {  	[tilespmem:s30], [sflag:$0x1] =	stream.linear.gather [hbm4b:s29+s3], $0x10, $0x38;
	[tilespmem:$0x11280] =	vst v63  }
0x412: {  	s29 =	smov.u32 s28  }
0x413: {  	s31 =	sadd.s32 $0x10000, s28;
	s30 =	sadd.s32 s26, s24;
	s26 =	sshra.s32 s29, $0x2  }
0x414: {  	[tilespmem:s30], [sflag:$0x1] =	stream.linear.gather [hbm4b:s25+s3], $0x10, $0x38;
	[tilespmem:$0x11280] =	vst v63  }
0x415: {  	p0 =	sne.s32 s28, $0x30000;
	s28 =	sadd.s32 $0x10, s25;
	s29 =	sadd.s32 $0x80, s30  }
0x416: {  	[tilespmem:s29], [sflag:$0x1] =	stream.linear.gather [hbm4b:s28+s3], $0x10, $0x38;
	[tilespmem:$0x11280] =	vst v63  }
0x417: {  	s28 =	sadd.s32 $0x20, s25;
	s29 =	sadd.s32 $0x100, s30  }
0x418: {  	[tilespmem:s29], [sflag:$0x1] =	stream.linear.gather [hbm4b:s28+s3], $0x10, $0x38;
	[tilespmem:$0x11280] =	vst v63  }
0x419: {  	s28 =	sadd.s32 $0x30, s25;
	s29 =	sadd.s32 $0x180, s30  }
0x41a: {  	[tilespmem:s29], [sflag:$0x1] =	stream.linear.gather [hbm4b:s28+s3], $0x10, $0x38;
	[tilespmem:$0x11280] =	vst v63  }
0x41b: {  	s28 =	sadd.s32 $0x40, s25;
	s29 =	sadd.s32 $0x200, s30  }
0x41c: {  	[tilespmem:s29], [sflag:$0x1] =	stream.linear.gather [hbm4b:s28+s3], $0x10, $0x38;
	[tilespmem:$0x11280] =	vst v63  }
.Ltmp55:
0x41d: {  	s28 =	sadd.s32 $0x50, s25;
	s29 =	sadd.s32 $0x280, s30;
	(pc) =	sbr.rel @p0 .LBB2_67-.Ltmp55, $4  }
0x41e: {  	[tilespmem:s29], [sflag:$0x1] =	stream.linear.gather [hbm4b:s28+s3], $0x10, $0x38;
	[tilespmem:$0x11280] =	vst v63  }
0x41f: {  	s28 =	sadd.s32 $0x60, s25;
	s29 =	sadd.s32 $0x300, s30;
	s30 =	sadd.s32 $0x380, s30  }
0x420: {  	[tilespmem:s29], [sflag:$0x1] =	stream.linear.gather [hbm4b:s28+s3], $0x10, $0x38;
	[tilespmem:$0x11280] =	vst v63  }
0x421: {  	s29 =	sadd.s32 $0x70, s25;
	s25 =	sadd.s32 $0xF4280, s25;
	s28 =	smov.u32 s31  }
.Ltmp56:
0x422: {  	_ = 	snop;
	(pc) =	sbr.rel .LBB2_68-.Ltmp56, $1  }
0x423: {  	_ =	sdelay $0x3  }
.LBB2_73:
0x424: {  	_ =	sfence.sel $0x180000  }
0x425: {  	[bflag:$0x0] =	sbarrier.arrive $0xFFFF  }
0x426: {  	p0 =	sne.s32 s1, $0x0;
	_ =	strace $0x90000047  }
0x427: {  	s0 =	sadd.s32 @!p0 $0x100000, s2;
	[bflag:$0x2] =	sbarrier.arrive $0xFFFF  }
0x428: {  	[sflag:s0] =	ssyncadd.tile.s32 @!p0 $0x1;
	_ =	shalt  }
.Lfunc_end2:
_tile_overlayer_lowered:
.L_overlay_start_2:
0x429: {  	(tag) =	ssettag $0x2  }
0x42a: {  	s0 =	rddreg [dreg:$0x0];
	s2 =	stileid.u32  }
0x42b: {  	s1 =	rddreg [dreg:$0x1];
	p0 =	sne.s32 s2, $0x0  }
0x42c: {  	s3 =	rddreg [dreg:$0x2];
	[bflag:$0x3] =	sbarrier.arrive $0xFFFF;
	s2 =	simm.s32 @!p0 $0x1C02  }
0x42d: {  	[timem:s3], [sflag:s2] =	dma.local @!p0 [hbm:s0], s1  }
0x42e: {  	s0 =	simm.s32 @!p0 $0x2  }
0x42f: {  	_ =	swait.ge @!p0 [sflag:s0], s1  }
0x430: {  	s1 =	ssub.s32 @!p0 $0x0, s1;
	[sflag:s0] =	ssyncset.done @!p0 $0x0  }
0x431: {  	[sflag:s0] =	ssyncadd.s32 @!p0 s1  }
0x432: {  	[bflag:$0x3] =	sbarrier.arrive $0xFFFF  }
0x433: {  	_ =	shalt  }

</sc_bundles>
